<compile_context>
chip_gen: v7x
topology: tpu7x:2x2x1
jax: 0.10.2.dev20260603
libtpu: 0.0.44.dev20260713+nightly
codegen_flags: <defaults>
</compile_context>

<pallas_src>
import functools

import jax
import jax.numpy as jnp
from jax import lax
from jax.experimental import pallas as pl
from jax.experimental.pallas import tpu as pltpu
from jax.experimental.pallas import tpu_sc as plsc

N_NODES = 10000
N_EDGES = 320000
FEATS = 128

NC = 2
NS = 16
NW = NC * NS

CHUNK = 64
CPW = 160
EDGES_PER_W = CPW * CHUNK
E_PAD = EDGES_PER_W * NW
NBUF = 4

NP = 10240
ROWS_PER_TILE = NP // NS

_mesh = plsc.VectorSubcoreMesh(core_axis_name="c", subcore_axis_name="s")


@functools.partial(
    pl.kernel,
    out_type=[
        jax.ShapeDtypeStruct((NC, NP, FEATS), jnp.float32),
        jax.ShapeDtypeStruct((NC * NP,), jnp.float32),
    ],
    mesh=_mesh,
    scratch_types=[
        pltpu.VMEM((CPW // 4, CHUNK), jnp.int32),
        pltpu.VMEM((CPW // 4, CHUNK), jnp.int32),
        pltpu.VMEM((CHUNK, FEATS), jnp.float32),
        pltpu.VMEM((CHUNK, FEATS), jnp.float32),
        pltpu.VMEM((CHUNK, FEATS), jnp.float32),
        pltpu.VMEM((CHUNK, FEATS), jnp.float32),
        pltpu.VMEM((CHUNK,), jnp.float32),
        pltpu.VMEM((ROWS_PER_TILE,), jnp.float32),
        pltpu.SemaphoreType.DMA,
        pltpu.SemaphoreType.DMA,
        pltpu.SemaphoreType.DMA,
        pltpu.SemaphoreType.DMA,
        pltpu.SemaphoreType.DMA,
        pltpu.VMEM_SHARED((NP, FEATS), jnp.float32),
        pltpu.VMEM_SHARED((NP,), jnp.float32),
    ],
)
def _sc_aggregate(x_hbm, edges_hbm,
                  sum_out, deg_out,
                  idxc, idxr, buf0, buf1, buf2, buf3, onesv, degv,
                  sem0, sem1, sem2, sem3, semd,
                  accum_sh, deg_sh):
    bufs = (buf0, buf1, buf2, buf3)
    sems = (sem0, sem1, sem2, sem3)
    c = lax.axis_index("c")
    s = lax.axis_index("s")
    wid = s * NC + c
    r0 = s * ROWS_PER_TILE

    def _zero_buf(i, carry):
        for j in range(8):
            buf0[i, pl.ds(j * 16, 16)] = jnp.zeros((16,), jnp.float32)
        return carry
    lax.fori_loop(0, CHUNK, _zero_buf, 0)
    for j in range(ROWS_PER_TILE // CHUNK):
        pltpu.sync_copy(buf0, accum_sh.at[pl.ds(r0 + j * CHUNK, CHUNK)])

    def _zero_deg(i, carry):
        degv[pl.ds(i * 16, 16)] = jnp.zeros((16,), jnp.float32)
        return carry
    lax.fori_loop(0, ROWS_PER_TILE // 16, _zero_deg, 0)
    pltpu.sync_copy(degv, deg_sh.at[pl.ds(r0, ROWS_PER_TILE)])

    def _fill_ones(t, carry):
        onesv[pl.ds(t * 16, 16)] = jnp.ones((16,), jnp.float32)
        return carry
    lax.fori_loop(0, CHUNK // 16, _fill_ones, 0)

    plsc.subcore_barrier()

    HC = CPW // 4
    for h in range(4):
        pltpu.sync_copy(edges_hbm.at[1, wid, pl.ds(h * HC, HC)], idxc)
        pltpu.sync_copy(edges_hbm.at[0, wid, pl.ds(h * HC, HC)], idxr)
        for j in range(NBUF - 1):
            pltpu.async_copy(x_hbm.at[idxc.at[j]], bufs[j], sems[j])

        def _edge_group(g, carry):
            for j in range(NBUF):
                k = g * NBUF + j
                kn = k + NBUF - 1
                jn = (j + NBUF - 1) % NBUF
                pltpu.make_async_copy(x_hbm.at[idxc.at[k]],
                                      bufs[j], sems[j]).wait()

                @pl.when(kn < HC)
                def _issue():
                    pltpu.async_copy(x_hbm.at[idxc.at[kn]],
                                     bufs[jn], sems[jn])
                pltpu.sync_copy(bufs[j], accum_sh.at[idxr.at[k]], add=True)
                pltpu.async_copy(onesv, deg_sh.at[idxr.at[k]], semd, add=True)
            return carry
        lax.fori_loop(0, HC // NBUF, _edge_group, 0)

        def _drain_deg(k, carry):
            pltpu.make_async_copy(onesv, deg_sh.at[idxr.at[k]], semd).wait()
            return carry
        lax.fori_loop(0, HC, _drain_deg, 0)

    plsc.subcore_barrier()

    pltpu.sync_copy(accum_sh.at[pl.ds(r0, ROWS_PER_TILE)],
                    sum_out.at[c, pl.ds(r0, ROWS_PER_TILE)])
    pltpu.sync_copy(deg_sh.at[pl.ds(r0, ROWS_PER_TILE)], degv)
    pltpu.sync_copy(degv, deg_out.at[pl.ds(c * NP + r0, ROWS_PER_TILE)])


ROW_BLK = 2000
N_BLKS = N_NODES // ROW_BLK


def _tc_project(sp_ref, dp_ref, wt_ref, b_ref, o_ref):
    s = sp_ref[0] + sp_ref[1]
    d = dp_ref[0] + dp_ref[1]
    agg = s / jnp.maximum(d, 1.0)
    o_ref[...] = (
        jnp.dot(agg, wt_ref[...], preferred_element_type=jnp.float32)
        + b_ref[...]
    )


def kernel(x, edge_index, W, b):
    pad = E_PAD - N_EDGES
    pad_iota = jnp.arange(pad, dtype=jnp.int32)
    pads = jnp.stack([N_NODES + (pad_iota % (NP - N_NODES)),
                      pad_iota % N_NODES])
    edges = jnp.concatenate([edge_index.astype(jnp.int32), pads], axis=1)
    edges = edges.reshape(2, NW, CPW, CHUNK)

    sum_p, deg_p = _sc_aggregate(x, edges)

    out = pl.pallas_call(
        _tc_project,
        grid=(N_BLKS,),
        in_specs=[
            pl.BlockSpec((NC, ROW_BLK, FEATS), lambda i: (0, i, 0)),
            pl.BlockSpec((NC, ROW_BLK, 1), lambda i: (0, i, 0)),
            pl.BlockSpec((FEATS, FEATS), lambda i: (0, 0)),
            pl.BlockSpec((1, FEATS), lambda i: (0, 0)),
        ],
        out_specs=pl.BlockSpec((ROW_BLK, FEATS), lambda i: (i, 0)),
        out_shape=jax.ShapeDtypeStruct((N_NODES, FEATS), jnp.float32),
    )(sum_p, deg_p.reshape(NC, NP, 1), W.T, b.reshape(1, FEATS))
    return out

# --- scband reference (transcript-rebuilt; emitter-appended) ---
"""Pipeline reference for scband-graph-sagelayer-25915832664412 (READ-ONLY COPY).

The authoritative reference and input builder live on the scoring server;
editing this copy changes nothing except your own understanding.
"""

import jax, jax.numpy as jnp
import numpy as np

N_NODES = 10000
N_EDGES = 320000
IN_FEATS = 128
OUT_FEATS = 128

def setup_inputs(seed: int = 0) -> dict:
    key = jax.random.key(seed)
    k1, k2, k3, k4 = jax.random.split(key, 4)
    x = jax.random.normal(k1, (N_NODES, IN_FEATS), dtype=jnp.float32)
    edge_index = jax.random.randint(k2, (2, N_EDGES), 0, N_NODES, dtype=jnp.int64)
    # MeanAggregator learned parameters: linear layer in_feats -> out_feats
    W = jax.random.normal(k3, (OUT_FEATS, IN_FEATS), dtype=jnp.float32) * (1.0 / np.sqrt(IN_FEATS))
    b = jax.random.normal(k4, (OUT_FEATS,), dtype=jnp.float32) * 0.01
    return {"x": x, "edge_index": edge_index, "W": W, "b": b}

def reference(x, edge_index, W, b):
    # adj_sp = sparse_coo(edge_index, ones, (N, N)); aggr = MeanAggregator:
    # mean of neighbor features (row-normalized spmm) followed by linear proj.
    row = edge_index[0]
    col = edge_index[1]
    n = x.shape[0]
    ones = jnp.ones((edge_index.shape[1],), dtype=jnp.float32)
    deg = jax.ops.segment_sum(ones, row, num_segments=n)
    gathered = jnp.take(x, col, axis=0)
    summed = jax.ops.segment_sum(gathered, row, num_segments=n)
    agg = summed / jnp.clip(deg, 1.0, None)[:, None]
    out = agg @ W.T + b
    return out

if __name__ == "__main__":
    import jax
    _d = setup_inputs()
    print(jax.jit(kernel)(*tuple(_d.values())))

</pallas_src>

<mosaic_0001>
#map = affine_map<(d0, d1) -> (0, 0)>
#map1 = affine_map<(d0, d1) -> (0, 0, 0, 0)>
#map2 = affine_map<(d0, d1) -> (0, 0, 0)>
#map3 = affine_map<(d0, d1) -> (0)>
module attributes {stable_mosaic.version = 14 : i64} {
  func.func @_sc_aggregate(%arg0: i32, %arg1: i32, %arg2: memref<10000x128xf32, #tpu.memory_space<hbm>>, %arg3: memref<2x32x160x64xi32, #tpu.memory_space<hbm>>, %arg4: memref<2x10240x128xf32, #tpu.memory_space<hbm>>, %arg5: memref<20480xf32, #tpu.memory_space<hbm>>, %arg6: memref<40x64xi32, #tpu.memory_space<vmem>>, %arg7: memref<40x64xi32, #tpu.memory_space<vmem>>, %arg8: memref<64x128xf32, #tpu.memory_space<vmem>>, %arg9: memref<64x128xf32, #tpu.memory_space<vmem>>, %arg10: memref<64x128xf32, #tpu.memory_space<vmem>>, %arg11: memref<64x128xf32, #tpu.memory_space<vmem>>, %arg12: memref<64xf32, #tpu.memory_space<vmem>>, %arg13: memref<640xf32, #tpu.memory_space<vmem>>, %arg14: memref<!tpu.dma_semaphore, #tpu.memory_space<semaphore_mem>>, %arg15: memref<!tpu.dma_semaphore, #tpu.memory_space<semaphore_mem>>, %arg16: memref<!tpu.dma_semaphore, #tpu.memory_space<semaphore_mem>>, %arg17: memref<!tpu.dma_semaphore, #tpu.memory_space<semaphore_mem>>, %arg18: memref<!tpu.dma_semaphore, #tpu.memory_space<semaphore_mem>>, %arg19: memref<10240x128xf32, #tpu.memory_space<vmem_shared>>, %arg20: memref<10240xf32, #tpu.memory_space<vmem_shared>>) attributes {dimension_semantics = [#tpu.dimension_semantics<core_parallel>, #tpu.dimension_semantics<subcore_parallel>], iteration_bounds = array<i64: 2, 16>, scalar_prefetch = 0 : i64, scratch_operands = 15 : i64, tpu.core_type = #tpu.core_type<sc_vector_subcore>, window_params = [{transform_indices = #map}, {transform_indices = #map1}, {transform_indices = #map2}, {transform_indices = #map3}]} {
    %mul3A = arith.constant 2 : i32
    %mul3A_0 = arith.muli %arg1, %mul3A : i32
    %add3A = arith.addi %mul3A_0, %arg0 : i32
    %mul3A_1 = arith.constant 640 : i32
    %mul3A_2 = arith.muli %arg1, %mul3A_1 : i32
    %scan3A = arith.constant 0 : i32
    %scan3A_3 = arith.constant 0 : i32
    %scan3A_4 = arith.constant 64 : i32
    %scan3A_5 = arith.addi %scan3A_3, %scan3A_4 : i32
    %scan3A_6 = arith.constant 1 : i32
    scf.for %scan3A_182 = %scan3A_3 to %scan3A_5 step %scan3A_6  : i32 {
      %broadcast_in_dim3A = arith.constant 0.000000e+00 : f32
      %broadcast_in_dim3A_183 = vector.broadcast %broadcast_in_dim3A : f32 to vector<16xf32>
      %swap3A = arith.index_cast %scan3A_182 : i32 to index
      %swap3A_184 = arith.constant 0 : index
      %swap3A_185 = tpu.vector_load %arg8[%swap3A, %swap3A_184] {strides = array<i32>} : memref<64x128xf32, #tpu.memory_space<vmem>>, vector<1x16xf32>,
      %swap3A_186 = vector.shape_cast %swap3A_185 : vector<1x16xf32> to vector<16xf32>
      %swap3A_187 = vector.shape_cast %broadcast_in_dim3A_183 : vector<16xf32> to vector<1x16xf32>
      tpu.vector_store %arg8[%swap3A, %swap3A_184], %swap3A_187 {strides = array<i32>} : memref<64x128xf32, #tpu.memory_space<vmem>>, vector<1x16xf32>,
      %broadcast_in_dim3A_188 = arith.constant 0.000000e+00 : f32
      %broadcast_in_dim3A_189 = vector.broadcast %broadcast_in_dim3A_188 : f32 to vector<16xf32>
      %swap3A_190 = arith.index_cast %scan3A_182 : i32 to index
      %swap3A_191 = arith.constant 16 : index
      %swap3A_192 = tpu.vector_load %arg8[%swap3A_190, %swap3A_191] {strides = array<i32>} : memref<64x128xf32, #tpu.memory_space<vmem>>, vector<1x16xf32>,
      %swap3A_193 = vector.shape_cast %swap3A_192 : vector<1x16xf32> to vector<16xf32>
      %swap3A_194 = vector.shape_cast %broadcast_in_dim3A_189 : vector<16xf32> to vector<1x16xf32>
      tpu.vector_store %arg8[%swap3A_190, %swap3A_191], %swap3A_194 {strides = array<i32>} : memref<64x128xf32, #tpu.memory_space<vmem>>, vector<1x16xf32>,
      %broadcast_in_dim3A_195 = arith.constant 0.000000e+00 : f32
      %broadcast_in_dim3A_196 = vector.broadcast %broadcast_in_dim3A_195 : f32 to vector<16xf32>
      %swap3A_197 = arith.index_cast %scan3A_182 : i32 to index
      %swap3A_198 = arith.constant 32 : index
      %swap3A_199 = tpu.vector_load %arg8[%swap3A_197, %swap3A_198] {strides = array<i32>} : memref<64x128xf32, #tpu.memory_space<vmem>>, vector<1x16xf32>,
      %swap3A_200 = vector.shape_cast %swap3A_199 : vector<1x16xf32> to vector<16xf32>
      %swap3A_201 = vector.shape_cast %broadcast_in_dim3A_196 : vector<16xf32> to vector<1x16xf32>
      tpu.vector_store %arg8[%swap3A_197, %swap3A_198], %swap3A_201 {strides = array<i32>} : memref<64x128xf32, #tpu.memory_space<vmem>>, vector<1x16xf32>,
      %broadcast_in_dim3A_202 = arith.constant 0.000000e+00 : f32
      %broadcast_in_dim3A_203 = vector.broadcast %broadcast_in_dim3A_202 : f32 to vector<16xf32>
      %swap3A_204 = arith.index_cast %scan3A_182 : i32 to index
      %swap3A_205 = arith.constant 48 : index
      %swap3A_206 = tpu.vector_load %arg8[%swap3A_204, %swap3A_205] {strides = array<i32>} : memref<64x128xf32, #tpu.memory_space<vmem>>, vector<1x16xf32>,
      %swap3A_207 = vector.shape_cast %swap3A_206 : vector<1x16xf32> to vector<16xf32>
      %swap3A_208 = vector.shape_cast %broadcast_in_dim3A_203 : vector<16xf32> to vector<1x16xf32>
      tpu.vector_store %arg8[%swap3A_204, %swap3A_205], %swap3A_208 {strides = array<i32>} : memref<64x128xf32, #tpu.memory_space<vmem>>, vector<1x16xf32>,
      %broadcast_in_dim3A_209 = arith.constant 0.000000e+00 : f32
      %broadcast_in_dim3A_210 = vector.broadcast %broadcast_in_dim3A_209 : f32 to vector<16xf32>
      %swap3A_211 = arith.index_cast %scan3A_182 : i32 to index
      %swap3A_212 = arith.constant 64 : index
      %swap3A_213 = tpu.vector_load %arg8[%swap3A_211, %swap3A_212] {strides = array<i32>} : memref<64x128xf32, #tpu.memory_space<vmem>>, vector<1x16xf32>,
      %swap3A_214 = vector.shape_cast %swap3A_213 : vector<1x16xf32> to vector<16xf32>
      %swap3A_215 = vector.shape_cast %broadcast_in_dim3A_210 : vector<16xf32> to vector<1x16xf32>
      tpu.vector_store %arg8[%swap3A_211, %swap3A_212], %swap3A_215 {strides = array<i32>} : memref<64x128xf32, #tpu.memory_space<vmem>>, vector<1x16xf32>,
      %broadcast_in_dim3A_216 = arith.constant 0.000000e+00 : f32
      %broadcast_in_dim3A_217 = vector.broadcast %broadcast_in_dim3A_216 : f32 to vector<16xf32>
      %swap3A_218 = arith.index_cast %scan3A_182 : i32 to index
      %swap3A_219 = arith.constant 80 : index
      %swap3A_220 = tpu.vector_load %arg8[%swap3A_218, %swap3A_219] {strides = array<i32>} : memref<64x128xf32, #tpu.memory_space<vmem>>, vector<1x16xf32>,
      %swap3A_221 = vector.shape_cast %swap3A_220 : vector<1x16xf32> to vector<16xf32>
      %swap3A_222 = vector.shape_cast %broadcast_in_dim3A_217 : vector<16xf32> to vector<1x16xf32>
      tpu.vector_store %arg8[%swap3A_218, %swap3A_219], %swap3A_222 {strides = array<i32>} : memref<64x128xf32, #tpu.memory_space<vmem>>, vector<1x16xf32>,
      %broadcast_in_dim3A_223 = arith.constant 0.000000e+00 : f32
      %broadcast_in_dim3A_224 = vector.broadcast %broadcast_in_dim3A_223 : f32 to vector<16xf32>
      %swap3A_225 = arith.index_cast %scan3A_182 : i32 to index
      %swap3A_226 = arith.constant 96 : index
      %swap3A_227 = tpu.vector_load %arg8[%swap3A_225, %swap3A_226] {strides = array<i32>} : memref<64x128xf32, #tpu.memory_space<vmem>>, vector<1x16xf32>,
      %swap3A_228 = vector.shape_cast %swap3A_227 : vector<1x16xf32> to vector<16xf32>
      %swap3A_229 = vector.shape_cast %broadcast_in_dim3A_224 : vector<16xf32> to vector<1x16xf32>
      tpu.vector_store %arg8[%swap3A_225, %swap3A_226], %swap3A_229 {strides = array<i32>} : memref<64x128xf32, #tpu.memory_space<vmem>>, vector<1x16xf32>,
      %broadcast_in_dim3A_230 = arith.constant 0.000000e+00 : f32
      %broadcast_in_dim3A_231 = vector.broadcast %broadcast_in_dim3A_230 : f32 to vector<16xf32>
      %swap3A_232 = arith.index_cast %scan3A_182 : i32 to index
      %swap3A_233 = arith.constant 112 : index
      %swap3A_234 = tpu.vector_load %arg8[%swap3A_232, %swap3A_233] {strides = array<i32>} : memref<64x128xf32, #tpu.memory_space<vmem>>, vector<1x16xf32>,
      %swap3A_235 = vector.shape_cast %swap3A_234 : vector<1x16xf32> to vector<16xf32>
      %swap3A_236 = vector.shape_cast %broadcast_in_dim3A_231 : vector<16xf32> to vector<1x16xf32>
      tpu.vector_store %arg8[%swap3A_232, %swap3A_233], %swap3A_236 {strides = array<i32>} : memref<64x128xf32, #tpu.memory_space<vmem>>, vector<1x16xf32>,
    }
    %scan3A_7 = arith.constant 64 : i32
    %add3A_8 = arith.constant 0 : i32
    %add3A_9 = arith.addi %mul3A_2, %add3A_8 : i32
    "tpu.region"() ({
      %run_scoped3A_182 = tpu.sem_alloc : memref<!tpu.dma_semaphore, #tpu.memory_space<semaphore_mem>>
      %dma_start3A_183 = arith.constant 0 : i32
      %dma_start3A_184 = tpu.memref_slice %arg19[%add3A_9, %dma_start3A_183] : memref<10240x128xf32, #tpu.memory_space<vmem_shared>> -> memref<64x128xf32, #tpu.memory_space<vmem_shared>>
      %dma_start3A_185 = arith.constant 0 : i32
      %dma_start3A_186 = tpu.memref_slice %arg19[%add3A_9, %dma_start3A_185] : memref<10240x128xf32, #tpu.memory_space<vmem_shared>> -> memref<64x128xf32, #tpu.memory_space<vmem_shared>>
      tpu.enqueue_dma source(%arg8 : memref<64x128xf32, #tpu.memory_space<vmem>>) target(%dma_start3A_186 : memref<64x128xf32, #tpu.memory_space<vmem_shared>>) target_semaphore(%run_scoped3A_182 : memref<!tpu.dma_semaphore, #tpu.memory_space<semaphore_mem>>)
      %dma_wait3A = arith.constant 0 : i32
      %dma_wait3A_187 = tpu.memref_slice %arg19[%add3A_9, %dma_wait3A] : memref<10240x128xf32, #tpu.memory_space<vmem_shared>> -> memref<64x128xf32, #tpu.memory_space<vmem_shared>>
      %dma_wait3A_188 = arith.constant 0 : i32
      %dma_wait3A_189 = tpu.memref_slice %arg19[%add3A_9, %dma_wait3A_188] : memref<10240x128xf32, #tpu.memory_space<vmem_shared>> -> memref<64x128xf32, #tpu.memory_space<vmem_shared>>
      tpu.wait_dma2 semaphore(%run_scoped3A_182 : memref<!tpu.dma_semaphore, #tpu.memory_space<semaphore_mem>>) src(%arg8 : memref<64x128xf32, #tpu.memory_space<vmem>>) dst(%dma_wait3A_189 : memref<64x128xf32, #tpu.memory_space<vmem_shared>>)
      tpu.yield
    }) : () -> ()
    %add3A_10 = arith.constant 64 : i32
    %add3A_11 = arith.addi %mul3A_2, %add3A_10 : i32
    "tpu.region"() ({
      %run_scoped3A_182 = tpu.sem_alloc : memref<!tpu.dma_semaphore, #tpu.memory_space<semaphore_mem>>
      %dma_start3A_183 = arith.constant 0 : i32
      %dma_start3A_184 = tpu.memref_slice %arg19[%add3A_11, %dma_start3A_183] : memref<10240x128xf32, #tpu.memory_space<vmem_shared>> -> memref<64x128xf32, #tpu.memory_space<vmem_shared>>
      %dma_start3A_185 = arith.constant 0 : i32
      %dma_start3A_186 = tpu.memref_slice %arg19[%add3A_11, %dma_start3A_185] : memref<10240x128xf32, #tpu.memory_space<vmem_shared>> -> memref<64x128xf32, #tpu.memory_space<vmem_shared>>
      tpu.enqueue_dma source(%arg8 : memref<64x128xf32, #tpu.memory_space<vmem>>) target(%dma_start3A_186 : memref<64x128xf32, #tpu.memory_space<vmem_shared>>) target_semaphore(%run_scoped3A_182 : memref<!tpu.dma_semaphore, #tpu.memory_space<semaphore_mem>>)
      %dma_wait3A = arith.constant 0 : i32
      %dma_wait3A_187 = tpu.memref_slice %arg19[%add3A_11, %dma_wait3A] : memref<10240x128xf32, #tpu.memory_space<vmem_shared>> -> memref<64x128xf32, #tpu.memory_space<vmem_shared>>
      %dma_wait3A_188 = arith.constant 0 : i32
      %dma_wait3A_189 = tpu.memref_slice %arg19[%add3A_11, %dma_wait3A_188] : memref<10240x128xf32, #tpu.memory_space<vmem_shared>> -> memref<64x128xf32, #tpu.memory_space<vmem_shared>>
      tpu.wait_dma2 semaphore(%run_scoped3A_182 : memref<!tpu.dma_semaphore, #tpu.memory_space<semaphore_mem>>) src(%arg8 : memref<64x128xf32, #tpu.memory_space<vmem>>) dst(%dma_wait3A_189 : memref<64x128xf32, #tpu.memory_space<vmem_shared>>)
      tpu.yield
    }) : () -> ()
    %add3A_12 = arith.constant 128 : i32
    %add3A_13 = arith.addi %mul3A_2, %add3A_12 : i32
    "tpu.region"() ({
      %run_scoped3A_182 = tpu.sem_alloc : memref<!tpu.dma_semaphore, #tpu.memory_space<semaphore_mem>>
      %dma_start3A_183 = arith.constant 0 : i32
      %dma_start3A_184 = tpu.memref_slice %arg19[%add3A_13, %dma_start3A_183] : memref<10240x128xf32, #tpu.memory_space<vmem_shared>> -> memref<64x128xf32, #tpu.memory_space<vmem_shared>>
      %dma_start3A_185 = arith.constant 0 : i32
      %dma_start3A_186 = tpu.memref_slice %arg19[%add3A_13, %dma_start3A_185] : memref<10240x128xf32, #tpu.memory_space<vmem_shared>> -> memref<64x128xf32, #tpu.memory_space<vmem_shared>>
      tpu.enqueue_dma source(%arg8 : memref<64x128xf32, #tpu.memory_space<vmem>>) target(%dma_start3A_186 : memref<64x128xf32, #tpu.memory_space<vmem_shared>>) target_semaphore(%run_scoped3A_182 : memref<!tpu.dma_semaphore, #tpu.memory_space<semaphore_mem>>)
      %dma_wait3A = arith.constant 0 : i32
      %dma_wait3A_187 = tpu.memref_slice %arg19[%add3A_13, %dma_wait3A] : memref<10240x128xf32, #tpu.memory_space<vmem_shared>> -> memref<64x128xf32, #tpu.memory_space<vmem_shared>>
      %dma_wait3A_188 = arith.constant 0 : i32
      %dma_wait3A_189 = tpu.memref_slice %arg19[%add3A_13, %dma_wait3A_188] : memref<10240x128xf32, #tpu.memory_space<vmem_shared>> -> memref<64x128xf32, #tpu.memory_space<vmem_shared>>
      tpu.wait_dma2 semaphore(%run_scoped3A_182 : memref<!tpu.dma_semaphore, #tpu.memory_space<semaphore_mem>>) src(%arg8 : memref<64x128xf32, #tpu.memory_space<vmem>>) dst(%dma_wait3A_189 : memref<64x128xf32, #tpu.memory_space<vmem_shared>>)
      tpu.yield
    }) : () -> ()
    %add3A_14 = arith.constant 192 : i32
    %add3A_15 = arith.addi %mul3A_2, %add3A_14 : i32
    "tpu.region"() ({
      %run_scoped3A_182 = tpu.sem_alloc : memref<!tpu.dma_semaphore, #tpu.memory_space<semaphore_mem>>
      %dma_start3A_183 = arith.constant 0 : i32
      %dma_start3A_184 = tpu.memref_slice %arg19[%add3A_15, %dma_start3A_183] : memref<10240x128xf32, #tpu.memory_space<vmem_shared>> -> memref<64x128xf32, #tpu.memory_space<vmem_shared>>
      %dma_start3A_185 = arith.constant 0 : i32
      %dma_start3A_186 = tpu.memref_slice %arg19[%add3A_15, %dma_start3A_185] : memref<10240x128xf32, #tpu.memory_space<vmem_shared>> -> memref<64x128xf32, #tpu.memory_space<vmem_shared>>
      tpu.enqueue_dma source(%arg8 : memref<64x128xf32, #tpu.memory_space<vmem>>) target(%dma_start3A_186 : memref<64x128xf32, #tpu.memory_space<vmem_shared>>) target_semaphore(%run_scoped3A_182 : memref<!tpu.dma_semaphore, #tpu.memory_space<semaphore_mem>>)
      %dma_wait3A = arith.constant 0 : i32
      %dma_wait3A_187 = tpu.memref_slice %arg19[%add3A_15, %dma_wait3A] : memref<10240x128xf32, #tpu.memory_space<vmem_shared>> -> memref<64x128xf32, #tpu.memory_space<vmem_shared>>
      %dma_wait3A_188 = arith.constant 0 : i32
      %dma_wait3A_189 = tpu.memref_slice %arg19[%add3A_15, %dma_wait3A_188] : memref<10240x128xf32, #tpu.memory_space<vmem_shared>> -> memref<64x128xf32, #tpu.memory_space<vmem_shared>>
      tpu.wait_dma2 semaphore(%run_scoped3A_182 : memref<!tpu.dma_semaphore, #tpu.memory_space<semaphore_mem>>) src(%arg8 : memref<64x128xf32, #tpu.memory_space<vmem>>) dst(%dma_wait3A_189 : memref<64x128xf32, #tpu.memory_space<vmem_shared>>)
      tpu.yield
    }) : () -> ()
    %add3A_16 = arith.constant 256 : i32
    %add3A_17 = arith.addi %mul3A_2, %add3A_16 : i32
    "tpu.region"() ({
      %run_scoped3A_182 = tpu.sem_alloc : memref<!tpu.dma_semaphore, #tpu.memory_space<semaphore_mem>>
      %dma_start3A_183 = arith.constant 0 : i32
      %dma_start3A_184 = tpu.memref_slice %arg19[%add3A_17, %dma_start3A_183] : memref<10240x128xf32, #tpu.memory_space<vmem_shared>> -> memref<64x128xf32, #tpu.memory_space<vmem_shared>>
      %dma_start3A_185 = arith.constant 0 : i32
      %dma_start3A_186 = tpu.memref_slice %arg19[%add3A_17, %dma_start3A_185] : memref<10240x128xf32, #tpu.memory_space<vmem_shared>> -> memref<64x128xf32, #tpu.memory_space<vmem_shared>>
      tpu.enqueue_dma source(%arg8 : memref<64x128xf32, #tpu.memory_space<vmem>>) target(%dma_start3A_186 : memref<64x128xf32, #tpu.memory_space<vmem_shared>>) target_semaphore(%run_scoped3A_182 : memref<!tpu.dma_semaphore, #tpu.memory_space<semaphore_mem>>)
      %dma_wait3A = arith.constant 0 : i32
      %dma_wait3A_187 = tpu.memref_slice %arg19[%add3A_17, %dma_wait3A] : memref<10240x128xf32, #tpu.memory_space<vmem_shared>> -> memref<64x128xf32, #tpu.memory_space<vmem_shared>>
      %dma_wait3A_188 = arith.constant 0 : i32
      %dma_wait3A_189 = tpu.memref_slice %arg19[%add3A_17, %dma_wait3A_188] : memref<10240x128xf32, #tpu.memory_space<vmem_shared>> -> memref<64x128xf32, #tpu.memory_space<vmem_shared>>
      tpu.wait_dma2 semaphore(%run_scoped3A_182 : memref<!tpu.dma_semaphore, #tpu.memory_space<semaphore_mem>>) src(%arg8 : memref<64x128xf32, #tpu.memory_space<vmem>>) dst(%dma_wait3A_189 : memref<64x128xf32, #tpu.memory_space<vmem_shared>>)
      tpu.yield
    }) : () -> ()
    %add3A_18 = arith.constant 320 : i32
    %add3A_19 = arith.addi %mul3A_2, %add3A_18 : i32
    "tpu.region"() ({
      %run_scoped3A_182 = tpu.sem_alloc : memref<!tpu.dma_semaphore, #tpu.memory_space<semaphore_mem>>
      %dma_start3A_183 = arith.constant 0 : i32
      %dma_start3A_184 = tpu.memref_slice %arg19[%add3A_19, %dma_start3A_183] : memref<10240x128xf32, #tpu.memory_space<vmem_shared>> -> memref<64x128xf32, #tpu.memory_space<vmem_shared>>
      %dma_start3A_185 = arith.constant 0 : i32
      %dma_start3A_186 = tpu.memref_slice %arg19[%add3A_19, %dma_start3A_185] : memref<10240x128xf32, #tpu.memory_space<vmem_shared>> -> memref<64x128xf32, #tpu.memory_space<vmem_shared>>
      tpu.enqueue_dma source(%arg8 : memref<64x128xf32, #tpu.memory_space<vmem>>) target(%dma_start3A_186 : memref<64x128xf32, #tpu.memory_space<vmem_shared>>) target_semaphore(%run_scoped3A_182 : memref<!tpu.dma_semaphore, #tpu.memory_space<semaphore_mem>>)
      %dma_wait3A = arith.constant 0 : i32
      %dma_wait3A_187 = tpu.memref_slice %arg19[%add3A_19, %dma_wait3A] : memref<10240x128xf32, #tpu.memory_space<vmem_shared>> -> memref<64x128xf32, #tpu.memory_space<vmem_shared>>
      %dma_wait3A_188 = arith.constant 0 : i32
      %dma_wait3A_189 = tpu.memref_slice %arg19[%add3A_19, %dma_wait3A_188] : memref<10240x128xf32, #tpu.memory_space<vmem_shared>> -> memref<64x128xf32, #tpu.memory_space<vmem_shared>>
      tpu.wait_dma2 semaphore(%run_scoped3A_182 : memref<!tpu.dma_semaphore, #tpu.memory_space<semaphore_mem>>) src(%arg8 : memref<64x128xf32, #tpu.memory_space<vmem>>) dst(%dma_wait3A_189 : memref<64x128xf32, #tpu.memory_space<vmem_shared>>)
      tpu.yield
    }) : () -> ()
    %add3A_20 = arith.constant 384 : i32
    %add3A_21 = arith.addi %mul3A_2, %add3A_20 : i32
    "tpu.region"() ({
      %run_scoped3A_182 = tpu.sem_alloc : memref<!tpu.dma_semaphore, #tpu.memory_space<semaphore_mem>>
      %dma_start3A_183 = arith.constant 0 : i32
      %dma_start3A_184 = tpu.memref_slice %arg19[%add3A_21, %dma_start3A_183] : memref<10240x128xf32, #tpu.memory_space<vmem_shared>> -> memref<64x128xf32, #tpu.memory_space<vmem_shared>>
      %dma_start3A_185 = arith.constant 0 : i32
      %dma_start3A_186 = tpu.memref_slice %arg19[%add3A_21, %dma_start3A_185] : memref<10240x128xf32, #tpu.memory_space<vmem_shared>> -> memref<64x128xf32, #tpu.memory_space<vmem_shared>>
      tpu.enqueue_dma source(%arg8 : memref<64x128xf32, #tpu.memory_space<vmem>>) target(%dma_start3A_186 : memref<64x128xf32, #tpu.memory_space<vmem_shared>>) target_semaphore(%run_scoped3A_182 : memref<!tpu.dma_semaphore, #tpu.memory_space<semaphore_mem>>)
      %dma_wait3A = arith.constant 0 : i32
      %dma_wait3A_187 = tpu.memref_slice %arg19[%add3A_21, %dma_wait3A] : memref<10240x128xf32, #tpu.memory_space<vmem_shared>> -> memref<64x128xf32, #tpu.memory_space<vmem_shared>>
      %dma_wait3A_188 = arith.constant 0 : i32
      %dma_wait3A_189 = tpu.memref_slice %arg19[%add3A_21, %dma_wait3A_188] : memref<10240x128xf32, #tpu.memory_space<vmem_shared>> -> memref<64x128xf32, #tpu.memory_space<vmem_shared>>
      tpu.wait_dma2 semaphore(%run_scoped3A_182 : memref<!tpu.dma_semaphore, #tpu.memory_space<semaphore_mem>>) src(%arg8 : memref<64x128xf32, #tpu.memory_space<vmem>>) dst(%dma_wait3A_189 : memref<64x128xf32, #tpu.memory_space<vmem_shared>>)
      tpu.yield
    }) : () -> ()
    %add3A_22 = arith.constant 448 : i32
    %add3A_23 = arith.addi %mul3A_2, %add3A_22 : i32
    "tpu.region"() ({
      %run_scoped3A_182 = tpu.sem_alloc : memref<!tpu.dma_semaphore, #tpu.memory_space<semaphore_mem>>
      %dma_start3A_183 = arith.constant 0 : i32
      %dma_start3A_184 = tpu.memref_slice %arg19[%add3A_23, %dma_start3A_183] : memref<10240x128xf32, #tpu.memory_space<vmem_shared>> -> memref<64x128xf32, #tpu.memory_space<vmem_shared>>
      %dma_start3A_185 = arith.constant 0 : i32
      %dma_start3A_186 = tpu.memref_slice %arg19[%add3A_23, %dma_start3A_185] : memref<10240x128xf32, #tpu.memory_space<vmem_shared>> -> memref<64x128xf32, #tpu.memory_space<vmem_shared>>
      tpu.enqueue_dma source(%arg8 : memref<64x128xf32, #tpu.memory_space<vmem>>) target(%dma_start3A_186 : memref<64x128xf32, #tpu.memory_space<vmem_shared>>) target_semaphore(%run_scoped3A_182 : memref<!tpu.dma_semaphore, #tpu.memory_space<semaphore_mem>>)
      %dma_wait3A = arith.constant 0 : i32
      %dma_wait3A_187 = tpu.memref_slice %arg19[%add3A_23, %dma_wait3A] : memref<10240x128xf32, #tpu.memory_space<vmem_shared>> -> memref<64x128xf32, #tpu.memory_space<vmem_shared>>
      %dma_wait3A_188 = arith.constant 0 : i32
      %dma_wait3A_189 = tpu.memref_slice %arg19[%add3A_23, %dma_wait3A_188] : memref<10240x128xf32, #tpu.memory_space<vmem_shared>> -> memref<64x128xf32, #tpu.memory_space<vmem_shared>>
      tpu.wait_dma2 semaphore(%run_scoped3A_182 : memref<!tpu.dma_semaphore, #tpu.memory_space<semaphore_mem>>) src(%arg8 : memref<64x128xf32, #tpu.memory_space<vmem>>) dst(%dma_wait3A_189 : memref<64x128xf32, #tpu.memory_space<vmem_shared>>)
      tpu.yield
    }) : () -> ()
    %add3A_24 = arith.constant 512 : i32
    %add3A_25 = arith.addi %mul3A_2, %add3A_24 : i32
    "tpu.region"() ({
      %run_scoped3A_182 = tpu.sem_alloc : memref<!tpu.dma_semaphore, #tpu.memory_space<semaphore_mem>>
      %dma_start3A_183 = arith.constant 0 : i32
      %dma_start3A_184 = tpu.memref_slice %arg19[%add3A_25, %dma_start3A_183] : memref<10240x128xf32, #tpu.memory_space<vmem_shared>> -> memref<64x128xf32, #tpu.memory_space<vmem_shared>>
      %dma_start3A_185 = arith.constant 0 : i32
      %dma_start3A_186 = tpu.memref_slice %arg19[%add3A_25, %dma_start3A_185] : memref<10240x128xf32, #tpu.memory_space<vmem_shared>> -> memref<64x128xf32, #tpu.memory_space<vmem_shared>>
      tpu.enqueue_dma source(%arg8 : memref<64x128xf32, #tpu.memory_space<vmem>>) target(%dma_start3A_186 : memref<64x128xf32, #tpu.memory_space<vmem_shared>>) target_semaphore(%run_scoped3A_182 : memref<!tpu.dma_semaphore, #tpu.memory_space<semaphore_mem>>)
      %dma_wait3A = arith.constant 0 : i32
      %dma_wait3A_187 = tpu.memref_slice %arg19[%add3A_25, %dma_wait3A] : memref<10240x128xf32, #tpu.memory_space<vmem_shared>> -> memref<64x128xf32, #tpu.memory_space<vmem_shared>>
      %dma_wait3A_188 = arith.constant 0 : i32
      %dma_wait3A_189 = tpu.memref_slice %arg19[%add3A_25, %dma_wait3A_188] : memref<10240x128xf32, #tpu.memory_space<vmem_shared>> -> memref<64x128xf32, #tpu.memory_space<vmem_shared>>
      tpu.wait_dma2 semaphore(%run_scoped3A_182 : memref<!tpu.dma_semaphore, #tpu.memory_space<semaphore_mem>>) src(%arg8 : memref<64x128xf32, #tpu.memory_space<vmem>>) dst(%dma_wait3A_189 : memref<64x128xf32, #tpu.memory_space<vmem_shared>>)
      tpu.yield
    }) : () -> ()
    %add3A_26 = arith.constant 576 : i32
    %add3A_27 = arith.addi %mul3A_2, %add3A_26 : i32
    "tpu.region"() ({
      %run_scoped3A_182 = tpu.sem_alloc : memref<!tpu.dma_semaphore, #tpu.memory_space<semaphore_mem>>
      %dma_start3A_183 = arith.constant 0 : i32
      %dma_start3A_184 = tpu.memref_slice %arg19[%add3A_27, %dma_start3A_183] : memref<10240x128xf32, #tpu.memory_space<vmem_shared>> -> memref<64x128xf32, #tpu.memory_space<vmem_shared>>
      %dma_start3A_185 = arith.constant 0 : i32
      %dma_start3A_186 = tpu.memref_slice %arg19[%add3A_27, %dma_start3A_185] : memref<10240x128xf32, #tpu.memory_space<vmem_shared>> -> memref<64x128xf32, #tpu.memory_space<vmem_shared>>
      tpu.enqueue_dma source(%arg8 : memref<64x128xf32, #tpu.memory_space<vmem>>) target(%dma_start3A_186 : memref<64x128xf32, #tpu.memory_space<vmem_shared>>) target_semaphore(%run_scoped3A_182 : memref<!tpu.dma_semaphore, #tpu.memory_space<semaphore_mem>>)
      %dma_wait3A = arith.constant 0 : i32
      %dma_wait3A_187 = tpu.memref_slice %arg19[%add3A_27, %dma_wait3A] : memref<10240x128xf32, #tpu.memory_space<vmem_shared>> -> memref<64x128xf32, #tpu.memory_space<vmem_shared>>
      %dma_wait3A_188 = arith.constant 0 : i32
      %dma_wait3A_189 = tpu.memref_slice %arg19[%add3A_27, %dma_wait3A_188] : memref<10240x128xf32, #tpu.memory_space<vmem_shared>> -> memref<64x128xf32, #tpu.memory_space<vmem_shared>>
      tpu.wait_dma2 semaphore(%run_scoped3A_182 : memref<!tpu.dma_semaphore, #tpu.memory_space<semaphore_mem>>) src(%arg8 : memref<64x128xf32, #tpu.memory_space<vmem>>) dst(%dma_wait3A_189 : memref<64x128xf32, #tpu.memory_space<vmem_shared>>)
      tpu.yield
    }) : () -> ()
    %scan3A_28 = arith.constant 0 : i32
    %scan3A_29 = arith.constant 0 : i32
    %scan3A_30 = arith.constant 40 : i32
    %scan3A_31 = arith.addi %scan3A_29, %scan3A_30 : i32
    %scan3A_32 = arith.constant 1 : i32
    scf.for %scan3A_182 = %scan3A_29 to %scan3A_31 step %scan3A_32  : i32 {
      %broadcast_in_dim3A = arith.constant 0.000000e+00 : f32
      %broadcast_in_dim3A_183 = vector.broadcast %broadcast_in_dim3A : f32 to vector<16xf32>
      %mul3A_184 = arith.constant 16 : i32
      %mul3A_185 = arith.muli %scan3A_182, %mul3A_184 : i32
      %swap3A = arith.index_cast %mul3A_185 : i32 to index
      %swap3A_186 = tpu.vector_load %arg13[%swap3A] {strides = array<i32>} : memref<640xf32, #tpu.memory_space<vmem>>, vector<16xf32>,
      %swap3A_187 = vector.shape_cast %swap3A_186 : vector<16xf32> to vector<16xf32>
      %swap3A_188 = vector.shape_cast %broadcast_in_dim3A_183 : vector<16xf32> to vector<16xf32>
      tpu.vector_store %arg13[%swap3A], %swap3A_188 {strides = array<i32>} : memref<640xf32, #tpu.memory_space<vmem>>, vector<16xf32>,
    }
    %scan3A_33 = arith.constant 40 : i32
    "tpu.region"() ({
      %run_scoped3A_182 = tpu.sem_alloc : memref<!tpu.dma_semaphore, #tpu.memory_space<semaphore_mem>>
      %dma_start3A_183 = tpu.memref_slice %arg20[%mul3A_2] : memref<10240xf32, #tpu.memory_space<vmem_shared>> -> memref<640xf32, #tpu.memory_space<vmem_shared>>
      %dma_start3A_184 = tpu.memref_slice %arg20[%mul3A_2] : memref<10240xf32, #tpu.memory_space<vmem_shared>> -> memref<640xf32, #tpu.memory_space<vmem_shared>>
      tpu.enqueue_dma source(%arg13 : memref<640xf32, #tpu.memory_space<vmem>>) target(%dma_start3A_184 : memref<640xf32, #tpu.memory_space<vmem_shared>>) target_semaphore(%run_scoped3A_182 : memref<!tpu.dma_semaphore, #tpu.memory_space<semaphore_mem>>)
      %dma_wait3A = tpu.memref_slice %arg20[%mul3A_2] : memref<10240xf32, #tpu.memory_space<vmem_shared>> -> memref<640xf32, #tpu.memory_space<vmem_shared>>
      %dma_wait3A_185 = tpu.memref_slice %arg20[%mul3A_2] : memref<10240xf32, #tpu.memory_space<vmem_shared>> -> memref<640xf32, #tpu.memory_space<vmem_shared>>
      tpu.wait_dma2 semaphore(%run_scoped3A_182 : memref<!tpu.dma_semaphore, #tpu.memory_space<semaphore_mem>>) src(%arg13 : memref<640xf32, #tpu.memory_space<vmem>>) dst(%dma_wait3A_185 : memref<640xf32, #tpu.memory_space<vmem_shared>>)
      tpu.yield
    }) : () -> ()
    %scan3A_34 = arith.constant 0 : i32
    %scan3A_35 = arith.constant 0 : i32
    %scan3A_36 = arith.constant 4 : i32
    %scan3A_37 = arith.addi %scan3A_35, %scan3A_36 : i32
    %scan3A_38 = arith.constant 1 : i32
    scf.for %scan3A_182 = %scan3A_35 to %scan3A_37 step %scan3A_38  : i32 {
      %broadcast_in_dim3A = arith.constant 1.000000e+00 : f32
      %broadcast_in_dim3A_183 = vector.broadcast %broadcast_in_dim3A : f32 to vector<16xf32>
      %mul3A_184 = arith.constant 16 : i32
      %mul3A_185 = arith.muli %scan3A_182, %mul3A_184 : i32
      %swap3A = arith.index_cast %mul3A_185 : i32 to index
      %swap3A_186 = tpu.vector_load %arg12[%swap3A] {strides = array<i32>} : memref<64xf32, #tpu.memory_space<vmem>>, vector<16xf32>,
      %swap3A_187 = vector.shape_cast %swap3A_186 : vector<16xf32> to vector<16xf32>
      %swap3A_188 = vector.shape_cast %broadcast_in_dim3A_183 : vector<16xf32> to vector<16xf32>
      tpu.vector_store %arg12[%swap3A], %swap3A_188 {strides = array<i32>} : memref<64xf32, #tpu.memory_space<vmem>>, vector<16xf32>,
    }
    %scan3A_39 = arith.constant 4 : i32
    %barrier3A = arith.constant 0 : index
    tpu.barrier barrier_id(%barrier3A)
    %run_scoped3A = arith.constant 1 : i32
    "tpu.region"() ({
      %run_scoped3A_182 = tpu.sem_alloc : memref<!tpu.dma_semaphore, #tpu.memory_space<semaphore_mem>>
      %dma_start3A_183 = arith.constant 0 : i32
      %dma_start3A_184 = arith.constant 0 : i32
      %dma_start3A_185 = tpu.memref_slice %arg3[%run_scoped3A, %add3A, %dma_start3A_183, %dma_start3A_184] : memref<2x32x160x64xi32, #tpu.memory_space<hbm>> -> memref<1x1x40x64xi32, #tpu.memory_space<hbm>>
      %dma_start3A_186 = tpu.memref_squeeze %dma_start3A_185 : memref<1x1x40x64xi32, #tpu.memory_space<hbm>> -> memref<40x64xi32, #tpu.memory_space<hbm>>
      %dma_start3A_187 = arith.constant 0 : i32
      %dma_start3A_188 = arith.constant 0 : i32
      %dma_start3A_189 = tpu.memref_slice %arg3[%run_scoped3A, %add3A, %dma_start3A_187, %dma_start3A_188] : memref<2x32x160x64xi32, #tpu.memory_space<hbm>> -> memref<1x1x40x64xi32, #tpu.memory_space<hbm>>
      %dma_start3A_190 = tpu.memref_squeeze %dma_start3A_189 : memref<1x1x40x64xi32, #tpu.memory_space<hbm>> -> memref<40x64xi32, #tpu.memory_space<hbm>>
      tpu.enqueue_dma source(%dma_start3A_190 : memref<40x64xi32, #tpu.memory_space<hbm>>) target(%arg6 : memref<40x64xi32, #tpu.memory_space<vmem>>) target_semaphore(%run_scoped3A_182 : memref<!tpu.dma_semaphore, #tpu.memory_space<semaphore_mem>>)
      %dma_wait3A = arith.constant 0 : i32
      %dma_wait3A_191 = arith.constant 0 : i32
      %dma_wait3A_192 = tpu.memref_slice %arg3[%run_scoped3A, %add3A, %dma_wait3A, %dma_wait3A_191] : memref<2x32x160x64xi32, #tpu.memory_space<hbm>> -> memref<1x1x40x64xi32, #tpu.memory_space<hbm>>
      %dma_wait3A_193 = tpu.memref_squeeze %dma_wait3A_192 : memref<1x1x40x64xi32, #tpu.memory_space<hbm>> -> memref<40x64xi32, #tpu.memory_space<hbm>>
      %dma_wait3A_194 = arith.constant 0 : i32
      %dma_wait3A_195 = arith.constant 0 : i32
      %dma_wait3A_196 = tpu.memref_slice %arg3[%run_scoped3A, %add3A, %dma_wait3A_194, %dma_wait3A_195] : memref<2x32x160x64xi32, #tpu.memory_space<hbm>> -> memref<1x1x40x64xi32, #tpu.memory_space<hbm>>
      %dma_wait3A_197 = tpu.memref_squeeze %dma_wait3A_196 : memref<1x1x40x64xi32, #tpu.memory_space<hbm>> -> memref<40x64xi32, #tpu.memory_space<hbm>>
      tpu.wait_dma2 semaphore(%run_scoped3A_182 : memref<!tpu.dma_semaphore, #tpu.memory_space<semaphore_mem>>) src(%dma_wait3A_197 : memref<40x64xi32, #tpu.memory_space<hbm>>) dst(%arg6 : memref<40x64xi32, #tpu.memory_space<vmem>>)
      tpu.yield
    }) : () -> ()
    %run_scoped3A_40 = arith.constant 0 : i32
    "tpu.region"() ({
      %run_scoped3A_182 = tpu.sem_alloc : memref<!tpu.dma_semaphore, #tpu.memory_space<semaphore_mem>>
      %dma_start3A_183 = arith.constant 0 : i32
      %dma_start3A_184 = arith.constant 0 : i32
      %dma_start3A_185 = tpu.memref_slice %arg3[%run_scoped3A_40, %add3A, %dma_start3A_183, %dma_start3A_184] : memref<2x32x160x64xi32, #tpu.memory_space<hbm>> -> memref<1x1x40x64xi32, #tpu.memory_space<hbm>>
      %dma_start3A_186 = tpu.memref_squeeze %dma_start3A_185 : memref<1x1x40x64xi32, #tpu.memory_space<hbm>> -> memref<40x64xi32, #tpu.memory_space<hbm>>
      %dma_start3A_187 = arith.constant 0 : i32
      %dma_start3A_188 = arith.constant 0 : i32
      %dma_start3A_189 = tpu.memref_slice %arg3[%run_scoped3A_40, %add3A, %dma_start3A_187, %dma_start3A_188] : memref<2x32x160x64xi32, #tpu.memory_space<hbm>> -> memref<1x1x40x64xi32, #tpu.memory_space<hbm>>
      %dma_start3A_190 = tpu.memref_squeeze %dma_start3A_189 : memref<1x1x40x64xi32, #tpu.memory_space<hbm>> -> memref<40x64xi32, #tpu.memory_space<hbm>>
      tpu.enqueue_dma source(%dma_start3A_190 : memref<40x64xi32, #tpu.memory_space<hbm>>) target(%arg7 : memref<40x64xi32, #tpu.memory_space<vmem>>) target_semaphore(%run_scoped3A_182 : memref<!tpu.dma_semaphore, #tpu.memory_space<semaphore_mem>>)
      %dma_wait3A = arith.constant 0 : i32
      %dma_wait3A_191 = arith.constant 0 : i32
      %dma_wait3A_192 = tpu.memref_slice %arg3[%run_scoped3A_40, %add3A, %dma_wait3A, %dma_wait3A_191] : memref<2x32x160x64xi32, #tpu.memory_space<hbm>> -> memref<1x1x40x64xi32, #tpu.memory_space<hbm>>
      %dma_wait3A_193 = tpu.memref_squeeze %dma_wait3A_192 : memref<1x1x40x64xi32, #tpu.memory_space<hbm>> -> memref<40x64xi32, #tpu.memory_space<hbm>>
      %dma_wait3A_194 = arith.constant 0 : i32
      %dma_wait3A_195 = arith.constant 0 : i32
      %dma_wait3A_196 = tpu.memref_slice %arg3[%run_scoped3A_40, %add3A, %dma_wait3A_194, %dma_wait3A_195] : memref<2x32x160x64xi32, #tpu.memory_space<hbm>> -> memref<1x1x40x64xi32, #tpu.memory_space<hbm>>
      %dma_wait3A_197 = tpu.memref_squeeze %dma_wait3A_196 : memref<1x1x40x64xi32, #tpu.memory_space<hbm>> -> memref<40x64xi32, #tpu.memory_space<hbm>>
      tpu.wait_dma2 semaphore(%run_scoped3A_182 : memref<!tpu.dma_semaphore, #tpu.memory_space<semaphore_mem>>) src(%dma_wait3A_197 : memref<40x64xi32, #tpu.memory_space<hbm>>) dst(%arg7 : memref<40x64xi32, #tpu.memory_space<vmem>>)
      tpu.yield
    }) : () -> ()
    %dma_start3A = arith.constant 0 : i32
    %dma_start3A_41 = arith.constant 0 : i32
    %dma_start3A_42 = tpu.memref_slice %arg6[%dma_start3A, %dma_start3A_41] : memref<40x64xi32, #tpu.memory_space<vmem>> -> memref<1x64xi32, #tpu.memory_space<vmem>>
    %dma_start3A_43 = tpu.memref_squeeze %dma_start3A_42 : memref<1x64xi32, #tpu.memory_space<vmem>> -> memref<64xi32, #tpu.memory_space<vmem>>
    %dma_start3A_44 = arith.constant 0 : i32
    %dma_start3A_45 = arith.constant 0 : i32
    %dma_start3A_46 = tpu.memref_slice %arg2[%dma_start3A_44, %dma_start3A_45] : memref<10000x128xf32, #tpu.memory_space<hbm>> -> memref<10000x128xf32, #tpu.memory_space<hbm>>
    tpu.enqueue_indirect_dma source(%dma_start3A_46 : memref<10000x128xf32, #tpu.memory_space<hbm>>) target(%arg8 : memref<64x128xf32, #tpu.memory_space<vmem>>) offsets(%dma_start3A_43 : memref<64xi32, #tpu.memory_space<vmem>>) semaphore(%arg14 : memref<!tpu.dma_semaphore, #tpu.memory_space<semaphore_mem>>)
    %dma_start3A_47 = arith.constant 1 : i32
    %dma_start3A_48 = arith.constant 0 : i32
    %dma_start3A_49 = tpu.memref_slice %arg6[%dma_start3A_47, %dma_start3A_48] : memref<40x64xi32, #tpu.memory_space<vmem>> -> memref<1x64xi32, #tpu.memory_space<vmem>>
    %dma_start3A_50 = tpu.memref_squeeze %dma_start3A_49 : memref<1x64xi32, #tpu.memory_space<vmem>> -> memref<64xi32, #tpu.memory_space<vmem>>
    %dma_start3A_51 = arith.constant 0 : i32
    %dma_start3A_52 = arith.constant 0 : i32
    %dma_start3A_53 = tpu.memref_slice %arg2[%dma_start3A_51, %dma_start3A_52] : memref<10000x128xf32, #tpu.memory_space<hbm>> -> memref<10000x128xf32, #tpu.memory_space<hbm>>
    tpu.enqueue_indirect_dma source(%dma_start3A_53 : memref<10000x128xf32, #tpu.memory_space<hbm>>) target(%arg9 : memref<64x128xf32, #tpu.memory_space<vmem>>) offsets(%dma_start3A_50 : memref<64xi32, #tpu.memory_space<vmem>>) semaphore(%arg15 : memref<!tpu.dma_semaphore, #tpu.memory_space<semaphore_mem>>)
    %dma_start3A_54 = arith.constant 2 : i32
    %dma_start3A_55 = arith.constant 0 : i32
    %dma_start3A_56 = tpu.memref_slice %arg6[%dma_start3A_54, %dma_start3A_55] : memref<40x64xi32, #tpu.memory_space<vmem>> -> memref<1x64xi32, #tpu.memory_space<vmem>>
    %dma_start3A_57 = tpu.memref_squeeze %dma_start3A_56 : memref<1x64xi32, #tpu.memory_space<vmem>> -> memref<64xi32, #tpu.memory_space<vmem>>
    %dma_start3A_58 = arith.constant 0 : i32
    %dma_start3A_59 = arith.constant 0 : i32
    %dma_start3A_60 = tpu.memref_slice %arg2[%dma_start3A_58, %dma_start3A_59] : memref<10000x128xf32, #tpu.memory_space<hbm>> -> memref<10000x128xf32, #tpu.memory_space<hbm>>
    tpu.enqueue_indirect_dma source(%dma_start3A_60 : memref<10000x128xf32, #tpu.memory_space<hbm>>) target(%arg10 : memref<64x128xf32, #tpu.memory_space<vmem>>) offsets(%dma_start3A_57 : memref<64xi32, #tpu.memory_space<vmem>>) semaphore(%arg16 : memref<!tpu.dma_semaphore, #tpu.memory_space<semaphore_mem>>)
    %scan3A_61 = arith.constant 0 : i32
    %scan3A_62 = arith.constant 0 : i32
    %scan3A_63 = arith.constant 10 : i32
    %scan3A_64 = arith.addi %scan3A_62, %scan3A_63 : i32
    %scan3A_65 = arith.constant 1 : i32
    scf.for %scan3A_182 = %scan3A_62 to %scan3A_64 step %scan3A_65  : i32 {
      %mul3A_183 = arith.constant 4 : i32
      %mul3A_184 = arith.muli %scan3A_182, %mul3A_183 : i32
      %add3A_185 = arith.constant 0 : i32
      %add3A_186 = arith.addi %mul3A_184, %add3A_185 : i32
      %add3A_187 = arith.constant 4 : i32
      %add3A_188 = arith.addi %add3A_186, %add3A_187 : i32
      %sub3A = arith.constant 1 : i32
      %sub3A_189 = arith.subi %add3A_188, %sub3A : i32
      %dma_wait3A = arith.constant 0 : i32
      %dma_wait3A_190 = tpu.memref_slice %arg6[%add3A_186, %dma_wait3A] : memref<40x64xi32, #tpu.memory_space<vmem>> -> memref<1x64xi32, #tpu.memory_space<vmem>>
      %dma_wait3A_191 = tpu.memref_squeeze %dma_wait3A_190 : memref<1x64xi32, #tpu.memory_space<vmem>> -> memref<64xi32, #tpu.memory_space<vmem>>
      %dma_wait3A_192 = arith.constant 0 : i32
      %dma_wait3A_193 = arith.constant 0 : i32
      %dma_wait3A_194 = tpu.memref_slice %arg2[%dma_wait3A_192, %dma_wait3A_193] : memref<10000x128xf32, #tpu.memory_space<hbm>> -> memref<10000x128xf32, #tpu.memory_space<hbm>>
      tpu.wait_indirect_dma semaphore(%arg14 : memref<!tpu.dma_semaphore, #tpu.memory_space<semaphore_mem>>) src(%dma_wait3A_194 : memref<10000x128xf32, #tpu.memory_space<hbm>>) dst(%arg8 : memref<64x128xf32, #tpu.memory_space<vmem>>)
      %lt3A = arith.constant 40 : i32
      %lt3A_195 = arith.cmpi slt, %sub3A_189, %lt3A : i32
      %convert_element_type3A = arith.extui %lt3A_195 : i1 to i32
      %cond3A = arith.constant 0 : i32
      %cond3A_196 = arith.cmpi ne, %convert_element_type3A, %cond3A : i32
      scf.if %cond3A_196 {
        %dma_start3A_274 = arith.constant 0 : i32
        %dma_start3A_275 = tpu.memref_slice %arg6[%sub3A_189, %dma_start3A_274] : memref<40x64xi32, #tpu.memory_space<vmem>> -> memref<1x64xi32, #tpu.memory_space<vmem>>
        %dma_start3A_276 = tpu.memref_squeeze %dma_start3A_275 : memref<1x64xi32, #tpu.memory_space<vmem>> -> memref<64xi32, #tpu.memory_space<vmem>>
        %dma_start3A_277 = arith.constant 0 : i32
        %dma_start3A_278 = arith.constant 0 : i32
        %dma_start3A_279 = tpu.memref_slice %arg2[%dma_start3A_277, %dma_start3A_278] : memref<10000x128xf32, #tpu.memory_space<hbm>> -> memref<10000x128xf32, #tpu.memory_space<hbm>>
        tpu.enqueue_indirect_dma source(%dma_start3A_279 : memref<10000x128xf32, #tpu.memory_space<hbm>>) target(%arg11 : memref<64x128xf32, #tpu.memory_space<vmem>>) offsets(%dma_start3A_276 : memref<64xi32, #tpu.memory_space<vmem>>) semaphore(%arg17 : memref<!tpu.dma_semaphore, #tpu.memory_space<semaphore_mem>>)
      } else {
      }
      "tpu.region"() ({
        %run_scoped3A_274 = tpu.sem_alloc : memref<!tpu.dma_semaphore, #tpu.memory_space<semaphore_mem>>
        %dma_start3A_275 = arith.constant 0 : i32
        %dma_start3A_276 = tpu.memref_slice %arg7[%add3A_186, %dma_start3A_275] : memref<40x64xi32, #tpu.memory_space<vmem>> -> memref<1x64xi32, #tpu.memory_space<vmem>>
        %dma_start3A_277 = tpu.memref_squeeze %dma_start3A_276 : memref<1x64xi32, #tpu.memory_space<vmem>> -> memref<64xi32, #tpu.memory_space<vmem>>
        %dma_start3A_278 = arith.constant 0 : i32
        %dma_start3A_279 = arith.constant 0 : i32
        %dma_start3A_280 = tpu.memref_slice %arg19[%dma_start3A_278, %dma_start3A_279] : memref<10240x128xf32, #tpu.memory_space<vmem_shared>> -> memref<10240x128xf32, #tpu.memory_space<vmem_shared>>
        tpu.enqueue_indirect_dma source(%arg8 : memref<64x128xf32, #tpu.memory_space<vmem>>) target(%dma_start3A_280 : memref<10240x128xf32, #tpu.memory_space<vmem_shared>>) offsets(%dma_start3A_277 : memref<64xi32, #tpu.memory_space<vmem>>) semaphore(%run_scoped3A_274 : memref<!tpu.dma_semaphore, #tpu.memory_space<semaphore_mem>>) {add = true}
        %dma_wait3A_281 = arith.constant 0 : i32
        %dma_wait3A_282 = tpu.memref_slice %arg7[%add3A_186, %dma_wait3A_281] : memref<40x64xi32, #tpu.memory_space<vmem>> -> memref<1x64xi32, #tpu.memory_space<vmem>>
        %dma_wait3A_283 = tpu.memref_squeeze %dma_wait3A_282 : memref<1x64xi32, #tpu.memory_space<vmem>> -> memref<64xi32, #tpu.memory_space<vmem>>
        %dma_wait3A_284 = arith.constant 0 : i32
        %dma_wait3A_285 = arith.constant 0 : i32
        %dma_wait3A_286 = tpu.memref_slice %arg19[%dma_wait3A_284, %dma_wait3A_285] : memref<10240x128xf32, #tpu.memory_space<vmem_shared>> -> memref<10240x128xf32, #tpu.memory_space<vmem_shared>>
        tpu.wait_indirect_dma semaphore(%run_scoped3A_274 : memref<!tpu.dma_semaphore, #tpu.memory_space<semaphore_mem>>) src(%arg8 : memref<64x128xf32, #tpu.memory_space<vmem>>) dst(%dma_wait3A_286 : memref<10240x128xf32, #tpu.memory_space<vmem_shared>>)
        tpu.yield
      }) : () -> ()
      %dma_start3A_197 = arith.constant 0 : i32
      %dma_start3A_198 = tpu.memref_slice %arg7[%add3A_186, %dma_start3A_197] : memref<40x64xi32, #tpu.memory_space<vmem>> -> memref<1x64xi32, #tpu.memory_space<vmem>>
      %dma_start3A_199 = tpu.memref_squeeze %dma_start3A_198 : memref<1x64xi32, #tpu.memory_space<vmem>> -> memref<64xi32, #tpu.memory_space<vmem>>
      %dma_start3A_200 = arith.constant 0 : i32
      %dma_start3A_201 = tpu.memref_slice %arg20[%dma_start3A_200] : memref<10240xf32, #tpu.memory_space<vmem_shared>> -> memref<10240xf32, #tpu.memory_space<vmem_shared>>
      tpu.enqueue_indirect_dma source(%arg12 : memref<64xf32, #tpu.memory_space<vmem>>) target(%dma_start3A_201 : memref<10240xf32, #tpu.memory_space<vmem_shared>>) offsets(%dma_start3A_199 : memref<64xi32, #tpu.memory_space<vmem>>) semaphore(%arg18 : memref<!tpu.dma_semaphore, #tpu.memory_space<semaphore_mem>>) {add = true}
      %mul3A_202 = arith.constant 4 : i32
      %mul3A_203 = arith.muli %scan3A_182, %mul3A_202 : i32
      %add3A_204 = arith.constant 1 : i32
      %add3A_205 = arith.addi %mul3A_203, %add3A_204 : i32
      %add3A_206 = arith.constant 4 : i32
      %add3A_207 = arith.addi %add3A_205, %add3A_206 : i32
      %sub3A_208 = arith.constant 1 : i32
      %sub3A_209 = arith.subi %add3A_207, %sub3A_208 : i32
      %dma_wait3A_210 = arith.constant 0 : i32
      %dma_wait3A_211 = tpu.memref_slice %arg6[%add3A_205, %dma_wait3A_210] : memref<40x64xi32, #tpu.memory_space<vmem>> -> memref<1x64xi32, #tpu.memory_space<vmem>>
      %dma_wait3A_212 = tpu.memref_squeeze %dma_wait3A_211 : memref<1x64xi32, #tpu.memory_space<vmem>> -> memref<64xi32, #tpu.memory_space<vmem>>
      %dma_wait3A_213 = arith.constant 0 : i32
      %dma_wait3A_214 = arith.constant 0 : i32
      %dma_wait3A_215 = tpu.memref_slice %arg2[%dma_wait3A_213, %dma_wait3A_214] : memref<10000x128xf32, #tpu.memory_space<hbm>> -> memref<10000x128xf32, #tpu.memory_space<hbm>>
      tpu.wait_indirect_dma semaphore(%arg15 : memref<!tpu.dma_semaphore, #tpu.memory_space<semaphore_mem>>) src(%dma_wait3A_215 : memref<10000x128xf32, #tpu.memory_space<hbm>>) dst(%arg9 : memref<64x128xf32, #tpu.memory_space<vmem>>)
      %lt3A_216 = arith.constant 40 : i32
      %lt3A_217 = arith.cmpi slt, %sub3A_209, %lt3A_216 : i32
      %convert_element_type3A_218 = arith.extui %lt3A_217 : i1 to i32
      %cond3A_219 = arith.constant 0 : i32
      %cond3A_220 = arith.cmpi ne, %convert_element_type3A_218, %cond3A_219 : i32
      scf.if %cond3A_220 {
        %dma_start3A_274 = arith.constant 0 : i32
        %dma_start3A_275 = tpu.memref_slice %arg6[%sub3A_209, %dma_start3A_274] : memref<40x64xi32, #tpu.memory_space<vmem>> -> memref<1x64xi32, #tpu.memory_space<vmem>>
        %dma_start3A_276 = tpu.memref_squeeze %dma_start3A_275 : memref<1x64xi32, #tpu.memory_space<vmem>> -> memref<64xi32, #tpu.memory_space<vmem>>
        %dma_start3A_277 = arith.constant 0 : i32
        %dma_start3A_278 = arith.constant 0 : i32
        %dma_start3A_279 = tpu.memref_slice %arg2[%dma_start3A_277, %dma_start3A_278] : memref<10000x128xf32, #tpu.memory_space<hbm>> -> memref<10000x128xf32, #tpu.memory_space<hbm>>
        tpu.enqueue_indirect_dma source(%dma_start3A_279 : memref<10000x128xf32, #tpu.memory_space<hbm>>) target(%arg8 : memref<64x128xf32, #tpu.memory_space<vmem>>) offsets(%dma_start3A_276 : memref<64xi32, #tpu.memory_space<vmem>>) semaphore(%arg14 : memref<!tpu.dma_semaphore, #tpu.memory_space<semaphore_mem>>)
      } else {
      }
      "tpu.region"() ({
        %run_scoped3A_274 = tpu.sem_alloc : memref<!tpu.dma_semaphore, #tpu.memory_space<semaphore_mem>>
        %dma_start3A_275 = arith.constant 0 : i32
        %dma_start3A_276 = tpu.memref_slice %arg7[%add3A_205, %dma_start3A_275] : memref<40x64xi32, #tpu.memory_space<vmem>> -> memref<1x64xi32, #tpu.memory_space<vmem>>
        %dma_start3A_277 = tpu.memref_squeeze %dma_start3A_276 : memref<1x64xi32, #tpu.memory_space<vmem>> -> memref<64xi32, #tpu.memory_space<vmem>>
        %dma_start3A_278 = arith.constant 0 : i32
        %dma_start3A_279 = arith.constant 0 : i32
        %dma_start3A_280 = tpu.memref_slice %arg19[%dma_start3A_278, %dma_start3A_279] : memref<10240x128xf32, #tpu.memory_space<vmem_shared>> -> memref<10240x128xf32, #tpu.memory_space<vmem_shared>>
        tpu.enqueue_indirect_dma source(%arg9 : memref<64x128xf32, #tpu.memory_space<vmem>>) target(%dma_start3A_280 : memref<10240x128xf32, #tpu.memory_space<vmem_shared>>) offsets(%dma_start3A_277 : memref<64xi32, #tpu.memory_space<vmem>>) semaphore(%run_scoped3A_274 : memref<!tpu.dma_semaphore, #tpu.memory_space<semaphore_mem>>) {add = true}
        %dma_wait3A_281 = arith.constant 0 : i32
        %dma_wait3A_282 = tpu.memref_slice %arg7[%add3A_205, %dma_wait3A_281] : memref<40x64xi32, #tpu.memory_space<vmem>> -> memref<1x64xi32, #tpu.memory_space<vmem>>
        %dma_wait3A_283 = tpu.memref_squeeze %dma_wait3A_282 : memref<1x64xi32, #tpu.memory_space<vmem>> -> memref<64xi32, #tpu.memory_space<vmem>>
        %dma_wait3A_284 = arith.constant 0 : i32
        %dma_wait3A_285 = arith.constant 0 : i32
        %dma_wait3A_286 = tpu.memref_slice %arg19[%dma_wait3A_284, %dma_wait3A_285] : memref<10240x128xf32, #tpu.memory_space<vmem_shared>> -> memref<10240x128xf32, #tpu.memory_space<vmem_shared>>
        tpu.wait_indirect_dma semaphore(%run_scoped3A_274 : memref<!tpu.dma_semaphore, #tpu.memory_space<semaphore_mem>>) src(%arg9 : memref<64x128xf32, #tpu.memory_space<vmem>>) dst(%dma_wait3A_286 : memref<10240x128xf32, #tpu.memory_space<vmem_shared>>)
        tpu.yield
      }) : () -> ()
      %dma_start3A_221 = arith.constant 0 : i32
      %dma_start3A_222 = tpu.memref_slice %arg7[%add3A_205, %dma_start3A_221] : memref<40x64xi32, #tpu.memory_space<vmem>> -> memref<1x64xi32, #tpu.memory_space<vmem>>
      %dma_start3A_223 = tpu.memref_squeeze %dma_start3A_222 : memref<1x64xi32, #tpu.memory_space<vmem>> -> memref<64xi32, #tpu.memory_space<vmem>>
      %dma_start3A_224 = arith.constant 0 : i32
      %dma_start3A_225 = tpu.memref_slice %arg20[%dma_start3A_224] : memref<10240xf32, #tpu.memory_space<vmem_shared>> -> memref<10240xf32, #tpu.memory_space<vmem_shared>>
      tpu.enqueue_indirect_dma source(%arg12 : memref<64xf32, #tpu.memory_space<vmem>>) target(%dma_start3A_225 : memref<10240xf32, #tpu.memory_space<vmem_shared>>) offsets(%dma_start3A_223 : memref<64xi32, #tpu.memory_space<vmem>>) semaphore(%arg18 : memref<!tpu.dma_semaphore, #tpu.memory_space<semaphore_mem>>) {add = true}
      %mul3A_226 = arith.constant 4 : i32
      %mul3A_227 = arith.muli %scan3A_182, %mul3A_226 : i32
      %add3A_228 = arith.constant 2 : i32
      %add3A_229 = arith.addi %mul3A_227, %add3A_228 : i32
      %add3A_230 = arith.constant 4 : i32
      %add3A_231 = arith.addi %add3A_229, %add3A_230 : i32
      %sub3A_232 = arith.constant 1 : i32
      %sub3A_233 = arith.subi %add3A_231, %sub3A_232 : i32
      %dma_wait3A_234 = arith.constant 0 : i32
      %dma_wait3A_235 = tpu.memref_slice %arg6[%add3A_229, %dma_wait3A_234] : memref<40x64xi32, #tpu.memory_space<vmem>> -> memref<1x64xi32, #tpu.memory_space<vmem>>
      %dma_wait3A_236 = tpu.memref_squeeze %dma_wait3A_235 : memref<1x64xi32, #tpu.memory_space<vmem>> -> memref<64xi32, #tpu.memory_space<vmem>>
      %dma_wait3A_237 = arith.constant 0 : i32
      %dma_wait3A_238 = arith.constant 0 : i32
      %dma_wait3A_239 = tpu.memref_slice %arg2[%dma_wait3A_237, %dma_wait3A_238] : memref<10000x128xf32, #tpu.memory_space<hbm>> -> memref<10000x128xf32, #tpu.memory_space<hbm>>
      tpu.wait_indirect_dma semaphore(%arg16 : memref<!tpu.dma_semaphore, #tpu.memory_space<semaphore_mem>>) src(%dma_wait3A_239 : memref<10000x128xf32, #tpu.memory_space<hbm>>) dst(%arg10 : memref<64x128xf32, #tpu.memory_space<vmem>>)
      %lt3A_240 = arith.constant 40 : i32
      %lt3A_241 = arith.cmpi slt, %sub3A_233, %lt3A_240 : i32
      %convert_element_type3A_242 = arith.extui %lt3A_241 : i1 to i32
      %cond3A_243 = arith.constant 0 : i32
      %cond3A_244 = arith.cmpi ne, %convert_element_type3A_242, %cond3A_243 : i32
      scf.if %cond3A_244 {
        %dma_start3A_274 = arith.constant 0 : i32
        %dma_start3A_275 = tpu.memref_slice %arg6[%sub3A_233, %dma_start3A_274] : memref<40x64xi32, #tpu.memory_space<vmem>> -> memref<1x64xi32, #tpu.memory_space<vmem>>
        %dma_start3A_276 = tpu.memref_squeeze %dma_start3A_275 : memref<1x64xi32, #tpu.memory_space<vmem>> -> memref<64xi32, #tpu.memory_space<vmem>>
        %dma_start3A_277 = arith.constant 0 : i32
        %dma_start3A_278 = arith.constant 0 : i32
        %dma_start3A_279 = tpu.memref_slice %arg2[%dma_start3A_277, %dma_start3A_278] : memref<10000x128xf32, #tpu.memory_space<hbm>> -> memref<10000x128xf32, #tpu.memory_space<hbm>>
        tpu.enqueue_indirect_dma source(%dma_start3A_279 : memref<10000x128xf32, #tpu.memory_space<hbm>>) target(%arg9 : memref<64x128xf32, #tpu.memory_space<vmem>>) offsets(%dma_start3A_276 : memref<64xi32, #tpu.memory_space<vmem>>) semaphore(%arg15 : memref<!tpu.dma_semaphore, #tpu.memory_space<semaphore_mem>>)
      } else {
      }
      "tpu.region"() ({
        %run_scoped3A_274 = tpu.sem_alloc : memref<!tpu.dma_semaphore, #tpu.memory_space<semaphore_mem>>
        %dma_start3A_275 = arith.constant 0 : i32
        %dma_start3A_276 = tpu.memref_slice %arg7[%add3A_229, %dma_start3A_275] : memref<40x64xi32, #tpu.memory_space<vmem>> -> memref<1x64xi32, #tpu.memory_space<vmem>>
        %dma_start3A_277 = tpu.memref_squeeze %dma_start3A_276 : memref<1x64xi32, #tpu.memory_space<vmem>> -> memref<64xi32, #tpu.memory_space<vmem>>
        %dma_start3A_278 = arith.constant 0 : i32
        %dma_start3A_279 = arith.constant 0 : i32
        %dma_start3A_280 = tpu.memref_slice %arg19[%dma_start3A_278, %dma_start3A_279] : memref<10240x128xf32, #tpu.memory_space<vmem_shared>> -> memref<10240x128xf32, #tpu.memory_space<vmem_shared>>
        tpu.enqueue_indirect_dma source(%arg10 : memref<64x128xf32, #tpu.memory_space<vmem>>) target(%dma_start3A_280 : memref<10240x128xf32, #tpu.memory_space<vmem_shared>>) offsets(%dma_start3A_277 : memref<64xi32, #tpu.memory_space<vmem>>) semaphore(%run_scoped3A_274 : memref<!tpu.dma_semaphore, #tpu.memory_space<semaphore_mem>>) {add = true}
        %dma_wait3A_281 = arith.constant 0 : i32
        %dma_wait3A_282 = tpu.memref_slice %arg7[%add3A_229, %dma_wait3A_281] : memref<40x64xi32, #tpu.memory_space<vmem>> -> memref<1x64xi32, #tpu.memory_space<vmem>>
        %dma_wait3A_283 = tpu.memref_squeeze %dma_wait3A_282 : memref<1x64xi32, #tpu.memory_space<vmem>> -> memref<64xi32, #tpu.memory_space<vmem>>
        %dma_wait3A_284 = arith.constant 0 : i32
        %dma_wait3A_285 = arith.constant 0 : i32
        %dma_wait3A_286 = tpu.memref_slice %arg19[%dma_wait3A_284, %dma_wait3A_285] : memref<10240x128xf32, #tpu.memory_space<vmem_shared>> -> memref<10240x128xf32, #tpu.memory_space<vmem_shared>>
        tpu.wait_indirect_dma semaphore(%run_scoped3A_274 : memref<!tpu.dma_semaphore, #tpu.memory_space<semaphore_mem>>) src(%arg10 : memref<64x128xf32, #tpu.memory_space<vmem>>) dst(%dma_wait3A_286 : memref<10240x128xf32, #tpu.memory_space<vmem_shared>>)
        tpu.yield
      }) : () -> ()
      %dma_start3A_245 = arith.constant 0 : i32
      %dma_start3A_246 = tpu.memref_slice %arg7[%add3A_229, %dma_start3A_245] : memref<40x64xi32, #tpu.memory_space<vmem>> -> memref<1x64xi32, #tpu.memory_space<vmem>>
      %dma_start3A_247 = tpu.memref_squeeze %dma_start3A_246 : memref<1x64xi32, #tpu.memory_space<vmem>> -> memref<64xi32, #tpu.memory_space<vmem>>
      %dma_start3A_248 = arith.constant 0 : i32
      %dma_start3A_249 = tpu.memref_slice %arg20[%dma_start3A_248] : memref<10240xf32, #tpu.memory_space<vmem_shared>> -> memref<10240xf32, #tpu.memory_space<vmem_shared>>
      tpu.enqueue_indirect_dma source(%arg12 : memref<64xf32, #tpu.memory_space<vmem>>) target(%dma_start3A_249 : memref<10240xf32, #tpu.memory_space<vmem_shared>>) offsets(%dma_start3A_247 : memref<64xi32, #tpu.memory_space<vmem>>) semaphore(%arg18 : memref<!tpu.dma_semaphore, #tpu.memory_space<semaphore_mem>>) {add = true}
      %mul3A_250 = arith.constant 4 : i32
      %mul3A_251 = arith.muli %scan3A_182, %mul3A_250 : i32
      %add3A_252 = arith.constant 3 : i32
      %add3A_253 = arith.addi %mul3A_251, %add3A_252 : i32
      %add3A_254 = arith.constant 4 : i32
      %add3A_255 = arith.addi %add3A_253, %add3A_254 : i32
      %sub3A_256 = arith.constant 1 : i32
      %sub3A_257 = arith.subi %add3A_255, %sub3A_256 : i32
      %dma_wait3A_258 = arith.constant 0 : i32
      %dma_wait3A_259 = tpu.memref_slice %arg6[%add3A_253, %dma_wait3A_258] : memref<40x64xi32, #tpu.memory_space<vmem>> -> memref<1x64xi32, #tpu.memory_space<vmem>>
      %dma_wait3A_260 = tpu.memref_squeeze %dma_wait3A_259 : memref<1x64xi32, #tpu.memory_space<vmem>> -> memref<64xi32, #tpu.memory_space<vmem>>
      %dma_wait3A_261 = arith.constant 0 : i32
      %dma_wait3A_262 = arith.constant 0 : i32
      %dma_wait3A_263 = tpu.memref_slice %arg2[%dma_wait3A_261, %dma_wait3A_262] : memref<10000x128xf32, #tpu.memory_space<hbm>> -> memref<10000x128xf32, #tpu.memory_space<hbm>>
      tpu.wait_indirect_dma semaphore(%arg17 : memref<!tpu.dma_semaphore, #tpu.memory_space<semaphore_mem>>) src(%dma_wait3A_263 : memref<10000x128xf32, #tpu.memory_space<hbm>>) dst(%arg11 : memref<64x128xf32, #tpu.memory_space<vmem>>)
      %lt3A_264 = arith.constant 40 : i32
      %lt3A_265 = arith.cmpi slt, %sub3A_257, %lt3A_264 : i32
      %convert_element_type3A_266 = arith.extui %lt3A_265 : i1 to i32
      %cond3A_267 = arith.constant 0 : i32
      %cond3A_268 = arith.cmpi ne, %convert_element_type3A_266, %cond3A_267 : i32
      scf.if %cond3A_268 {
        %dma_start3A_274 = arith.constant 0 : i32
        %dma_start3A_275 = tpu.memref_slice %arg6[%sub3A_257, %dma_start3A_274] : memref<40x64xi32, #tpu.memory_space<vmem>> -> memref<1x64xi32, #tpu.memory_space<vmem>>
        %dma_start3A_276 = tpu.memref_squeeze %dma_start3A_275 : memref<1x64xi32, #tpu.memory_space<vmem>> -> memref<64xi32, #tpu.memory_space<vmem>>
        %dma_start3A_277 = arith.constant 0 : i32
        %dma_start3A_278 = arith.constant 0 : i32
        %dma_start3A_279 = tpu.memref_slice %arg2[%dma_start3A_277, %dma_start3A_278] : memref<10000x128xf32, #tpu.memory_space<hbm>> -> memref<10000x128xf32, #tpu.memory_space<hbm>>
        tpu.enqueue_indirect_dma source(%dma_start3A_279 : memref<10000x128xf32, #tpu.memory_space<hbm>>) target(%arg10 : memref<64x128xf32, #tpu.memory_space<vmem>>) offsets(%dma_start3A_276 : memref<64xi32, #tpu.memory_space<vmem>>) semaphore(%arg16 : memref<!tpu.dma_semaphore, #tpu.memory_space<semaphore_mem>>)
      } else {
      }
      "tpu.region"() ({
        %run_scoped3A_274 = tpu.sem_alloc : memref<!tpu.dma_semaphore, #tpu.memory_space<semaphore_mem>>
        %dma_start3A_275 = arith.constant 0 : i32
        %dma_start3A_276 = tpu.memref_slice %arg7[%add3A_253, %dma_start3A_275] : memref<40x64xi32, #tpu.memory_space<vmem>> -> memref<1x64xi32, #tpu.memory_space<vmem>>
        %dma_start3A_277 = tpu.memref_squeeze %dma_start3A_276 : memref<1x64xi32, #tpu.memory_space<vmem>> -> memref<64xi32, #tpu.memory_space<vmem>>
        %dma_start3A_278 = arith.constant 0 : i32
        %dma_start3A_279 = arith.constant 0 : i32
        %dma_start3A_280 = tpu.memref_slice %arg19[%dma_start3A_278, %dma_start3A_279] : memref<10240x128xf32, #tpu.memory_space<vmem_shared>> -> memref<10240x128xf32, #tpu.memory_space<vmem_shared>>
        tpu.enqueue_indirect_dma source(%arg11 : memref<64x128xf32, #tpu.memory_space<vmem>>) target(%dma_start3A_280 : memref<10240x128xf32, #tpu.memory_space<vmem_shared>>) offsets(%dma_start3A_277 : memref<64xi32, #tpu.memory_space<vmem>>) semaphore(%run_scoped3A_274 : memref<!tpu.dma_semaphore, #tpu.memory_space<semaphore_mem>>) {add = true}
        %dma_wait3A_281 = arith.constant 0 : i32
        %dma_wait3A_282 = tpu.memref_slice %arg7[%add3A_253, %dma_wait3A_281] : memref<40x64xi32, #tpu.memory_space<vmem>> -> memref<1x64xi32, #tpu.memory_space<vmem>>
        %dma_wait3A_283 = tpu.memref_squeeze %dma_wait3A_282 : memref<1x64xi32, #tpu.memory_space<vmem>> -> memref<64xi32, #tpu.memory_space<vmem>>
        %dma_wait3A_284 = arith.constant 0 : i32
        %dma_wait3A_285 = arith.constant 0 : i32
        %dma_wait3A_286 = tpu.memref_slice %arg19[%dma_wait3A_284, %dma_wait3A_285] : memref<10240x128xf32, #tpu.memory_space<vmem_shared>> -> memref<10240x128xf32, #tpu.memory_space<vmem_shared>>
        tpu.wait_indirect_dma semaphore(%run_scoped3A_274 : memref<!tpu.dma_semaphore, #tpu.memory_space<semaphore_mem>>) src(%arg11 : memref<64x128xf32, #tpu.memory_space<vmem>>) dst(%dma_wait3A_286 : memref<10240x128xf32, #tpu.memory_space<vmem_shared>>)
        tpu.yield
      }) : () -> ()
      %dma_start3A_269 = arith.constant 0 : i32
      %dma_start3A_270 = tpu.memref_slice %arg7[%add3A_253, %dma_start3A_269] : memref<40x64xi32, #tpu.memory_space<vmem>> -> memref<1x64xi32, #tpu.memory_space<vmem>>
      %dma_start3A_271 = tpu.memref_squeeze %dma_start3A_270 : memref<1x64xi32, #tpu.memory_space<vmem>> -> memref<64xi32, #tpu.memory_space<vmem>>
      %dma_start3A_272 = arith.constant 0 : i32
      %dma_start3A_273 = tpu.memref_slice %arg20[%dma_start3A_272] : memref<10240xf32, #tpu.memory_space<vmem_shared>> -> memref<10240xf32, #tpu.memory_space<vmem_shared>>
      tpu.enqueue_indirect_dma source(%arg12 : memref<64xf32, #tpu.memory_space<vmem>>) target(%dma_start3A_273 : memref<10240xf32, #tpu.memory_space<vmem_shared>>) offsets(%dma_start3A_271 : memref<64xi32, #tpu.memory_space<vmem>>) semaphore(%arg18 : memref<!tpu.dma_semaphore, #tpu.memory_space<semaphore_mem>>) {add = true}
    }
    %scan3A_66 = arith.constant 10 : i32
    %scan3A_67 = arith.constant 0 : i32
    %scan3A_68 = arith.constant 0 : i32
    %scan3A_69 = arith.constant 40 : i32
    %scan3A_70 = arith.addi %scan3A_68, %scan3A_69 : i32
    %scan3A_71 = arith.constant 1 : i32
    scf.for %scan3A_182 = %scan3A_68 to %scan3A_70 step %scan3A_71  : i32 {
      %dma_wait3A = arith.constant 0 : i32
      %dma_wait3A_183 = tpu.memref_slice %arg7[%scan3A_182, %dma_wait3A] : memref<40x64xi32, #tpu.memory_space<vmem>> -> memref<1x64xi32, #tpu.memory_space<vmem>>
      %dma_wait3A_184 = tpu.memref_squeeze %dma_wait3A_183 : memref<1x64xi32, #tpu.memory_space<vmem>> -> memref<64xi32, #tpu.memory_space<vmem>>
      %dma_wait3A_185 = arith.constant 0 : i32
      %dma_wait3A_186 = tpu.memref_slice %arg20[%dma_wait3A_185] : memref<10240xf32, #tpu.memory_space<vmem_shared>> -> memref<10240xf32, #tpu.memory_space<vmem_shared>>
      tpu.wait_indirect_dma semaphore(%arg18 : memref<!tpu.dma_semaphore, #tpu.memory_space<semaphore_mem>>) src(%arg12 : memref<64xf32, #tpu.memory_space<vmem>>) dst(%dma_wait3A_186 : memref<10240xf32, #tpu.memory_space<vmem_shared>>)
    }
    %scan3A_72 = arith.constant 40 : i32
    %run_scoped3A_73 = arith.constant 1 : i32
    "tpu.region"() ({
      %run_scoped3A_182 = tpu.sem_alloc : memref<!tpu.dma_semaphore, #tpu.memory_space<semaphore_mem>>
      %dma_start3A_183 = arith.constant 40 : i32
      %dma_start3A_184 = arith.constant 0 : i32
      %dma_start3A_185 = tpu.memref_slice %arg3[%run_scoped3A_73, %add3A, %dma_start3A_183, %dma_start3A_184] : memref<2x32x160x64xi32, #tpu.memory_space<hbm>> -> memref<1x1x40x64xi32, #tpu.memory_space<hbm>>
      %dma_start3A_186 = tpu.memref_squeeze %dma_start3A_185 : memref<1x1x40x64xi32, #tpu.memory_space<hbm>> -> memref<40x64xi32, #tpu.memory_space<hbm>>
      %dma_start3A_187 = arith.constant 40 : i32
      %dma_start3A_188 = arith.constant 0 : i32
      %dma_start3A_189 = tpu.memref_slice %arg3[%run_scoped3A_73, %add3A, %dma_start3A_187, %dma_start3A_188] : memref<2x32x160x64xi32, #tpu.memory_space<hbm>> -> memref<1x1x40x64xi32, #tpu.memory_space<hbm>>
      %dma_start3A_190 = tpu.memref_squeeze %dma_start3A_189 : memref<1x1x40x64xi32, #tpu.memory_space<hbm>> -> memref<40x64xi32, #tpu.memory_space<hbm>>
      tpu.enqueue_dma source(%dma_start3A_190 : memref<40x64xi32, #tpu.memory_space<hbm>>) target(%arg6 : memref<40x64xi32, #tpu.memory_space<vmem>>) target_semaphore(%run_scoped3A_182 : memref<!tpu.dma_semaphore, #tpu.memory_space<semaphore_mem>>)
      %dma_wait3A = arith.constant 40 : i32
      %dma_wait3A_191 = arith.constant 0 : i32
      %dma_wait3A_192 = tpu.memref_slice %arg3[%run_scoped3A_73, %add3A, %dma_wait3A, %dma_wait3A_191] : memref<2x32x160x64xi32, #tpu.memory_space<hbm>> -> memref<1x1x40x64xi32, #tpu.memory_space<hbm>>
      %dma_wait3A_193 = tpu.memref_squeeze %dma_wait3A_192 : memref<1x1x40x64xi32, #tpu.memory_space<hbm>> -> memref<40x64xi32, #tpu.memory_space<hbm>>
      %dma_wait3A_194 = arith.constant 40 : i32
      %dma_wait3A_195 = arith.constant 0 : i32
      %dma_wait3A_196 = tpu.memref_slice %arg3[%run_scoped3A_73, %add3A, %dma_wait3A_194, %dma_wait3A_195] : memref<2x32x160x64xi32, #tpu.memory_space<hbm>> -> memref<1x1x40x64xi32, #tpu.memory_space<hbm>>
      %dma_wait3A_197 = tpu.memref_squeeze %dma_wait3A_196 : memref<1x1x40x64xi32, #tpu.memory_space<hbm>> -> memref<40x64xi32, #tpu.memory_space<hbm>>
      tpu.wait_dma2 semaphore(%run_scoped3A_182 : memref<!tpu.dma_semaphore, #tpu.memory_space<semaphore_mem>>) src(%dma_wait3A_197 : memref<40x64xi32, #tpu.memory_space<hbm>>) dst(%arg6 : memref<40x64xi32, #tpu.memory_space<vmem>>)
      tpu.yield
    }) : () -> ()
    %run_scoped3A_74 = arith.constant 0 : i32
    "tpu.region"() ({
      %run_scoped3A_182 = tpu.sem_alloc : memref<!tpu.dma_semaphore, #tpu.memory_space<semaphore_mem>>
      %dma_start3A_183 = arith.constant 40 : i32
      %dma_start3A_184 = arith.constant 0 : i32
      %dma_start3A_185 = tpu.memref_slice %arg3[%run_scoped3A_74, %add3A, %dma_start3A_183, %dma_start3A_184] : memref<2x32x160x64xi32, #tpu.memory_space<hbm>> -> memref<1x1x40x64xi32, #tpu.memory_space<hbm>>
      %dma_start3A_186 = tpu.memref_squeeze %dma_start3A_185 : memref<1x1x40x64xi32, #tpu.memory_space<hbm>> -> memref<40x64xi32, #tpu.memory_space<hbm>>
      %dma_start3A_187 = arith.constant 40 : i32
      %dma_start3A_188 = arith.constant 0 : i32
      %dma_start3A_189 = tpu.memref_slice %arg3[%run_scoped3A_74, %add3A, %dma_start3A_187, %dma_start3A_188] : memref<2x32x160x64xi32, #tpu.memory_space<hbm>> -> memref<1x1x40x64xi32, #tpu.memory_space<hbm>>
      %dma_start3A_190 = tpu.memref_squeeze %dma_start3A_189 : memref<1x1x40x64xi32, #tpu.memory_space<hbm>> -> memref<40x64xi32, #tpu.memory_space<hbm>>
      tpu.enqueue_dma source(%dma_start3A_190 : memref<40x64xi32, #tpu.memory_space<hbm>>) target(%arg7 : memref<40x64xi32, #tpu.memory_space<vmem>>) target_semaphore(%run_scoped3A_182 : memref<!tpu.dma_semaphore, #tpu.memory_space<semaphore_mem>>)
      %dma_wait3A = arith.constant 40 : i32
      %dma_wait3A_191 = arith.constant 0 : i32
      %dma_wait3A_192 = tpu.memref_slice %arg3[%run_scoped3A_74, %add3A, %dma_wait3A, %dma_wait3A_191] : memref<2x32x160x64xi32, #tpu.memory_space<hbm>> -> memref<1x1x40x64xi32, #tpu.memory_space<hbm>>
      %dma_wait3A_193 = tpu.memref_squeeze %dma_wait3A_192 : memref<1x1x40x64xi32, #tpu.memory_space<hbm>> -> memref<40x64xi32, #tpu.memory_space<hbm>>
      %dma_wait3A_194 = arith.constant 40 : i32
      %dma_wait3A_195 = arith.constant 0 : i32
      %dma_wait3A_196 = tpu.memref_slice %arg3[%run_scoped3A_74, %add3A, %dma_wait3A_194, %dma_wait3A_195] : memref<2x32x160x64xi32, #tpu.memory_space<hbm>> -> memref<1x1x40x64xi32, #tpu.memory_space<hbm>>
      %dma_wait3A_197 = tpu.memref_squeeze %dma_wait3A_196 : memref<1x1x40x64xi32, #tpu.memory_space<hbm>> -> memref<40x64xi32, #tpu.memory_space<hbm>>
      tpu.wait_dma2 semaphore(%run_scoped3A_182 : memref<!tpu.dma_semaphore, #tpu.memory_space<semaphore_mem>>) src(%dma_wait3A_197 : memref<40x64xi32, #tpu.memory_space<hbm>>) dst(%arg7 : memref<40x64xi32, #tpu.memory_space<vmem>>)
      tpu.yield
    }) : () -> ()
    %dma_start3A_75 = arith.constant 0 : i32
    %dma_start3A_76 = arith.constant 0 : i32
    %dma_start3A_77 = tpu.memref_slice %arg6[%dma_start3A_75, %dma_start3A_76] : memref<40x64xi32, #tpu.memory_space<vmem>> -> memref<1x64xi32, #tpu.memory_space<vmem>>
    %dma_start3A_78 = tpu.memref_squeeze %dma_start3A_77 : memref<1x64xi32, #tpu.memory_space<vmem>> -> memref<64xi32, #tpu.memory_space<vmem>>
    %dma_start3A_79 = arith.constant 0 : i32
    %dma_start3A_80 = arith.constant 0 : i32
    %dma_start3A_81 = tpu.memref_slice %arg2[%dma_start3A_79, %dma_start3A_80] : memref<10000x128xf32, #tpu.memory_space<hbm>> -> memref<10000x128xf32, #tpu.memory_space<hbm>>
    tpu.enqueue_indirect_dma source(%dma_start3A_81 : memref<10000x128xf32, #tpu.memory_space<hbm>>) target(%arg8 : memref<64x128xf32, #tpu.memory_space<vmem>>) offsets(%dma_start3A_78 : memref<64xi32, #tpu.memory_space<vmem>>) semaphore(%arg14 : memref<!tpu.dma_semaphore, #tpu.memory_space<semaphore_mem>>)
    %dma_start3A_82 = arith.constant 1 : i32
    %dma_start3A_83 = arith.constant 0 : i32
    %dma_start3A_84 = tpu.memref_slice %arg6[%dma_start3A_82, %dma_start3A_83] : memref<40x64xi32, #tpu.memory_space<vmem>> -> memref<1x64xi32, #tpu.memory_space<vmem>>
    %dma_start3A_85 = tpu.memref_squeeze %dma_start3A_84 : memref<1x64xi32, #tpu.memory_space<vmem>> -> memref<64xi32, #tpu.memory_space<vmem>>
    %dma_start3A_86 = arith.constant 0 : i32
    %dma_start3A_87 = arith.constant 0 : i32
    %dma_start3A_88 = tpu.memref_slice %arg2[%dma_start3A_86, %dma_start3A_87] : memref<10000x128xf32, #tpu.memory_space<hbm>> -> memref<10000x128xf32, #tpu.memory_space<hbm>>
    tpu.enqueue_indirect_dma source(%dma_start3A_88 : memref<10000x128xf32, #tpu.memory_space<hbm>>) target(%arg9 : memref<64x128xf32, #tpu.memory_space<vmem>>) offsets(%dma_start3A_85 : memref<64xi32, #tpu.memory_space<vmem>>) semaphore(%arg15 : memref<!tpu.dma_semaphore, #tpu.memory_space<semaphore_mem>>)
    %dma_start3A_89 = arith.constant 2 : i32
    %dma_start3A_90 = arith.constant 0 : i32
    %dma_start3A_91 = tpu.memref_slice %arg6[%dma_start3A_89, %dma_start3A_90] : memref<40x64xi32, #tpu.memory_space<vmem>> -> memref<1x64xi32, #tpu.memory_space<vmem>>
    %dma_start3A_92 = tpu.memref_squeeze %dma_start3A_91 : memref<1x64xi32, #tpu.memory_space<vmem>> -> memref<64xi32, #tpu.memory_space<vmem>>
    %dma_start3A_93 = arith.constant 0 : i32
    %dma_start3A_94 = arith.constant 0 : i32
    %dma_start3A_95 = tpu.memref_slice %arg2[%dma_start3A_93, %dma_start3A_94] : memref<10000x128xf32, #tpu.memory_space<hbm>> -> memref<10000x128xf32, #tpu.memory_space<hbm>>
    tpu.enqueue_indirect_dma source(%dma_start3A_95 : memref<10000x128xf32, #tpu.memory_space<hbm>>) target(%arg10 : memref<64x128xf32, #tpu.memory_space<vmem>>) offsets(%dma_start3A_92 : memref<64xi32, #tpu.memory_space<vmem>>) semaphore(%arg16 : memref<!tpu.dma_semaphore, #tpu.memory_space<semaphore_mem>>)
    %scan3A_96 = arith.constant 0 : i32
    %scan3A_97 = arith.constant 0 : i32
    %scan3A_98 = arith.constant 10 : i32
    %scan3A_99 = arith.addi %scan3A_97, %scan3A_98 : i32
    %scan3A_100 = arith.constant 1 : i32
    scf.for %scan3A_182 = %scan3A_97 to %scan3A_99 step %scan3A_100  : i32 {
      %mul3A_183 = arith.constant 4 : i32
      %mul3A_184 = arith.muli %scan3A_182, %mul3A_183 : i32
      %add3A_185 = arith.constant 0 : i32
      %add3A_186 = arith.addi %mul3A_184, %add3A_185 : i32
      %add3A_187 = arith.constant 4 : i32
      %add3A_188 = arith.addi %add3A_186, %add3A_187 : i32
      %sub3A = arith.constant 1 : i32
      %sub3A_189 = arith.subi %add3A_188, %sub3A : i32
      %dma_wait3A = arith.constant 0 : i32
      %dma_wait3A_190 = tpu.memref_slice %arg6[%add3A_186, %dma_wait3A] : memref<40x64xi32, #tpu.memory_space<vmem>> -> memref<1x64xi32, #tpu.memory_space<vmem>>
      %dma_wait3A_191 = tpu.memref_squeeze %dma_wait3A_190 : memref<1x64xi32, #tpu.memory_space<vmem>> -> memref<64xi32, #tpu.memory_space<vmem>>
      %dma_wait3A_192 = arith.constant 0 : i32
      %dma_wait3A_193 = arith.constant 0 : i32
      %dma_wait3A_194 = tpu.memref_slice %arg2[%dma_wait3A_192, %dma_wait3A_193] : memref<10000x128xf32, #tpu.memory_space<hbm>> -> memref<10000x128xf32, #tpu.memory_space<hbm>>
      tpu.wait_indirect_dma semaphore(%arg14 : memref<!tpu.dma_semaphore, #tpu.memory_space<semaphore_mem>>) src(%dma_wait3A_194 : memref<10000x128xf32, #tpu.memory_space<hbm>>) dst(%arg8 : memref<64x128xf32, #tpu.memory_space<vmem>>)
      %lt3A = arith.constant 40 : i32
      %lt3A_195 = arith.cmpi slt, %sub3A_189, %lt3A : i32
      %convert_element_type3A = arith.extui %lt3A_195 : i1 to i32
      %cond3A = arith.constant 0 : i32
      %cond3A_196 = arith.cmpi ne, %convert_element_type3A, %cond3A : i32
      scf.if %cond3A_196 {
        %dma_start3A_274 = arith.constant 0 : i32
        %dma_start3A_275 = tpu.memref_slice %arg6[%sub3A_189, %dma_start3A_274] : memref<40x64xi32, #tpu.memory_space<vmem>> -> memref<1x64xi32, #tpu.memory_space<vmem>>
        %dma_start3A_276 = tpu.memref_squeeze %dma_start3A_275 : memref<1x64xi32, #tpu.memory_space<vmem>> -> memref<64xi32, #tpu.memory_space<vmem>>
        %dma_start3A_277 = arith.constant 0 : i32
        %dma_start3A_278 = arith.constant 0 : i32
        %dma_start3A_279 = tpu.memref_slice %arg2[%dma_start3A_277, %dma_start3A_278] : memref<10000x128xf32, #tpu.memory_space<hbm>> -> memref<10000x128xf32, #tpu.memory_space<hbm>>
        tpu.enqueue_indirect_dma source(%dma_start3A_279 : memref<10000x128xf32, #tpu.memory_space<hbm>>) target(%arg11 : memref<64x128xf32, #tpu.memory_space<vmem>>) offsets(%dma_start3A_276 : memref<64xi32, #tpu.memory_space<vmem>>) semaphore(%arg17 : memref<!tpu.dma_semaphore, #tpu.memory_space<semaphore_mem>>)
      } else {
      }
      "tpu.region"() ({
        %run_scoped3A_274 = tpu.sem_alloc : memref<!tpu.dma_semaphore, #tpu.memory_space<semaphore_mem>>
        %dma_start3A_275 = arith.constant 0 : i32
        %dma_start3A_276 = tpu.memref_slice %arg7[%add3A_186, %dma_start3A_275] : memref<40x64xi32, #tpu.memory_space<vmem>> -> memref<1x64xi32, #tpu.memory_space<vmem>>
        %dma_start3A_277 = tpu.memref_squeeze %dma_start3A_276 : memref<1x64xi32, #tpu.memory_space<vmem>> -> memref<64xi32, #tpu.memory_space<vmem>>
        %dma_start3A_278 = arith.constant 0 : i32
        %dma_start3A_279 = arith.constant 0 : i32
        %dma_start3A_280 = tpu.memref_slice %arg19[%dma_start3A_278, %dma_start3A_279] : memref<10240x128xf32, #tpu.memory_space<vmem_shared>> -> memref<10240x128xf32, #tpu.memory_space<vmem_shared>>
        tpu.enqueue_indirect_dma source(%arg8 : memref<64x128xf32, #tpu.memory_space<vmem>>) target(%dma_start3A_280 : memref<10240x128xf32, #tpu.memory_space<vmem_shared>>) offsets(%dma_start3A_277 : memref<64xi32, #tpu.memory_space<vmem>>) semaphore(%run_scoped3A_274 : memref<!tpu.dma_semaphore, #tpu.memory_space<semaphore_mem>>) {add = true}
        %dma_wait3A_281 = arith.constant 0 : i32
        %dma_wait3A_282 = tpu.memref_slice %arg7[%add3A_186, %dma_wait3A_281] : memref<40x64xi32, #tpu.memory_space<vmem>> -> memref<1x64xi32, #tpu.memory_space<vmem>>
        %dma_wait3A_283 = tpu.memref_squeeze %dma_wait3A_282 : memref<1x64xi32, #tpu.memory_space<vmem>> -> memref<64xi32, #tpu.memory_space<vmem>>
        %dma_wait3A_284 = arith.constant 0 : i32
        %dma_wait3A_285 = arith.constant 0 : i32
        %dma_wait3A_286 = tpu.memref_slice %arg19[%dma_wait3A_284, %dma_wait3A_285] : memref<10240x128xf32, #tpu.memory_space<vmem_shared>> -> memref<10240x128xf32, #tpu.memory_space<vmem_shared>>
        tpu.wait_indirect_dma semaphore(%run_scoped3A_274 : memref<!tpu.dma_semaphore, #tpu.memory_space<semaphore_mem>>) src(%arg8 : memref<64x128xf32, #tpu.memory_space<vmem>>) dst(%dma_wait3A_286 : memref<10240x128xf32, #tpu.memory_space<vmem_shared>>)
        tpu.yield
      }) : () -> ()
      %dma_start3A_197 = arith.constant 0 : i32
      %dma_start3A_198 = tpu.memref_slice %arg7[%add3A_186, %dma_start3A_197] : memref<40x64xi32, #tpu.memory_space<vmem>> -> memref<1x64xi32, #tpu.memory_space<vmem>>
      %dma_start3A_199 = tpu.memref_squeeze %dma_start3A_198 : memref<1x64xi32, #tpu.memory_space<vmem>> -> memref<64xi32, #tpu.memory_space<vmem>>
      %dma_start3A_200 = arith.constant 0 : i32
      %dma_start3A_201 = tpu.memref_slice %arg20[%dma_start3A_200] : memref<10240xf32, #tpu.memory_space<vmem_shared>> -> memref<10240xf32, #tpu.memory_space<vmem_shared>>
      tpu.enqueue_indirect_dma source(%arg12 : memref<64xf32, #tpu.memory_space<vmem>>) target(%dma_start3A_201 : memref<10240xf32, #tpu.memory_space<vmem_shared>>) offsets(%dma_start3A_199 : memref<64xi32, #tpu.memory_space<vmem>>) semaphore(%arg18 : memref<!tpu.dma_semaphore, #tpu.memory_space<semaphore_mem>>) {add = true}
      %mul3A_202 = arith.constant 4 : i32
      %mul3A_203 = arith.muli %scan3A_182, %mul3A_202 : i32
      %add3A_204 = arith.constant 1 : i32
      %add3A_205 = arith.addi %mul3A_203, %add3A_204 : i32
      %add3A_206 = arith.constant 4 : i32
      %add3A_207 = arith.addi %add3A_205, %add3A_206 : i32
      %sub3A_208 = arith.constant 1 : i32
      %sub3A_209 = arith.subi %add3A_207, %sub3A_208 : i32
      %dma_wait3A_210 = arith.constant 0 : i32
      %dma_wait3A_211 = tpu.memref_slice %arg6[%add3A_205, %dma_wait3A_210] : memref<40x64xi32, #tpu.memory_space<vmem>> -> memref<1x64xi32, #tpu.memory_space<vmem>>
      %dma_wait3A_212 = tpu.memref_squeeze %dma_wait3A_211 : memref<1x64xi32, #tpu.memory_space<vmem>> -> memref<64xi32, #tpu.memory_space<vmem>>
      %dma_wait3A_213 = arith.constant 0 : i32
      %dma_wait3A_214 = arith.constant 0 : i32
      %dma_wait3A_215 = tpu.memref_slice %arg2[%dma_wait3A_213, %dma_wait3A_214] : memref<10000x128xf32, #tpu.memory_space<hbm>> -> memref<10000x128xf32, #tpu.memory_space<hbm>>
      tpu.wait_indirect_dma semaphore(%arg15 : memref<!tpu.dma_semaphore, #tpu.memory_space<semaphore_mem>>) src(%dma_wait3A_215 : memref<10000x128xf32, #tpu.memory_space<hbm>>) dst(%arg9 : memref<64x128xf32, #tpu.memory_space<vmem>>)
      %lt3A_216 = arith.constant 40 : i32
      %lt3A_217 = arith.cmpi slt, %sub3A_209, %lt3A_216 : i32
      %convert_element_type3A_218 = arith.extui %lt3A_217 : i1 to i32
      %cond3A_219 = arith.constant 0 : i32
      %cond3A_220 = arith.cmpi ne, %convert_element_type3A_218, %cond3A_219 : i32
      scf.if %cond3A_220 {
        %dma_start3A_274 = arith.constant 0 : i32
        %dma_start3A_275 = tpu.memref_slice %arg6[%sub3A_209, %dma_start3A_274] : memref<40x64xi32, #tpu.memory_space<vmem>> -> memref<1x64xi32, #tpu.memory_space<vmem>>
        %dma_start3A_276 = tpu.memref_squeeze %dma_start3A_275 : memref<1x64xi32, #tpu.memory_space<vmem>> -> memref<64xi32, #tpu.memory_space<vmem>>
        %dma_start3A_277 = arith.constant 0 : i32
        %dma_start3A_278 = arith.constant 0 : i32
        %dma_start3A_279 = tpu.memref_slice %arg2[%dma_start3A_277, %dma_start3A_278] : memref<10000x128xf32, #tpu.memory_space<hbm>> -> memref<10000x128xf32, #tpu.memory_space<hbm>>
        tpu.enqueue_indirect_dma source(%dma_start3A_279 : memref<10000x128xf32, #tpu.memory_space<hbm>>) target(%arg8 : memref<64x128xf32, #tpu.memory_space<vmem>>) offsets(%dma_start3A_276 : memref<64xi32, #tpu.memory_space<vmem>>) semaphore(%arg14 : memref<!tpu.dma_semaphore, #tpu.memory_space<semaphore_mem>>)
      } else {
      }
      "tpu.region"() ({
        %run_scoped3A_274 = tpu.sem_alloc : memref<!tpu.dma_semaphore, #tpu.memory_space<semaphore_mem>>
        %dma_start3A_275 = arith.constant 0 : i32
        %dma_start3A_276 = tpu.memref_slice %arg7[%add3A_205, %dma_start3A_275] : memref<40x64xi32, #tpu.memory_space<vmem>> -> memref<1x64xi32, #tpu.memory_space<vmem>>
        %dma_start3A_277 = tpu.memref_squeeze %dma_start3A_276 : memref<1x64xi32, #tpu.memory_space<vmem>> -> memref<64xi32, #tpu.memory_space<vmem>>
        %dma_start3A_278 = arith.constant 0 : i32
        %dma_start3A_279 = arith.constant 0 : i32
        %dma_start3A_280 = tpu.memref_slice %arg19[%dma_start3A_278, %dma_start3A_279] : memref<10240x128xf32, #tpu.memory_space<vmem_shared>> -> memref<10240x128xf32, #tpu.memory_space<vmem_shared>>
        tpu.enqueue_indirect_dma source(%arg9 : memref<64x128xf32, #tpu.memory_space<vmem>>) target(%dma_start3A_280 : memref<10240x128xf32, #tpu.memory_space<vmem_shared>>) offsets(%dma_start3A_277 : memref<64xi32, #tpu.memory_space<vmem>>) semaphore(%run_scoped3A_274 : memref<!tpu.dma_semaphore, #tpu.memory_space<semaphore_mem>>) {add = true}
        %dma_wait3A_281 = arith.constant 0 : i32
        %dma_wait3A_282 = tpu.memref_slice %arg7[%add3A_205, %dma_wait3A_281] : memref<40x64xi32, #tpu.memory_space<vmem>> -> memref<1x64xi32, #tpu.memory_space<vmem>>
        %dma_wait3A_283 = tpu.memref_squeeze %dma_wait3A_282 : memref<1x64xi32, #tpu.memory_space<vmem>> -> memref<64xi32, #tpu.memory_space<vmem>>
        %dma_wait3A_284 = arith.constant 0 : i32
        %dma_wait3A_285 = arith.constant 0 : i32
        %dma_wait3A_286 = tpu.memref_slice %arg19[%dma_wait3A_284, %dma_wait3A_285] : memref<10240x128xf32, #tpu.memory_space<vmem_shared>> -> memref<10240x128xf32, #tpu.memory_space<vmem_shared>>
        tpu.wait_indirect_dma semaphore(%run_scoped3A_274 : memref<!tpu.dma_semaphore, #tpu.memory_space<semaphore_mem>>) src(%arg9 : memref<64x128xf32, #tpu.memory_space<vmem>>) dst(%dma_wait3A_286 : memref<10240x128xf32, #tpu.memory_space<vmem_shared>>)
        tpu.yield
      }) : () -> ()
      %dma_start3A_221 = arith.constant 0 : i32
      %dma_start3A_222 = tpu.memref_slice %arg7[%add3A_205, %dma_start3A_221] : memref<40x64xi32, #tpu.memory_space<vmem>> -> memref<1x64xi32, #tpu.memory_space<vmem>>
      %dma_start3A_223 = tpu.memref_squeeze %dma_start3A_222 : memref<1x64xi32, #tpu.memory_space<vmem>> -> memref<64xi32, #tpu.memory_space<vmem>>
      %dma_start3A_224 = arith.constant 0 : i32
      %dma_start3A_225 = tpu.memref_slice %arg20[%dma_start3A_224] : memref<10240xf32, #tpu.memory_space<vmem_shared>> -> memref<10240xf32, #tpu.memory_space<vmem_shared>>
      tpu.enqueue_indirect_dma source(%arg12 : memref<64xf32, #tpu.memory_space<vmem>>) target(%dma_start3A_225 : memref<10240xf32, #tpu.memory_space<vmem_shared>>) offsets(%dma_start3A_223 : memref<64xi32, #tpu.memory_space<vmem>>) semaphore(%arg18 : memref<!tpu.dma_semaphore, #tpu.memory_space<semaphore_mem>>) {add = true}
      %mul3A_226 = arith.constant 4 : i32
      %mul3A_227 = arith.muli %scan3A_182, %mul3A_226 : i32
      %add3A_228 = arith.constant 2 : i32
      %add3A_229 = arith.addi %mul3A_227, %add3A_228 : i32
      %add3A_230 = arith.constant 4 : i32
      %add3A_231 = arith.addi %add3A_229, %add3A_230 : i32
      %sub3A_232 = arith.constant 1 : i32
      %sub3A_233 = arith.subi %add3A_231, %sub3A_232 : i32
      %dma_wait3A_234 = arith.constant 0 : i32
      %dma_wait3A_235 = tpu.memref_slice %arg6[%add3A_229, %dma_wait3A_234] : memref<40x64xi32, #tpu.memory_space<vmem>> -> memref<1x64xi32, #tpu.memory_space<vmem>>
      %dma_wait3A_236 = tpu.memref_squeeze %dma_wait3A_235 : memref<1x64xi32, #tpu.memory_space<vmem>> -> memref<64xi32, #tpu.memory_space<vmem>>
      %dma_wait3A_237 = arith.constant 0 : i32
      %dma_wait3A_238 = arith.constant 0 : i32
      %dma_wait3A_239 = tpu.memref_slice %arg2[%dma_wait3A_237, %dma_wait3A_238] : memref<10000x128xf32, #tpu.memory_space<hbm>> -> memref<10000x128xf32, #tpu.memory_space<hbm>>
      tpu.wait_indirect_dma semaphore(%arg16 : memref<!tpu.dma_semaphore, #tpu.memory_space<semaphore_mem>>) src(%dma_wait3A_239 : memref<10000x128xf32, #tpu.memory_space<hbm>>) dst(%arg10 : memref<64x128xf32, #tpu.memory_space<vmem>>)
      %lt3A_240 = arith.constant 40 : i32
      %lt3A_241 = arith.cmpi slt, %sub3A_233, %lt3A_240 : i32
      %convert_element_type3A_242 = arith.extui %lt3A_241 : i1 to i32
      %cond3A_243 = arith.constant 0 : i32
      %cond3A_244 = arith.cmpi ne, %convert_element_type3A_242, %cond3A_243 : i32
      scf.if %cond3A_244 {
        %dma_start3A_274 = arith.constant 0 : i32
        %dma_start3A_275 = tpu.memref_slice %arg6[%sub3A_233, %dma_start3A_274] : memref<40x64xi32, #tpu.memory_space<vmem>> -> memref<1x64xi32, #tpu.memory_space<vmem>>
        %dma_start3A_276 = tpu.memref_squeeze %dma_start3A_275 : memref<1x64xi32, #tpu.memory_space<vmem>> -> memref<64xi32, #tpu.memory_space<vmem>>
        %dma_start3A_277 = arith.constant 0 : i32
        %dma_start3A_278 = arith.constant 0 : i32
        %dma_start3A_279 = tpu.memref_slice %arg2[%dma_start3A_277, %dma_start3A_278] : memref<10000x128xf32, #tpu.memory_space<hbm>> -> memref<10000x128xf32, #tpu.memory_space<hbm>>
        tpu.enqueue_indirect_dma source(%dma_start3A_279 : memref<10000x128xf32, #tpu.memory_space<hbm>>) target(%arg9 : memref<64x128xf32, #tpu.memory_space<vmem>>) offsets(%dma_start3A_276 : memref<64xi32, #tpu.memory_space<vmem>>) semaphore(%arg15 : memref<!tpu.dma_semaphore, #tpu.memory_space<semaphore_mem>>)
      } else {
      }
      "tpu.region"() ({
        %run_scoped3A_274 = tpu.sem_alloc : memref<!tpu.dma_semaphore, #tpu.memory_space<semaphore_mem>>
        %dma_start3A_275 = arith.constant 0 : i32
        %dma_start3A_276 = tpu.memref_slice %arg7[%add3A_229, %dma_start3A_275] : memref<40x64xi32, #tpu.memory_space<vmem>> -> memref<1x64xi32, #tpu.memory_space<vmem>>
        %dma_start3A_277 = tpu.memref_squeeze %dma_start3A_276 : memref<1x64xi32, #tpu.memory_space<vmem>> -> memref<64xi32, #tpu.memory_space<vmem>>
        %dma_start3A_278 = arith.constant 0 : i32
        %dma_start3A_279 = arith.constant 0 : i32
        %dma_start3A_280 = tpu.memref_slice %arg19[%dma_start3A_278, %dma_start3A_279] : memref<10240x128xf32, #tpu.memory_space<vmem_shared>> -> memref<10240x128xf32, #tpu.memory_space<vmem_shared>>
        tpu.enqueue_indirect_dma source(%arg10 : memref<64x128xf32, #tpu.memory_space<vmem>>) target(%dma_start3A_280 : memref<10240x128xf32, #tpu.memory_space<vmem_shared>>) offsets(%dma_start3A_277 : memref<64xi32, #tpu.memory_space<vmem>>) semaphore(%run_scoped3A_274 : memref<!tpu.dma_semaphore, #tpu.memory_space<semaphore_mem>>) {add = true}
        %dma_wait3A_281 = arith.constant 0 : i32
        %dma_wait3A_282 = tpu.memref_slice %arg7[%add3A_229, %dma_wait3A_281] : memref<40x64xi32, #tpu.memory_space<vmem>> -> memref<1x64xi32, #tpu.memory_space<vmem>>
        %dma_wait3A_283 = tpu.memref_squeeze %dma_wait3A_282 : memref<1x64xi32, #tpu.memory_space<vmem>> -> memref<64xi32, #tpu.memory_space<vmem>>
        %dma_wait3A_284 = arith.constant 0 : i32
        %dma_wait3A_285 = arith.constant 0 : i32
        %dma_wait3A_286 = tpu.memref_slice %arg19[%dma_wait3A_284, %dma_wait3A_285] : memref<10240x128xf32, #tpu.memory_space<vmem_shared>> -> memref<10240x128xf32, #tpu.memory_space<vmem_shared>>
        tpu.wait_indirect_dma semaphore(%run_scoped3A_274 : memref<!tpu.dma_semaphore, #tpu.memory_space<semaphore_mem>>) src(%arg10 : memref<64x128xf32, #tpu.memory_space<vmem>>) dst(%dma_wait3A_286 : memref<10240x128xf32, #tpu.memory_space<vmem_shared>>)
        tpu.yield
      }) : () -> ()
      %dma_start3A_245 = arith.constant 0 : i32
      %dma_start3A_246 = tpu.memref_slice %arg7[%add3A_229, %dma_start3A_245] : memref<40x64xi32, #tpu.memory_space<vmem>> -> memref<1x64xi32, #tpu.memory_space<vmem>>
      %dma_start3A_247 = tpu.memref_squeeze %dma_start3A_246 : memref<1x64xi32, #tpu.memory_space<vmem>> -> memref<64xi32, #tpu.memory_space<vmem>>
      %dma_start3A_248 = arith.constant 0 : i32
      %dma_start3A_249 = tpu.memref_slice %arg20[%dma_start3A_248] : memref<10240xf32, #tpu.memory_space<vmem_shared>> -> memref<10240xf32, #tpu.memory_space<vmem_shared>>
      tpu.enqueue_indirect_dma source(%arg12 : memref<64xf32, #tpu.memory_space<vmem>>) target(%dma_start3A_249 : memref<10240xf32, #tpu.memory_space<vmem_shared>>) offsets(%dma_start3A_247 : memref<64xi32, #tpu.memory_space<vmem>>) semaphore(%arg18 : memref<!tpu.dma_semaphore, #tpu.memory_space<semaphore_mem>>) {add = true}
      %mul3A_250 = arith.constant 4 : i32
      %mul3A_251 = arith.muli %scan3A_182, %mul3A_250 : i32
      %add3A_252 = arith.constant 3 : i32
      %add3A_253 = arith.addi %mul3A_251, %add3A_252 : i32
      %add3A_254 = arith.constant 4 : i32
      %add3A_255 = arith.addi %add3A_253, %add3A_254 : i32
      %sub3A_256 = arith.constant 1 : i32
      %sub3A_257 = arith.subi %add3A_255, %sub3A_256 : i32
      %dma_wait3A_258 = arith.constant 0 : i32
      %dma_wait3A_259 = tpu.memref_slice %arg6[%add3A_253, %dma_wait3A_258] : memref<40x64xi32, #tpu.memory_space<vmem>> -> memref<1x64xi32, #tpu.memory_space<vmem>>
      %dma_wait3A_260 = tpu.memref_squeeze %dma_wait3A_259 : memref<1x64xi32, #tpu.memory_space<vmem>> -> memref<64xi32, #tpu.memory_space<vmem>>
      %dma_wait3A_261 = arith.constant 0 : i32
      %dma_wait3A_262 = arith.constant 0 : i32
      %dma_wait3A_263 = tpu.memref_slice %arg2[%dma_wait3A_261, %dma_wait3A_262] : memref<10000x128xf32, #tpu.memory_space<hbm>> -> memref<10000x128xf32, #tpu.memory_space<hbm>>
      tpu.wait_indirect_dma semaphore(%arg17 : memref<!tpu.dma_semaphore, #tpu.memory_space<semaphore_mem>>) src(%dma_wait3A_263 : memref<10000x128xf32, #tpu.memory_space<hbm>>) dst(%arg11 : memref<64x128xf32, #tpu.memory_space<vmem>>)
      %lt3A_264 = arith.constant 40 : i32
      %lt3A_265 = arith.cmpi slt, %sub3A_257, %lt3A_264 : i32
      %convert_element_type3A_266 = arith.extui %lt3A_265 : i1 to i32
      %cond3A_267 = arith.constant 0 : i32
      %cond3A_268 = arith.cmpi ne, %convert_element_type3A_266, %cond3A_267 : i32
      scf.if %cond3A_268 {
        %dma_start3A_274 = arith.constant 0 : i32
        %dma_start3A_275 = tpu.memref_slice %arg6[%sub3A_257, %dma_start3A_274] : memref<40x64xi32, #tpu.memory_space<vmem>> -> memref<1x64xi32, #tpu.memory_space<vmem>>
        %dma_start3A_276 = tpu.memref_squeeze %dma_start3A_275 : memref<1x64xi32, #tpu.memory_space<vmem>> -> memref<64xi32, #tpu.memory_space<vmem>>
        %dma_start3A_277 = arith.constant 0 : i32
        %dma_start3A_278 = arith.constant 0 : i32
        %dma_start3A_279 = tpu.memref_slice %arg2[%dma_start3A_277, %dma_start3A_278] : memref<10000x128xf32, #tpu.memory_space<hbm>> -> memref<10000x128xf32, #tpu.memory_space<hbm>>
        tpu.enqueue_indirect_dma source(%dma_start3A_279 : memref<10000x128xf32, #tpu.memory_space<hbm>>) target(%arg10 : memref<64x128xf32, #tpu.memory_space<vmem>>) offsets(%dma_start3A_276 : memref<64xi32, #tpu.memory_space<vmem>>) semaphore(%arg16 : memref<!tpu.dma_semaphore, #tpu.memory_space<semaphore_mem>>)
      } else {
      }
      "tpu.region"() ({
        %run_scoped3A_274 = tpu.sem_alloc : memref<!tpu.dma_semaphore, #tpu.memory_space<semaphore_mem>>
        %dma_start3A_275 = arith.constant 0 : i32
        %dma_start3A_276 = tpu.memref_slice %arg7[%add3A_253, %dma_start3A_275] : memref<40x64xi32, #tpu.memory_space<vmem>> -> memref<1x64xi32, #tpu.memory_space<vmem>>
        %dma_start3A_277 = tpu.memref_squeeze %dma_start3A_276 : memref<1x64xi32, #tpu.memory_space<vmem>> -> memref<64xi32, #tpu.memory_space<vmem>>
        %dma_start3A_278 = arith.constant 0 : i32
        %dma_start3A_279 = arith.constant 0 : i32
        %dma_start3A_280 = tpu.memref_slice %arg19[%dma_start3A_278, %dma_start3A_279] : memref<10240x128xf32, #tpu.memory_space<vmem_shared>> -> memref<10240x128xf32, #tpu.memory_space<vmem_shared>>
        tpu.enqueue_indirect_dma source(%arg11 : memref<64x128xf32, #tpu.memory_space<vmem>>) target(%dma_start3A_280 : memref<10240x128xf32, #tpu.memory_space<vmem_shared>>) offsets(%dma_start3A_277 : memref<64xi32, #tpu.memory_space<vmem>>) semaphore(%run_scoped3A_274 : memref<!tpu.dma_semaphore, #tpu.memory_space<semaphore_mem>>) {add = true}
        %dma_wait3A_281 = arith.constant 0 : i32
        %dma_wait3A_282 = tpu.memref_slice %arg7[%add3A_253, %dma_wait3A_281] : memref<40x64xi32, #tpu.memory_space<vmem>> -> memref<1x64xi32, #tpu.memory_space<vmem>>
        %dma_wait3A_283 = tpu.memref_squeeze %dma_wait3A_282 : memref<1x64xi32, #tpu.memory_space<vmem>> -> memref<64xi32, #tpu.memory_space<vmem>>
        %dma_wait3A_284 = arith.constant 0 : i32
        %dma_wait3A_285 = arith.constant 0 : i32
        %dma_wait3A_286 = tpu.memref_slice %arg19[%dma_wait3A_284, %dma_wait3A_285] : memref<10240x128xf32, #tpu.memory_space<vmem_shared>> -> memref<10240x128xf32, #tpu.memory_space<vmem_shared>>
        tpu.wait_indirect_dma semaphore(%run_scoped3A_274 : memref<!tpu.dma_semaphore, #tpu.memory_space<semaphore_mem>>) src(%arg11 : memref<64x128xf32, #tpu.memory_space<vmem>>) dst(%dma_wait3A_286 : memref<10240x128xf32, #tpu.memory_space<vmem_shared>>)
        tpu.yield
      }) : () -> ()
      %dma_start3A_269 = arith.constant 0 : i32
      %dma_start3A_270 = tpu.memref_slice %arg7[%add3A_253, %dma_start3A_269] : memref<40x64xi32, #tpu.memory_space<vmem>> -> memref<1x64xi32, #tpu.memory_space<vmem>>
      %dma_start3A_271 = tpu.memref_squeeze %dma_start3A_270 : memref<1x64xi32, #tpu.memory_space<vmem>> -> memref<64xi32, #tpu.memory_space<vmem>>
      %dma_start3A_272 = arith.constant 0 : i32
      %dma_start3A_273 = tpu.memref_slice %arg20[%dma_start3A_272] : memref<10240xf32, #tpu.memory_space<vmem_shared>> -> memref<10240xf32, #tpu.memory_space<vmem_shared>>
      tpu.enqueue_indirect_dma source(%arg12 : memref<64xf32, #tpu.memory_space<vmem>>) target(%dma_start3A_273 : memref<10240xf32, #tpu.memory_space<vmem_shared>>) offsets(%dma_start3A_271 : memref<64xi32, #tpu.memory_space<vmem>>) semaphore(%arg18 : memref<!tpu.dma_semaphore, #tpu.memory_space<semaphore_mem>>) {add = true}
    }
    %scan3A_101 = arith.constant 10 : i32
    %scan3A_102 = arith.constant 0 : i32
    %scan3A_103 = arith.constant 0 : i32
    %scan3A_104 = arith.constant 40 : i32
    %scan3A_105 = arith.addi %scan3A_103, %scan3A_104 : i32
    %scan3A_106 = arith.constant 1 : i32
    scf.for %scan3A_182 = %scan3A_103 to %scan3A_105 step %scan3A_106  : i32 {
      %dma_wait3A = arith.constant 0 : i32
      %dma_wait3A_183 = tpu.memref_slice %arg7[%scan3A_182, %dma_wait3A] : memref<40x64xi32, #tpu.memory_space<vmem>> -> memref<1x64xi32, #tpu.memory_space<vmem>>
      %dma_wait3A_184 = tpu.memref_squeeze %dma_wait3A_183 : memref<1x64xi32, #tpu.memory_space<vmem>> -> memref<64xi32, #tpu.memory_space<vmem>>
      %dma_wait3A_185 = arith.constant 0 : i32
      %dma_wait3A_186 = tpu.memref_slice %arg20[%dma_wait3A_185] : memref<10240xf32, #tpu.memory_space<vmem_shared>> -> memref<10240xf32, #tpu.memory_space<vmem_shared>>
      tpu.wait_indirect_dma semaphore(%arg18 : memref<!tpu.dma_semaphore, #tpu.memory_space<semaphore_mem>>) src(%arg12 : memref<64xf32, #tpu.memory_space<vmem>>) dst(%dma_wait3A_186 : memref<10240xf32, #tpu.memory_space<vmem_shared>>)
    }
    %scan3A_107 = arith.constant 40 : i32
    %run_scoped3A_108 = arith.constant 1 : i32
    "tpu.region"() ({
      %run_scoped3A_182 = tpu.sem_alloc : memref<!tpu.dma_semaphore, #tpu.memory_space<semaphore_mem>>
      %dma_start3A_183 = arith.constant 80 : i32
      %dma_start3A_184 = arith.constant 0 : i32
      %dma_start3A_185 = tpu.memref_slice %arg3[%run_scoped3A_108, %add3A, %dma_start3A_183, %dma_start3A_184] : memref<2x32x160x64xi32, #tpu.memory_space<hbm>> -> memref<1x1x40x64xi32, #tpu.memory_space<hbm>>
      %dma_start3A_186 = tpu.memref_squeeze %dma_start3A_185 : memref<1x1x40x64xi32, #tpu.memory_space<hbm>> -> memref<40x64xi32, #tpu.memory_space<hbm>>
      %dma_start3A_187 = arith.constant 80 : i32
      %dma_start3A_188 = arith.constant 0 : i32
      %dma_start3A_189 = tpu.memref_slice %arg3[%run_scoped3A_108, %add3A, %dma_start3A_187, %dma_start3A_188] : memref<2x32x160x64xi32, #tpu.memory_space<hbm>> -> memref<1x1x40x64xi32, #tpu.memory_space<hbm>>
      %dma_start3A_190 = tpu.memref_squeeze %dma_start3A_189 : memref<1x1x40x64xi32, #tpu.memory_space<hbm>> -> memref<40x64xi32, #tpu.memory_space<hbm>>
      tpu.enqueue_dma source(%dma_start3A_190 : memref<40x64xi32, #tpu.memory_space<hbm>>) target(%arg6 : memref<40x64xi32, #tpu.memory_space<vmem>>) target_semaphore(%run_scoped3A_182 : memref<!tpu.dma_semaphore, #tpu.memory_space<semaphore_mem>>)
      %dma_wait3A = arith.constant 80 : i32
      %dma_wait3A_191 = arith.constant 0 : i32
      %dma_wait3A_192 = tpu.memref_slice %arg3[%run_scoped3A_108, %add3A, %dma_wait3A, %dma_wait3A_191] : memref<2x32x160x64xi32, #tpu.memory_space<hbm>> -> memref<1x1x40x64xi32, #tpu.memory_space<hbm>>
      %dma_wait3A_193 = tpu.memref_squeeze %dma_wait3A_192 : memref<1x1x40x64xi32, #tpu.memory_space<hbm>> -> memref<40x64xi32, #tpu.memory_space<hbm>>
      %dma_wait3A_194 = arith.constant 80 : i32
      %dma_wait3A_195 = arith.constant 0 : i32
      %dma_wait3A_196 = tpu.memref_slice %arg3[%run_scoped3A_108, %add3A, %dma_wait3A_194, %dma_wait3A_195] : memref<2x32x160x64xi32, #tpu.memory_space<hbm>> -> memref<1x1x40x64xi32, #tpu.memory_space<hbm>>
      %dma_wait3A_197 = tpu.memref_squeeze %dma_wait3A_196 : memref<1x1x40x64xi32, #tpu.memory_space<hbm>> -> memref<40x64xi32, #tpu.memory_space<hbm>>
      tpu.wait_dma2 semaphore(%run_scoped3A_182 : memref<!tpu.dma_semaphore, #tpu.memory_space<semaphore_mem>>) src(%dma_wait3A_197 : memref<40x64xi32, #tpu.memory_space<hbm>>) dst(%arg6 : memref<40x64xi32, #tpu.memory_space<vmem>>)
      tpu.yield
    }) : () -> ()
    %run_scoped3A_109 = arith.constant 0 : i32
    "tpu.region"() ({
      %run_scoped3A_182 = tpu.sem_alloc : memref<!tpu.dma_semaphore, #tpu.memory_space<semaphore_mem>>
      %dma_start3A_183 = arith.constant 80 : i32
      %dma_start3A_184 = arith.constant 0 : i32
      %dma_start3A_185 = tpu.memref_slice %arg3[%run_scoped3A_109, %add3A, %dma_start3A_183, %dma_start3A_184] : memref<2x32x160x64xi32, #tpu.memory_space<hbm>> -> memref<1x1x40x64xi32, #tpu.memory_space<hbm>>
      %dma_start3A_186 = tpu.memref_squeeze %dma_start3A_185 : memref<1x1x40x64xi32, #tpu.memory_space<hbm>> -> memref<40x64xi32, #tpu.memory_space<hbm>>
      %dma_start3A_187 = arith.constant 80 : i32
      %dma_start3A_188 = arith.constant 0 : i32
      %dma_start3A_189 = tpu.memref_slice %arg3[%run_scoped3A_109, %add3A, %dma_start3A_187, %dma_start3A_188] : memref<2x32x160x64xi32, #tpu.memory_space<hbm>> -> memref<1x1x40x64xi32, #tpu.memory_space<hbm>>
      %dma_start3A_190 = tpu.memref_squeeze %dma_start3A_189 : memref<1x1x40x64xi32, #tpu.memory_space<hbm>> -> memref<40x64xi32, #tpu.memory_space<hbm>>
      tpu.enqueue_dma source(%dma_start3A_190 : memref<40x64xi32, #tpu.memory_space<hbm>>) target(%arg7 : memref<40x64xi32, #tpu.memory_space<vmem>>) target_semaphore(%run_scoped3A_182 : memref<!tpu.dma_semaphore, #tpu.memory_space<semaphore_mem>>)
      %dma_wait3A = arith.constant 80 : i32
      %dma_wait3A_191 = arith.constant 0 : i32
      %dma_wait3A_192 = tpu.memref_slice %arg3[%run_scoped3A_109, %add3A, %dma_wait3A, %dma_wait3A_191] : memref<2x32x160x64xi32, #tpu.memory_space<hbm>> -> memref<1x1x40x64xi32, #tpu.memory_space<hbm>>
      %dma_wait3A_193 = tpu.memref_squeeze %dma_wait3A_192 : memref<1x1x40x64xi32, #tpu.memory_space<hbm>> -> memref<40x64xi32, #tpu.memory_space<hbm>>
      %dma_wait3A_194 = arith.constant 80 : i32
      %dma_wait3A_195 = arith.constant 0 : i32
      %dma_wait3A_196 = tpu.memref_slice %arg3[%run_scoped3A_109, %add3A, %dma_wait3A_194, %dma_wait3A_195] : memref<2x32x160x64xi32, #tpu.memory_space<hbm>> -> memref<1x1x40x64xi32, #tpu.memory_space<hbm>>
      %dma_wait3A_197 = tpu.memref_squeeze %dma_wait3A_196 : memref<1x1x40x64xi32, #tpu.memory_space<hbm>> -> memref<40x64xi32, #tpu.memory_space<hbm>>
      tpu.wait_dma2 semaphore(%run_scoped3A_182 : memref<!tpu.dma_semaphore, #tpu.memory_space<semaphore_mem>>) src(%dma_wait3A_197 : memref<40x64xi32, #tpu.memory_space<hbm>>) dst(%arg7 : memref<40x64xi32, #tpu.memory_space<vmem>>)
      tpu.yield
    }) : () -> ()
    %dma_start3A_110 = arith.constant 0 : i32
    %dma_start3A_111 = arith.constant 0 : i32
    %dma_start3A_112 = tpu.memref_slice %arg6[%dma_start3A_110, %dma_start3A_111] : memref<40x64xi32, #tpu.memory_space<vmem>> -> memref<1x64xi32, #tpu.memory_space<vmem>>
    %dma_start3A_113 = tpu.memref_squeeze %dma_start3A_112 : memref<1x64xi32, #tpu.memory_space<vmem>> -> memref<64xi32, #tpu.memory_space<vmem>>
    %dma_start3A_114 = arith.constant 0 : i32
    %dma_start3A_115 = arith.constant 0 : i32
    %dma_start3A_116 = tpu.memref_slice %arg2[%dma_start3A_114, %dma_start3A_115] : memref<10000x128xf32, #tpu.memory_space<hbm>> -> memref<10000x128xf32, #tpu.memory_space<hbm>>
    tpu.enqueue_indirect_dma source(%dma_start3A_116 : memref<10000x128xf32, #tpu.memory_space<hbm>>) target(%arg8 : memref<64x128xf32, #tpu.memory_space<vmem>>) offsets(%dma_start3A_113 : memref<64xi32, #tpu.memory_space<vmem>>) semaphore(%arg14 : memref<!tpu.dma_semaphore, #tpu.memory_space<semaphore_mem>>)
    %dma_start3A_117 = arith.constant 1 : i32
    %dma_start3A_118 = arith.constant 0 : i32
    %dma_start3A_119 = tpu.memref_slice %arg6[%dma_start3A_117, %dma_start3A_118] : memref<40x64xi32, #tpu.memory_space<vmem>> -> memref<1x64xi32, #tpu.memory_space<vmem>>
    %dma_start3A_120 = tpu.memref_squeeze %dma_start3A_119 : memref<1x64xi32, #tpu.memory_space<vmem>> -> memref<64xi32, #tpu.memory_space<vmem>>
    %dma_start3A_121 = arith.constant 0 : i32
    %dma_start3A_122 = arith.constant 0 : i32
    %dma_start3A_123 = tpu.memref_slice %arg2[%dma_start3A_121, %dma_start3A_122] : memref<10000x128xf32, #tpu.memory_space<hbm>> -> memref<10000x128xf32, #tpu.memory_space<hbm>>
    tpu.enqueue_indirect_dma source(%dma_start3A_123 : memref<10000x128xf32, #tpu.memory_space<hbm>>) target(%arg9 : memref<64x128xf32, #tpu.memory_space<vmem>>) offsets(%dma_start3A_120 : memref<64xi32, #tpu.memory_space<vmem>>) semaphore(%arg15 : memref<!tpu.dma_semaphore, #tpu.memory_space<semaphore_mem>>)
    %dma_start3A_124 = arith.constant 2 : i32
    %dma_start3A_125 = arith.constant 0 : i32
    %dma_start3A_126 = tpu.memref_slice %arg6[%dma_start3A_124, %dma_start3A_125] : memref<40x64xi32, #tpu.memory_space<vmem>> -> memref<1x64xi32, #tpu.memory_space<vmem>>
    %dma_start3A_127 = tpu.memref_squeeze %dma_start3A_126 : memref<1x64xi32, #tpu.memory_space<vmem>> -> memref<64xi32, #tpu.memory_space<vmem>>
    %dma_start3A_128 = arith.constant 0 : i32
    %dma_start3A_129 = arith.constant 0 : i32
    %dma_start3A_130 = tpu.memref_slice %arg2[%dma_start3A_128, %dma_start3A_129] : memref<10000x128xf32, #tpu.memory_space<hbm>> -> memref<10000x128xf32, #tpu.memory_space<hbm>>
    tpu.enqueue_indirect_dma source(%dma_start3A_130 : memref<10000x128xf32, #tpu.memory_space<hbm>>) target(%arg10 : memref<64x128xf32, #tpu.memory_space<vmem>>) offsets(%dma_start3A_127 : memref<64xi32, #tpu.memory_space<vmem>>) semaphore(%arg16 : memref<!tpu.dma_semaphore, #tpu.memory_space<semaphore_mem>>)
    %scan3A_131 = arith.constant 0 : i32
    %scan3A_132 = arith.constant 0 : i32
    %scan3A_133 = arith.constant 10 : i32
    %scan3A_134 = arith.addi %scan3A_132, %scan3A_133 : i32
    %scan3A_135 = arith.constant 1 : i32
    scf.for %scan3A_182 = %scan3A_132 to %scan3A_134 step %scan3A_135  : i32 {
      %mul3A_183 = arith.constant 4 : i32
      %mul3A_184 = arith.muli %scan3A_182, %mul3A_183 : i32
      %add3A_185 = arith.constant 0 : i32
      %add3A_186 = arith.addi %mul3A_184, %add3A_185 : i32
      %add3A_187 = arith.constant 4 : i32
      %add3A_188 = arith.addi %add3A_186, %add3A_187 : i32
      %sub3A = arith.constant 1 : i32
      %sub3A_189 = arith.subi %add3A_188, %sub3A : i32
      %dma_wait3A = arith.constant 0 : i32
      %dma_wait3A_190 = tpu.memref_slice %arg6[%add3A_186, %dma_wait3A] : memref<40x64xi32, #tpu.memory_space<vmem>> -> memref<1x64xi32, #tpu.memory_space<vmem>>
      %dma_wait3A_191 = tpu.memref_squeeze %dma_wait3A_190 : memref<1x64xi32, #tpu.memory_space<vmem>> -> memref<64xi32, #tpu.memory_space<vmem>>
      %dma_wait3A_192 = arith.constant 0 : i32
      %dma_wait3A_193 = arith.constant 0 : i32
      %dma_wait3A_194 = tpu.memref_slice %arg2[%dma_wait3A_192, %dma_wait3A_193] : memref<10000x128xf32, #tpu.memory_space<hbm>> -> memref<10000x128xf32, #tpu.memory_space<hbm>>
      tpu.wait_indirect_dma semaphore(%arg14 : memref<!tpu.dma_semaphore, #tpu.memory_space<semaphore_mem>>) src(%dma_wait3A_194 : memref<10000x128xf32, #tpu.memory_space<hbm>>) dst(%arg8 : memref<64x128xf32, #tpu.memory_space<vmem>>)
      %lt3A = arith.constant 40 : i32
      %lt3A_195 = arith.cmpi slt, %sub3A_189, %lt3A : i32
      %convert_element_type3A = arith.extui %lt3A_195 : i1 to i32
      %cond3A = arith.constant 0 : i32
      %cond3A_196 = arith.cmpi ne, %convert_element_type3A, %cond3A : i32
      scf.if %cond3A_196 {
        %dma_start3A_274 = arith.constant 0 : i32
        %dma_start3A_275 = tpu.memref_slice %arg6[%sub3A_189, %dma_start3A_274] : memref<40x64xi32, #tpu.memory_space<vmem>> -> memref<1x64xi32, #tpu.memory_space<vmem>>
        %dma_start3A_276 = tpu.memref_squeeze %dma_start3A_275 : memref<1x64xi32, #tpu.memory_space<vmem>> -> memref<64xi32, #tpu.memory_space<vmem>>
        %dma_start3A_277 = arith.constant 0 : i32
        %dma_start3A_278 = arith.constant 0 : i32
        %dma_start3A_279 = tpu.memref_slice %arg2[%dma_start3A_277, %dma_start3A_278] : memref<10000x128xf32, #tpu.memory_space<hbm>> -> memref<10000x128xf32, #tpu.memory_space<hbm>>
        tpu.enqueue_indirect_dma source(%dma_start3A_279 : memref<10000x128xf32, #tpu.memory_space<hbm>>) target(%arg11 : memref<64x128xf32, #tpu.memory_space<vmem>>) offsets(%dma_start3A_276 : memref<64xi32, #tpu.memory_space<vmem>>) semaphore(%arg17 : memref<!tpu.dma_semaphore, #tpu.memory_space<semaphore_mem>>)
      } else {
      }
      "tpu.region"() ({
        %run_scoped3A_274 = tpu.sem_alloc : memref<!tpu.dma_semaphore, #tpu.memory_space<semaphore_mem>>
        %dma_start3A_275 = arith.constant 0 : i32
        %dma_start3A_276 = tpu.memref_slice %arg7[%add3A_186, %dma_start3A_275] : memref<40x64xi32, #tpu.memory_space<vmem>> -> memref<1x64xi32, #tpu.memory_space<vmem>>
        %dma_start3A_277 = tpu.memref_squeeze %dma_start3A_276 : memref<1x64xi32, #tpu.memory_space<vmem>> -> memref<64xi32, #tpu.memory_space<vmem>>
        %dma_start3A_278 = arith.constant 0 : i32
        %dma_start3A_279 = arith.constant 0 : i32
        %dma_start3A_280 = tpu.memref_slice %arg19[%dma_start3A_278, %dma_start3A_279] : memref<10240x128xf32, #tpu.memory_space<vmem_shared>> -> memref<10240x128xf32, #tpu.memory_space<vmem_shared>>
        tpu.enqueue_indirect_dma source(%arg8 : memref<64x128xf32, #tpu.memory_space<vmem>>) target(%dma_start3A_280 : memref<10240x128xf32, #tpu.memory_space<vmem_shared>>) offsets(%dma_start3A_277 : memref<64xi32, #tpu.memory_space<vmem>>) semaphore(%run_scoped3A_274 : memref<!tpu.dma_semaphore, #tpu.memory_space<semaphore_mem>>) {add = true}
        %dma_wait3A_281 = arith.constant 0 : i32
        %dma_wait3A_282 = tpu.memref_slice %arg7[%add3A_186, %dma_wait3A_281] : memref<40x64xi32, #tpu.memory_space<vmem>> -> memref<1x64xi32, #tpu.memory_space<vmem>>
        %dma_wait3A_283 = tpu.memref_squeeze %dma_wait3A_282 : memref<1x64xi32, #tpu.memory_space<vmem>> -> memref<64xi32, #tpu.memory_space<vmem>>
        %dma_wait3A_284 = arith.constant 0 : i32
        %dma_wait3A_285 = arith.constant 0 : i32
        %dma_wait3A_286 = tpu.memref_slice %arg19[%dma_wait3A_284, %dma_wait3A_285] : memref<10240x128xf32, #tpu.memory_space<vmem_shared>> -> memref<10240x128xf32, #tpu.memory_space<vmem_shared>>
        tpu.wait_indirect_dma semaphore(%run_scoped3A_274 : memref<!tpu.dma_semaphore, #tpu.memory_space<semaphore_mem>>) src(%arg8 : memref<64x128xf32, #tpu.memory_space<vmem>>) dst(%dma_wait3A_286 : memref<10240x128xf32, #tpu.memory_space<vmem_shared>>)
        tpu.yield
      }) : () -> ()
      %dma_start3A_197 = arith.constant 0 : i32
      %dma_start3A_198 = tpu.memref_slice %arg7[%add3A_186, %dma_start3A_197] : memref<40x64xi32, #tpu.memory_space<vmem>> -> memref<1x64xi32, #tpu.memory_space<vmem>>
      %dma_start3A_199 = tpu.memref_squeeze %dma_start3A_198 : memref<1x64xi32, #tpu.memory_space<vmem>> -> memref<64xi32, #tpu.memory_space<vmem>>
      %dma_start3A_200 = arith.constant 0 : i32
      %dma_start3A_201 = tpu.memref_slice %arg20[%dma_start3A_200] : memref<10240xf32, #tpu.memory_space<vmem_shared>> -> memref<10240xf32, #tpu.memory_space<vmem_shared>>
      tpu.enqueue_indirect_dma source(%arg12 : memref<64xf32, #tpu.memory_space<vmem>>) target(%dma_start3A_201 : memref<10240xf32, #tpu.memory_space<vmem_shared>>) offsets(%dma_start3A_199 : memref<64xi32, #tpu.memory_space<vmem>>) semaphore(%arg18 : memref<!tpu.dma_semaphore, #tpu.memory_space<semaphore_mem>>) {add = true}
      %mul3A_202 = arith.constant 4 : i32
      %mul3A_203 = arith.muli %scan3A_182, %mul3A_202 : i32
      %add3A_204 = arith.constant 1 : i32
      %add3A_205 = arith.addi %mul3A_203, %add3A_204 : i32
      %add3A_206 = arith.constant 4 : i32
      %add3A_207 = arith.addi %add3A_205, %add3A_206 : i32
      %sub3A_208 = arith.constant 1 : i32
      %sub3A_209 = arith.subi %add3A_207, %sub3A_208 : i32
      %dma_wait3A_210 = arith.constant 0 : i32
      %dma_wait3A_211 = tpu.memref_slice %arg6[%add3A_205, %dma_wait3A_210] : memref<40x64xi32, #tpu.memory_space<vmem>> -> memref<1x64xi32, #tpu.memory_space<vmem>>
      %dma_wait3A_212 = tpu.memref_squeeze %dma_wait3A_211 : memref<1x64xi32, #tpu.memory_space<vmem>> -> memref<64xi32, #tpu.memory_space<vmem>>
      %dma_wait3A_213 = arith.constant 0 : i32
      %dma_wait3A_214 = arith.constant 0 : i32
      %dma_wait3A_215 = tpu.memref_slice %arg2[%dma_wait3A_213, %dma_wait3A_214] : memref<10000x128xf32, #tpu.memory_space<hbm>> -> memref<10000x128xf32, #tpu.memory_space<hbm>>
      tpu.wait_indirect_dma semaphore(%arg15 : memref<!tpu.dma_semaphore, #tpu.memory_space<semaphore_mem>>) src(%dma_wait3A_215 : memref<10000x128xf32, #tpu.memory_space<hbm>>) dst(%arg9 : memref<64x128xf32, #tpu.memory_space<vmem>>)
      %lt3A_216 = arith.constant 40 : i32
      %lt3A_217 = arith.cmpi slt, %sub3A_209, %lt3A_216 : i32
      %convert_element_type3A_218 = arith.extui %lt3A_217 : i1 to i32
      %cond3A_219 = arith.constant 0 : i32
      %cond3A_220 = arith.cmpi ne, %convert_element_type3A_218, %cond3A_219 : i32
      scf.if %cond3A_220 {
        %dma_start3A_274 = arith.constant 0 : i32
        %dma_start3A_275 = tpu.memref_slice %arg6[%sub3A_209, %dma_start3A_274] : memref<40x64xi32, #tpu.memory_space<vmem>> -> memref<1x64xi32, #tpu.memory_space<vmem>>
        %dma_start3A_276 = tpu.memref_squeeze %dma_start3A_275 : memref<1x64xi32, #tpu.memory_space<vmem>> -> memref<64xi32, #tpu.memory_space<vmem>>
        %dma_start3A_277 = arith.constant 0 : i32
        %dma_start3A_278 = arith.constant 0 : i32
        %dma_start3A_279 = tpu.memref_slice %arg2[%dma_start3A_277, %dma_start3A_278] : memref<10000x128xf32, #tpu.memory_space<hbm>> -> memref<10000x128xf32, #tpu.memory_space<hbm>>
        tpu.enqueue_indirect_dma source(%dma_start3A_279 : memref<10000x128xf32, #tpu.memory_space<hbm>>) target(%arg8 : memref<64x128xf32, #tpu.memory_space<vmem>>) offsets(%dma_start3A_276 : memref<64xi32, #tpu.memory_space<vmem>>) semaphore(%arg14 : memref<!tpu.dma_semaphore, #tpu.memory_space<semaphore_mem>>)
      } else {
      }
      "tpu.region"() ({
        %run_scoped3A_274 = tpu.sem_alloc : memref<!tpu.dma_semaphore, #tpu.memory_space<semaphore_mem>>
        %dma_start3A_275 = arith.constant 0 : i32
        %dma_start3A_276 = tpu.memref_slice %arg7[%add3A_205, %dma_start3A_275] : memref<40x64xi32, #tpu.memory_space<vmem>> -> memref<1x64xi32, #tpu.memory_space<vmem>>
        %dma_start3A_277 = tpu.memref_squeeze %dma_start3A_276 : memref<1x64xi32, #tpu.memory_space<vmem>> -> memref<64xi32, #tpu.memory_space<vmem>>
        %dma_start3A_278 = arith.constant 0 : i32
        %dma_start3A_279 = arith.constant 0 : i32
        %dma_start3A_280 = tpu.memref_slice %arg19[%dma_start3A_278, %dma_start3A_279] : memref<10240x128xf32, #tpu.memory_space<vmem_shared>> -> memref<10240x128xf32, #tpu.memory_space<vmem_shared>>
        tpu.enqueue_indirect_dma source(%arg9 : memref<64x128xf32, #tpu.memory_space<vmem>>) target(%dma_start3A_280 : memref<10240x128xf32, #tpu.memory_space<vmem_shared>>) offsets(%dma_start3A_277 : memref<64xi32, #tpu.memory_space<vmem>>) semaphore(%run_scoped3A_274 : memref<!tpu.dma_semaphore, #tpu.memory_space<semaphore_mem>>) {add = true}
        %dma_wait3A_281 = arith.constant 0 : i32
        %dma_wait3A_282 = tpu.memref_slice %arg7[%add3A_205, %dma_wait3A_281] : memref<40x64xi32, #tpu.memory_space<vmem>> -> memref<1x64xi32, #tpu.memory_space<vmem>>
        %dma_wait3A_283 = tpu.memref_squeeze %dma_wait3A_282 : memref<1x64xi32, #tpu.memory_space<vmem>> -> memref<64xi32, #tpu.memory_space<vmem>>
        %dma_wait3A_284 = arith.constant 0 : i32
        %dma_wait3A_285 = arith.constant 0 : i32
        %dma_wait3A_286 = tpu.memref_slice %arg19[%dma_wait3A_284, %dma_wait3A_285] : memref<10240x128xf32, #tpu.memory_space<vmem_shared>> -> memref<10240x128xf32, #tpu.memory_space<vmem_shared>>
        tpu.wait_indirect_dma semaphore(%run_scoped3A_274 : memref<!tpu.dma_semaphore, #tpu.memory_space<semaphore_mem>>) src(%arg9 : memref<64x128xf32, #tpu.memory_space<vmem>>) dst(%dma_wait3A_286 : memref<10240x128xf32, #tpu.memory_space<vmem_shared>>)
        tpu.yield
      }) : () -> ()
      %dma_start3A_221 = arith.constant 0 : i32
      %dma_start3A_222 = tpu.memref_slice %arg7[%add3A_205, %dma_start3A_221] : memref<40x64xi32, #tpu.memory_space<vmem>> -> memref<1x64xi32, #tpu.memory_space<vmem>>
      %dma_start3A_223 = tpu.memref_squeeze %dma_start3A_222 : memref<1x64xi32, #tpu.memory_space<vmem>> -> memref<64xi32, #tpu.memory_space<vmem>>
      %dma_start3A_224 = arith.constant 0 : i32
      %dma_start3A_225 = tpu.memref_slice %arg20[%dma_start3A_224] : memref<10240xf32, #tpu.memory_space<vmem_shared>> -> memref<10240xf32, #tpu.memory_space<vmem_shared>>
      tpu.enqueue_indirect_dma source(%arg12 : memref<64xf32, #tpu.memory_space<vmem>>) target(%dma_start3A_225 : memref<10240xf32, #tpu.memory_space<vmem_shared>>) offsets(%dma_start3A_223 : memref<64xi32, #tpu.memory_space<vmem>>) semaphore(%arg18 : memref<!tpu.dma_semaphore, #tpu.memory_space<semaphore_mem>>) {add = true}
      %mul3A_226 = arith.constant 4 : i32
      %mul3A_227 = arith.muli %scan3A_182, %mul3A_226 : i32
      %add3A_228 = arith.constant 2 : i32
      %add3A_229 = arith.addi %mul3A_227, %add3A_228 : i32
      %add3A_230 = arith.constant 4 : i32
      %add3A_231 = arith.addi %add3A_229, %add3A_230 : i32
      %sub3A_232 = arith.constant 1 : i32
      %sub3A_233 = arith.subi %add3A_231, %sub3A_232 : i32
      %dma_wait3A_234 = arith.constant 0 : i32
      %dma_wait3A_235 = tpu.memref_slice %arg6[%add3A_229, %dma_wait3A_234] : memref<40x64xi32, #tpu.memory_space<vmem>> -> memref<1x64xi32, #tpu.memory_space<vmem>>
      %dma_wait3A_236 = tpu.memref_squeeze %dma_wait3A_235 : memref<1x64xi32, #tpu.memory_space<vmem>> -> memref<64xi32, #tpu.memory_space<vmem>>
      %dma_wait3A_237 = arith.constant 0 : i32
      %dma_wait3A_238 = arith.constant 0 : i32
      %dma_wait3A_239 = tpu.memref_slice %arg2[%dma_wait3A_237, %dma_wait3A_238] : memref<10000x128xf32, #tpu.memory_space<hbm>> -> memref<10000x128xf32, #tpu.memory_space<hbm>>
      tpu.wait_indirect_dma semaphore(%arg16 : memref<!tpu.dma_semaphore, #tpu.memory_space<semaphore_mem>>) src(%dma_wait3A_239 : memref<10000x128xf32, #tpu.memory_space<hbm>>) dst(%arg10 : memref<64x128xf32, #tpu.memory_space<vmem>>)
      %lt3A_240 = arith.constant 40 : i32
      %lt3A_241 = arith.cmpi slt, %sub3A_233, %lt3A_240 : i32
      %convert_element_type3A_242 = arith.extui %lt3A_241 : i1 to i32
      %cond3A_243 = arith.constant 0 : i32
      %cond3A_244 = arith.cmpi ne, %convert_element_type3A_242, %cond3A_243 : i32
      scf.if %cond3A_244 {
        %dma_start3A_274 = arith.constant 0 : i32
        %dma_start3A_275 = tpu.memref_slice %arg6[%sub3A_233, %dma_start3A_274] : memref<40x64xi32, #tpu.memory_space<vmem>> -> memref<1x64xi32, #tpu.memory_space<vmem>>
        %dma_start3A_276 = tpu.memref_squeeze %dma_start3A_275 : memref<1x64xi32, #tpu.memory_space<vmem>> -> memref<64xi32, #tpu.memory_space<vmem>>
        %dma_start3A_277 = arith.constant 0 : i32
        %dma_start3A_278 = arith.constant 0 : i32
        %dma_start3A_279 = tpu.memref_slice %arg2[%dma_start3A_277, %dma_start3A_278] : memref<10000x128xf32, #tpu.memory_space<hbm>> -> memref<10000x128xf32, #tpu.memory_space<hbm>>
        tpu.enqueue_indirect_dma source(%dma_start3A_279 : memref<10000x128xf32, #tpu.memory_space<hbm>>) target(%arg9 : memref<64x128xf32, #tpu.memory_space<vmem>>) offsets(%dma_start3A_276 : memref<64xi32, #tpu.memory_space<vmem>>) semaphore(%arg15 : memref<!tpu.dma_semaphore, #tpu.memory_space<semaphore_mem>>)
      } else {
      }
      "tpu.region"() ({
        %run_scoped3A_274 = tpu.sem_alloc : memref<!tpu.dma_semaphore, #tpu.memory_space<semaphore_mem>>
        %dma_start3A_275 = arith.constant 0 : i32
        %dma_start3A_276 = tpu.memref_slice %arg7[%add3A_229, %dma_start3A_275] : memref<40x64xi32, #tpu.memory_space<vmem>> -> memref<1x64xi32, #tpu.memory_space<vmem>>
        %dma_start3A_277 = tpu.memref_squeeze %dma_start3A_276 : memref<1x64xi32, #tpu.memory_space<vmem>> -> memref<64xi32, #tpu.memory_space<vmem>>
        %dma_start3A_278 = arith.constant 0 : i32
        %dma_start3A_279 = arith.constant 0 : i32
        %dma_start3A_280 = tpu.memref_slice %arg19[%dma_start3A_278, %dma_start3A_279] : memref<10240x128xf32, #tpu.memory_space<vmem_shared>> -> memref<10240x128xf32, #tpu.memory_space<vmem_shared>>
        tpu.enqueue_indirect_dma source(%arg10 : memref<64x128xf32, #tpu.memory_space<vmem>>) target(%dma_start3A_280 : memref<10240x128xf32, #tpu.memory_space<vmem_shared>>) offsets(%dma_start3A_277 : memref<64xi32, #tpu.memory_space<vmem>>) semaphore(%run_scoped3A_274 : memref<!tpu.dma_semaphore, #tpu.memory_space<semaphore_mem>>) {add = true}
        %dma_wait3A_281 = arith.constant 0 : i32
        %dma_wait3A_282 = tpu.memref_slice %arg7[%add3A_229, %dma_wait3A_281] : memref<40x64xi32, #tpu.memory_space<vmem>> -> memref<1x64xi32, #tpu.memory_space<vmem>>
        %dma_wait3A_283 = tpu.memref_squeeze %dma_wait3A_282 : memref<1x64xi32, #tpu.memory_space<vmem>> -> memref<64xi32, #tpu.memory_space<vmem>>
        %dma_wait3A_284 = arith.constant 0 : i32
        %dma_wait3A_285 = arith.constant 0 : i32
        %dma_wait3A_286 = tpu.memref_slice %arg19[%dma_wait3A_284, %dma_wait3A_285] : memref<10240x128xf32, #tpu.memory_space<vmem_shared>> -> memref<10240x128xf32, #tpu.memory_space<vmem_shared>>
        tpu.wait_indirect_dma semaphore(%run_scoped3A_274 : memref<!tpu.dma_semaphore, #tpu.memory_space<semaphore_mem>>) src(%arg10 : memref<64x128xf32, #tpu.memory_space<vmem>>) dst(%dma_wait3A_286 : memref<10240x128xf32, #tpu.memory_space<vmem_shared>>)
        tpu.yield
      }) : () -> ()
      %dma_start3A_245 = arith.constant 0 : i32
      %dma_start3A_246 = tpu.memref_slice %arg7[%add3A_229, %dma_start3A_245] : memref<40x64xi32, #tpu.memory_space<vmem>> -> memref<1x64xi32, #tpu.memory_space<vmem>>
      %dma_start3A_247 = tpu.memref_squeeze %dma_start3A_246 : memref<1x64xi32, #tpu.memory_space<vmem>> -> memref<64xi32, #tpu.memory_space<vmem>>
      %dma_start3A_248 = arith.constant 0 : i32
      %dma_start3A_249 = tpu.memref_slice %arg20[%dma_start3A_248] : memref<10240xf32, #tpu.memory_space<vmem_shared>> -> memref<10240xf32, #tpu.memory_space<vmem_shared>>
      tpu.enqueue_indirect_dma source(%arg12 : memref<64xf32, #tpu.memory_space<vmem>>) target(%dma_start3A_249 : memref<10240xf32, #tpu.memory_space<vmem_shared>>) offsets(%dma_start3A_247 : memref<64xi32, #tpu.memory_space<vmem>>) semaphore(%arg18 : memref<!tpu.dma_semaphore, #tpu.memory_space<semaphore_mem>>) {add = true}
      %mul3A_250 = arith.constant 4 : i32
      %mul3A_251 = arith.muli %scan3A_182, %mul3A_250 : i32
      %add3A_252 = arith.constant 3 : i32
      %add3A_253 = arith.addi %mul3A_251, %add3A_252 : i32
      %add3A_254 = arith.constant 4 : i32
      %add3A_255 = arith.addi %add3A_253, %add3A_254 : i32
      %sub3A_256 = arith.constant 1 : i32
      %sub3A_257 = arith.subi %add3A_255, %sub3A_256 : i32
      %dma_wait3A_258 = arith.constant 0 : i32
      %dma_wait3A_259 = tpu.memref_slice %arg6[%add3A_253, %dma_wait3A_258] : memref<40x64xi32, #tpu.memory_space<vmem>> -> memref<1x64xi32, #tpu.memory_space<vmem>>
      %dma_wait3A_260 = tpu.memref_squeeze %dma_wait3A_259 : memref<1x64xi32, #tpu.memory_space<vmem>> -> memref<64xi32, #tpu.memory_space<vmem>>
      %dma_wait3A_261 = arith.constant 0 : i32
      %dma_wait3A_262 = arith.constant 0 : i32
      %dma_wait3A_263 = tpu.memref_slice %arg2[%dma_wait3A_261, %dma_wait3A_262] : memref<10000x128xf32, #tpu.memory_space<hbm>> -> memref<10000x128xf32, #tpu.memory_space<hbm>>
      tpu.wait_indirect_dma semaphore(%arg17 : memref<!tpu.dma_semaphore, #tpu.memory_space<semaphore_mem>>) src(%dma_wait3A_263 : memref<10000x128xf32, #tpu.memory_space<hbm>>) dst(%arg11 : memref<64x128xf32, #tpu.memory_space<vmem>>)
      %lt3A_264 = arith.constant 40 : i32
      %lt3A_265 = arith.cmpi slt, %sub3A_257, %lt3A_264 : i32
      %convert_element_type3A_266 = arith.extui %lt3A_265 : i1 to i32
      %cond3A_267 = arith.constant 0 : i32
      %cond3A_268 = arith.cmpi ne, %convert_element_type3A_266, %cond3A_267 : i32
      scf.if %cond3A_268 {
        %dma_start3A_274 = arith.constant 0 : i32
        %dma_start3A_275 = tpu.memref_slice %arg6[%sub3A_257, %dma_start3A_274] : memref<40x64xi32, #tpu.memory_space<vmem>> -> memref<1x64xi32, #tpu.memory_space<vmem>>
        %dma_start3A_276 = tpu.memref_squeeze %dma_start3A_275 : memref<1x64xi32, #tpu.memory_space<vmem>> -> memref<64xi32, #tpu.memory_space<vmem>>
        %dma_start3A_277 = arith.constant 0 : i32
        %dma_start3A_278 = arith.constant 0 : i32
        %dma_start3A_279 = tpu.memref_slice %arg2[%dma_start3A_277, %dma_start3A_278] : memref<10000x128xf32, #tpu.memory_space<hbm>> -> memref<10000x128xf32, #tpu.memory_space<hbm>>
        tpu.enqueue_indirect_dma source(%dma_start3A_279 : memref<10000x128xf32, #tpu.memory_space<hbm>>) target(%arg10 : memref<64x128xf32, #tpu.memory_space<vmem>>) offsets(%dma_start3A_276 : memref<64xi32, #tpu.memory_space<vmem>>) semaphore(%arg16 : memref<!tpu.dma_semaphore, #tpu.memory_space<semaphore_mem>>)
      } else {
      }
      "tpu.region"() ({
        %run_scoped3A_274 = tpu.sem_alloc : memref<!tpu.dma_semaphore, #tpu.memory_space<semaphore_mem>>
        %dma_start3A_275 = arith.constant 0 : i32
        %dma_start3A_276 = tpu.memref_slice %arg7[%add3A_253, %dma_start3A_275] : memref<40x64xi32, #tpu.memory_space<vmem>> -> memref<1x64xi32, #tpu.memory_space<vmem>>
        %dma_start3A_277 = tpu.memref_squeeze %dma_start3A_276 : memref<1x64xi32, #tpu.memory_space<vmem>> -> memref<64xi32, #tpu.memory_space<vmem>>
        %dma_start3A_278 = arith.constant 0 : i32
        %dma_start3A_279 = arith.constant 0 : i32
        %dma_start3A_280 = tpu.memref_slice %arg19[%dma_start3A_278, %dma_start3A_279] : memref<10240x128xf32, #tpu.memory_space<vmem_shared>> -> memref<10240x128xf32, #tpu.memory_space<vmem_shared>>
        tpu.enqueue_indirect_dma source(%arg11 : memref<64x128xf32, #tpu.memory_space<vmem>>) target(%dma_start3A_280 : memref<10240x128xf32, #tpu.memory_space<vmem_shared>>) offsets(%dma_start3A_277 : memref<64xi32, #tpu.memory_space<vmem>>) semaphore(%run_scoped3A_274 : memref<!tpu.dma_semaphore, #tpu.memory_space<semaphore_mem>>) {add = true}
        %dma_wait3A_281 = arith.constant 0 : i32
        %dma_wait3A_282 = tpu.memref_slice %arg7[%add3A_253, %dma_wait3A_281] : memref<40x64xi32, #tpu.memory_space<vmem>> -> memref<1x64xi32, #tpu.memory_space<vmem>>
        %dma_wait3A_283 = tpu.memref_squeeze %dma_wait3A_282 : memref<1x64xi32, #tpu.memory_space<vmem>> -> memref<64xi32, #tpu.memory_space<vmem>>
        %dma_wait3A_284 = arith.constant 0 : i32
        %dma_wait3A_285 = arith.constant 0 : i32
        %dma_wait3A_286 = tpu.memref_slice %arg19[%dma_wait3A_284, %dma_wait3A_285] : memref<10240x128xf32, #tpu.memory_space<vmem_shared>> -> memref<10240x128xf32, #tpu.memory_space<vmem_shared>>
        tpu.wait_indirect_dma semaphore(%run_scoped3A_274 : memref<!tpu.dma_semaphore, #tpu.memory_space<semaphore_mem>>) src(%arg11 : memref<64x128xf32, #tpu.memory_space<vmem>>) dst(%dma_wait3A_286 : memref<10240x128xf32, #tpu.memory_space<vmem_shared>>)
        tpu.yield
      }) : () -> ()
      %dma_start3A_269 = arith.constant 0 : i32
      %dma_start3A_270 = tpu.memref_slice %arg7[%add3A_253, %dma_start3A_269] : memref<40x64xi32, #tpu.memory_space<vmem>> -> memref<1x64xi32, #tpu.memory_space<vmem>>
      %dma_start3A_271 = tpu.memref_squeeze %dma_start3A_270 : memref<1x64xi32, #tpu.memory_space<vmem>> -> memref<64xi32, #tpu.memory_space<vmem>>
      %dma_start3A_272 = arith.constant 0 : i32
      %dma_start3A_273 = tpu.memref_slice %arg20[%dma_start3A_272] : memref<10240xf32, #tpu.memory_space<vmem_shared>> -> memref<10240xf32, #tpu.memory_space<vmem_shared>>
      tpu.enqueue_indirect_dma source(%arg12 : memref<64xf32, #tpu.memory_space<vmem>>) target(%dma_start3A_273 : memref<10240xf32, #tpu.memory_space<vmem_shared>>) offsets(%dma_start3A_271 : memref<64xi32, #tpu.memory_space<vmem>>) semaphore(%arg18 : memref<!tpu.dma_semaphore, #tpu.memory_space<semaphore_mem>>) {add = true}
    }
    %scan3A_136 = arith.constant 10 : i32
    %scan3A_137 = arith.constant 0 : i32
    %scan3A_138 = arith.constant 0 : i32
    %scan3A_139 = arith.constant 40 : i32
    %scan3A_140 = arith.addi %scan3A_138, %scan3A_139 : i32
    %scan3A_141 = arith.constant 1 : i32
    scf.for %scan3A_182 = %scan3A_138 to %scan3A_140 step %scan3A_141  : i32 {
      %dma_wait3A = arith.constant 0 : i32
      %dma_wait3A_183 = tpu.memref_slice %arg7[%scan3A_182, %dma_wait3A] : memref<40x64xi32, #tpu.memory_space<vmem>> -> memref<1x64xi32, #tpu.memory_space<vmem>>
      %dma_wait3A_184 = tpu.memref_squeeze %dma_wait3A_183 : memref<1x64xi32, #tpu.memory_space<vmem>> -> memref<64xi32, #tpu.memory_space<vmem>>
      %dma_wait3A_185 = arith.constant 0 : i32
      %dma_wait3A_186 = tpu.memref_slice %arg20[%dma_wait3A_185] : memref<10240xf32, #tpu.memory_space<vmem_shared>> -> memref<10240xf32, #tpu.memory_space<vmem_shared>>
      tpu.wait_indirect_dma semaphore(%arg18 : memref<!tpu.dma_semaphore, #tpu.memory_space<semaphore_mem>>) src(%arg12 : memref<64xf32, #tpu.memory_space<vmem>>) dst(%dma_wait3A_186 : memref<10240xf32, #tpu.memory_space<vmem_shared>>)
    }
    %scan3A_142 = arith.constant 40 : i32
    %run_scoped3A_143 = arith.constant 1 : i32
    "tpu.region"() ({
      %run_scoped3A_182 = tpu.sem_alloc : memref<!tpu.dma_semaphore, #tpu.memory_space<semaphore_mem>>
      %dma_start3A_183 = arith.constant 120 : i32
      %dma_start3A_184 = arith.constant 0 : i32
      %dma_start3A_185 = tpu.memref_slice %arg3[%run_scoped3A_143, %add3A, %dma_start3A_183, %dma_start3A_184] : memref<2x32x160x64xi32, #tpu.memory_space<hbm>> -> memref<1x1x40x64xi32, #tpu.memory_space<hbm>>
      %dma_start3A_186 = tpu.memref_squeeze %dma_start3A_185 : memref<1x1x40x64xi32, #tpu.memory_space<hbm>> -> memref<40x64xi32, #tpu.memory_space<hbm>>
      %dma_start3A_187 = arith.constant 120 : i32
      %dma_start3A_188 = arith.constant 0 : i32
      %dma_start3A_189 = tpu.memref_slice %arg3[%run_scoped3A_143, %add3A, %dma_start3A_187, %dma_start3A_188] : memref<2x32x160x64xi32, #tpu.memory_space<hbm>> -> memref<1x1x40x64xi32, #tpu.memory_space<hbm>>
      %dma_start3A_190 = tpu.memref_squeeze %dma_start3A_189 : memref<1x1x40x64xi32, #tpu.memory_space<hbm>> -> memref<40x64xi32, #tpu.memory_space<hbm>>
      tpu.enqueue_dma source(%dma_start3A_190 : memref<40x64xi32, #tpu.memory_space<hbm>>) target(%arg6 : memref<40x64xi32, #tpu.memory_space<vmem>>) target_semaphore(%run_scoped3A_182 : memref<!tpu.dma_semaphore, #tpu.memory_space<semaphore_mem>>)
      %dma_wait3A = arith.constant 120 : i32
      %dma_wait3A_191 = arith.constant 0 : i32
      %dma_wait3A_192 = tpu.memref_slice %arg3[%run_scoped3A_143, %add3A, %dma_wait3A, %dma_wait3A_191] : memref<2x32x160x64xi32, #tpu.memory_space<hbm>> -> memref<1x1x40x64xi32, #tpu.memory_space<hbm>>
      %dma_wait3A_193 = tpu.memref_squeeze %dma_wait3A_192 : memref<1x1x40x64xi32, #tpu.memory_space<hbm>> -> memref<40x64xi32, #tpu.memory_space<hbm>>
      %dma_wait3A_194 = arith.constant 120 : i32
      %dma_wait3A_195 = arith.constant 0 : i32
      %dma_wait3A_196 = tpu.memref_slice %arg3[%run_scoped3A_143, %add3A, %dma_wait3A_194, %dma_wait3A_195] : memref<2x32x160x64xi32, #tpu.memory_space<hbm>> -> memref<1x1x40x64xi32, #tpu.memory_space<hbm>>
      %dma_wait3A_197 = tpu.memref_squeeze %dma_wait3A_196 : memref<1x1x40x64xi32, #tpu.memory_space<hbm>> -> memref<40x64xi32, #tpu.memory_space<hbm>>
      tpu.wait_dma2 semaphore(%run_scoped3A_182 : memref<!tpu.dma_semaphore, #tpu.memory_space<semaphore_mem>>) src(%dma_wait3A_197 : memref<40x64xi32, #tpu.memory_space<hbm>>) dst(%arg6 : memref<40x64xi32, #tpu.memory_space<vmem>>)
      tpu.yield
    }) : () -> ()
    %run_scoped3A_144 = arith.constant 0 : i32
    "tpu.region"() ({
      %run_scoped3A_182 = tpu.sem_alloc : memref<!tpu.dma_semaphore, #tpu.memory_space<semaphore_mem>>
      %dma_start3A_183 = arith.constant 120 : i32
      %dma_start3A_184 = arith.constant 0 : i32
      %dma_start3A_185 = tpu.memref_slice %arg3[%run_scoped3A_144, %add3A, %dma_start3A_183, %dma_start3A_184] : memref<2x32x160x64xi32, #tpu.memory_space<hbm>> -> memref<1x1x40x64xi32, #tpu.memory_space<hbm>>
      %dma_start3A_186 = tpu.memref_squeeze %dma_start3A_185 : memref<1x1x40x64xi32, #tpu.memory_space<hbm>> -> memref<40x64xi32, #tpu.memory_space<hbm>>
      %dma_start3A_187 = arith.constant 120 : i32
      %dma_start3A_188 = arith.constant 0 : i32
      %dma_start3A_189 = tpu.memref_slice %arg3[%run_scoped3A_144, %add3A, %dma_start3A_187, %dma_start3A_188] : memref<2x32x160x64xi32, #tpu.memory_space<hbm>> -> memref<1x1x40x64xi32, #tpu.memory_space<hbm>>
      %dma_start3A_190 = tpu.memref_squeeze %dma_start3A_189 : memref<1x1x40x64xi32, #tpu.memory_space<hbm>> -> memref<40x64xi32, #tpu.memory_space<hbm>>
      tpu.enqueue_dma source(%dma_start3A_190 : memref<40x64xi32, #tpu.memory_space<hbm>>) target(%arg7 : memref<40x64xi32, #tpu.memory_space<vmem>>) target_semaphore(%run_scoped3A_182 : memref<!tpu.dma_semaphore, #tpu.memory_space<semaphore_mem>>)
      %dma_wait3A = arith.constant 120 : i32
      %dma_wait3A_191 = arith.constant 0 : i32
      %dma_wait3A_192 = tpu.memref_slice %arg3[%run_scoped3A_144, %add3A, %dma_wait3A, %dma_wait3A_191] : memref<2x32x160x64xi32, #tpu.memory_space<hbm>> -> memref<1x1x40x64xi32, #tpu.memory_space<hbm>>
      %dma_wait3A_193 = tpu.memref_squeeze %dma_wait3A_192 : memref<1x1x40x64xi32, #tpu.memory_space<hbm>> -> memref<40x64xi32, #tpu.memory_space<hbm>>
      %dma_wait3A_194 = arith.constant 120 : i32
      %dma_wait3A_195 = arith.constant 0 : i32
      %dma_wait3A_196 = tpu.memref_slice %arg3[%run_scoped3A_144, %add3A, %dma_wait3A_194, %dma_wait3A_195] : memref<2x32x160x64xi32, #tpu.memory_space<hbm>> -> memref<1x1x40x64xi32, #tpu.memory_space<hbm>>
      %dma_wait3A_197 = tpu.memref_squeeze %dma_wait3A_196 : memref<1x1x40x64xi32, #tpu.memory_space<hbm>> -> memref<40x64xi32, #tpu.memory_space<hbm>>
      tpu.wait_dma2 semaphore(%run_scoped3A_182 : memref<!tpu.dma_semaphore, #tpu.memory_space<semaphore_mem>>) src(%dma_wait3A_197 : memref<40x64xi32, #tpu.memory_space<hbm>>) dst(%arg7 : memref<40x64xi32, #tpu.memory_space<vmem>>)
      tpu.yield
    }) : () -> ()
    %dma_start3A_145 = arith.constant 0 : i32
    %dma_start3A_146 = arith.constant 0 : i32
    %dma_start3A_147 = tpu.memref_slice %arg6[%dma_start3A_145, %dma_start3A_146] : memref<40x64xi32, #tpu.memory_space<vmem>> -> memref<1x64xi32, #tpu.memory_space<vmem>>
    %dma_start3A_148 = tpu.memref_squeeze %dma_start3A_147 : memref<1x64xi32, #tpu.memory_space<vmem>> -> memref<64xi32, #tpu.memory_space<vmem>>
    %dma_start3A_149 = arith.constant 0 : i32
    %dma_start3A_150 = arith.constant 0 : i32
    %dma_start3A_151 = tpu.memref_slice %arg2[%dma_start3A_149, %dma_start3A_150] : memref<10000x128xf32, #tpu.memory_space<hbm>> -> memref<10000x128xf32, #tpu.memory_space<hbm>>
    tpu.enqueue_indirect_dma source(%dma_start3A_151 : memref<10000x128xf32, #tpu.memory_space<hbm>>) target(%arg8 : memref<64x128xf32, #tpu.memory_space<vmem>>) offsets(%dma_start3A_148 : memref<64xi32, #tpu.memory_space<vmem>>) semaphore(%arg14 : memref<!tpu.dma_semaphore, #tpu.memory_space<semaphore_mem>>)
    %dma_start3A_152 = arith.constant 1 : i32
    %dma_start3A_153 = arith.constant 0 : i32
    %dma_start3A_154 = tpu.memref_slice %arg6[%dma_start3A_152, %dma_start3A_153] : memref<40x64xi32, #tpu.memory_space<vmem>> -> memref<1x64xi32, #tpu.memory_space<vmem>>
    %dma_start3A_155 = tpu.memref_squeeze %dma_start3A_154 : memref<1x64xi32, #tpu.memory_space<vmem>> -> memref<64xi32, #tpu.memory_space<vmem>>
    %dma_start3A_156 = arith.constant 0 : i32
    %dma_start3A_157 = arith.constant 0 : i32
    %dma_start3A_158 = tpu.memref_slice %arg2[%dma_start3A_156, %dma_start3A_157] : memref<10000x128xf32, #tpu.memory_space<hbm>> -> memref<10000x128xf32, #tpu.memory_space<hbm>>
    tpu.enqueue_indirect_dma source(%dma_start3A_158 : memref<10000x128xf32, #tpu.memory_space<hbm>>) target(%arg9 : memref<64x128xf32, #tpu.memory_space<vmem>>) offsets(%dma_start3A_155 : memref<64xi32, #tpu.memory_space<vmem>>) semaphore(%arg15 : memref<!tpu.dma_semaphore, #tpu.memory_space<semaphore_mem>>)
    %dma_start3A_159 = arith.constant 2 : i32
    %dma_start3A_160 = arith.constant 0 : i32
    %dma_start3A_161 = tpu.memref_slice %arg6[%dma_start3A_159, %dma_start3A_160] : memref<40x64xi32, #tpu.memory_space<vmem>> -> memref<1x64xi32, #tpu.memory_space<vmem>>
    %dma_start3A_162 = tpu.memref_squeeze %dma_start3A_161 : memref<1x64xi32, #tpu.memory_space<vmem>> -> memref<64xi32, #tpu.memory_space<vmem>>
    %dma_start3A_163 = arith.constant 0 : i32
    %dma_start3A_164 = arith.constant 0 : i32
    %dma_start3A_165 = tpu.memref_slice %arg2[%dma_start3A_163, %dma_start3A_164] : memref<10000x128xf32, #tpu.memory_space<hbm>> -> memref<10000x128xf32, #tpu.memory_space<hbm>>
    tpu.enqueue_indirect_dma source(%dma_start3A_165 : memref<10000x128xf32, #tpu.memory_space<hbm>>) target(%arg10 : memref<64x128xf32, #tpu.memory_space<vmem>>) offsets(%dma_start3A_162 : memref<64xi32, #tpu.memory_space<vmem>>) semaphore(%arg16 : memref<!tpu.dma_semaphore, #tpu.memory_space<semaphore_mem>>)
    %scan3A_166 = arith.constant 0 : i32
    %scan3A_167 = arith.constant 0 : i32
    %scan3A_168 = arith.constant 10 : i32
    %scan3A_169 = arith.addi %scan3A_167, %scan3A_168 : i32
    %scan3A_170 = arith.constant 1 : i32
    scf.for %scan3A_182 = %scan3A_167 to %scan3A_169 step %scan3A_170  : i32 {
      %mul3A_183 = arith.constant 4 : i32
      %mul3A_184 = arith.muli %scan3A_182, %mul3A_183 : i32
      %add3A_185 = arith.constant 0 : i32
      %add3A_186 = arith.addi %mul3A_184, %add3A_185 : i32
      %add3A_187 = arith.constant 4 : i32
      %add3A_188 = arith.addi %add3A_186, %add3A_187 : i32
      %sub3A = arith.constant 1 : i32
      %sub3A_189 = arith.subi %add3A_188, %sub3A : i32
      %dma_wait3A = arith.constant 0 : i32
      %dma_wait3A_190 = tpu.memref_slice %arg6[%add3A_186, %dma_wait3A] : memref<40x64xi32, #tpu.memory_space<vmem>> -> memref<1x64xi32, #tpu.memory_space<vmem>>
      %dma_wait3A_191 = tpu.memref_squeeze %dma_wait3A_190 : memref<1x64xi32, #tpu.memory_space<vmem>> -> memref<64xi32, #tpu.memory_space<vmem>>
      %dma_wait3A_192 = arith.constant 0 : i32
      %dma_wait3A_193 = arith.constant 0 : i32
      %dma_wait3A_194 = tpu.memref_slice %arg2[%dma_wait3A_192, %dma_wait3A_193] : memref<10000x128xf32, #tpu.memory_space<hbm>> -> memref<10000x128xf32, #tpu.memory_space<hbm>>
      tpu.wait_indirect_dma semaphore(%arg14 : memref<!tpu.dma_semaphore, #tpu.memory_space<semaphore_mem>>) src(%dma_wait3A_194 : memref<10000x128xf32, #tpu.memory_space<hbm>>) dst(%arg8 : memref<64x128xf32, #tpu.memory_space<vmem>>)
      %lt3A = arith.constant 40 : i32
      %lt3A_195 = arith.cmpi slt, %sub3A_189, %lt3A : i32
      %convert_element_type3A = arith.extui %lt3A_195 : i1 to i32
      %cond3A = arith.constant 0 : i32
      %cond3A_196 = arith.cmpi ne, %convert_element_type3A, %cond3A : i32
      scf.if %cond3A_196 {
        %dma_start3A_274 = arith.constant 0 : i32
        %dma_start3A_275 = tpu.memref_slice %arg6[%sub3A_189, %dma_start3A_274] : memref<40x64xi32, #tpu.memory_space<vmem>> -> memref<1x64xi32, #tpu.memory_space<vmem>>
        %dma_start3A_276 = tpu.memref_squeeze %dma_start3A_275 : memref<1x64xi32, #tpu.memory_space<vmem>> -> memref<64xi32, #tpu.memory_space<vmem>>
        %dma_start3A_277 = arith.constant 0 : i32
        %dma_start3A_278 = arith.constant 0 : i32
        %dma_start3A_279 = tpu.memref_slice %arg2[%dma_start3A_277, %dma_start3A_278] : memref<10000x128xf32, #tpu.memory_space<hbm>> -> memref<10000x128xf32, #tpu.memory_space<hbm>>
        tpu.enqueue_indirect_dma source(%dma_start3A_279 : memref<10000x128xf32, #tpu.memory_space<hbm>>) target(%arg11 : memref<64x128xf32, #tpu.memory_space<vmem>>) offsets(%dma_start3A_276 : memref<64xi32, #tpu.memory_space<vmem>>) semaphore(%arg17 : memref<!tpu.dma_semaphore, #tpu.memory_space<semaphore_mem>>)
      } else {
      }
      "tpu.region"() ({
        %run_scoped3A_274 = tpu.sem_alloc : memref<!tpu.dma_semaphore, #tpu.memory_space<semaphore_mem>>
        %dma_start3A_275 = arith.constant 0 : i32
        %dma_start3A_276 = tpu.memref_slice %arg7[%add3A_186, %dma_start3A_275] : memref<40x64xi32, #tpu.memory_space<vmem>> -> memref<1x64xi32, #tpu.memory_space<vmem>>
        %dma_start3A_277 = tpu.memref_squeeze %dma_start3A_276 : memref<1x64xi32, #tpu.memory_space<vmem>> -> memref<64xi32, #tpu.memory_space<vmem>>
        %dma_start3A_278 = arith.constant 0 : i32
        %dma_start3A_279 = arith.constant 0 : i32
        %dma_start3A_280 = tpu.memref_slice %arg19[%dma_start3A_278, %dma_start3A_279] : memref<10240x128xf32, #tpu.memory_space<vmem_shared>> -> memref<10240x128xf32, #tpu.memory_space<vmem_shared>>
        tpu.enqueue_indirect_dma source(%arg8 : memref<64x128xf32, #tpu.memory_space<vmem>>) target(%dma_start3A_280 : memref<10240x128xf32, #tpu.memory_space<vmem_shared>>) offsets(%dma_start3A_277 : memref<64xi32, #tpu.memory_space<vmem>>) semaphore(%run_scoped3A_274 : memref<!tpu.dma_semaphore, #tpu.memory_space<semaphore_mem>>) {add = true}
        %dma_wait3A_281 = arith.constant 0 : i32
        %dma_wait3A_282 = tpu.memref_slice %arg7[%add3A_186, %dma_wait3A_281] : memref<40x64xi32, #tpu.memory_space<vmem>> -> memref<1x64xi32, #tpu.memory_space<vmem>>
        %dma_wait3A_283 = tpu.memref_squeeze %dma_wait3A_282 : memref<1x64xi32, #tpu.memory_space<vmem>> -> memref<64xi32, #tpu.memory_space<vmem>>
        %dma_wait3A_284 = arith.constant 0 : i32
        %dma_wait3A_285 = arith.constant 0 : i32
        %dma_wait3A_286 = tpu.memref_slice %arg19[%dma_wait3A_284, %dma_wait3A_285] : memref<10240x128xf32, #tpu.memory_space<vmem_shared>> -> memref<10240x128xf32, #tpu.memory_space<vmem_shared>>
        tpu.wait_indirect_dma semaphore(%run_scoped3A_274 : memref<!tpu.dma_semaphore, #tpu.memory_space<semaphore_mem>>) src(%arg8 : memref<64x128xf32, #tpu.memory_space<vmem>>) dst(%dma_wait3A_286 : memref<10240x128xf32, #tpu.memory_space<vmem_shared>>)
        tpu.yield
      }) : () -> ()
      %dma_start3A_197 = arith.constant 0 : i32
      %dma_start3A_198 = tpu.memref_slice %arg7[%add3A_186, %dma_start3A_197] : memref<40x64xi32, #tpu.memory_space<vmem>> -> memref<1x64xi32, #tpu.memory_space<vmem>>
      %dma_start3A_199 = tpu.memref_squeeze %dma_start3A_198 : memref<1x64xi32, #tpu.memory_space<vmem>> -> memref<64xi32, #tpu.memory_space<vmem>>
      %dma_start3A_200 = arith.constant 0 : i32
      %dma_start3A_201 = tpu.memref_slice %arg20[%dma_start3A_200] : memref<10240xf32, #tpu.memory_space<vmem_shared>> -> memref<10240xf32, #tpu.memory_space<vmem_shared>>
      tpu.enqueue_indirect_dma source(%arg12 : memref<64xf32, #tpu.memory_space<vmem>>) target(%dma_start3A_201 : memref<10240xf32, #tpu.memory_space<vmem_shared>>) offsets(%dma_start3A_199 : memref<64xi32, #tpu.memory_space<vmem>>) semaphore(%arg18 : memref<!tpu.dma_semaphore, #tpu.memory_space<semaphore_mem>>) {add = true}
      %mul3A_202 = arith.constant 4 : i32
      %mul3A_203 = arith.muli %scan3A_182, %mul3A_202 : i32
      %add3A_204 = arith.constant 1 : i32
      %add3A_205 = arith.addi %mul3A_203, %add3A_204 : i32
      %add3A_206 = arith.constant 4 : i32
      %add3A_207 = arith.addi %add3A_205, %add3A_206 : i32
      %sub3A_208 = arith.constant 1 : i32
      %sub3A_209 = arith.subi %add3A_207, %sub3A_208 : i32
      %dma_wait3A_210 = arith.constant 0 : i32
      %dma_wait3A_211 = tpu.memref_slice %arg6[%add3A_205, %dma_wait3A_210] : memref<40x64xi32, #tpu.memory_space<vmem>> -> memref<1x64xi32, #tpu.memory_space<vmem>>
      %dma_wait3A_212 = tpu.memref_squeeze %dma_wait3A_211 : memref<1x64xi32, #tpu.memory_space<vmem>> -> memref<64xi32, #tpu.memory_space<vmem>>
      %dma_wait3A_213 = arith.constant 0 : i32
      %dma_wait3A_214 = arith.constant 0 : i32
      %dma_wait3A_215 = tpu.memref_slice %arg2[%dma_wait3A_213, %dma_wait3A_214] : memref<10000x128xf32, #tpu.memory_space<hbm>> -> memref<10000x128xf32, #tpu.memory_space<hbm>>
      tpu.wait_indirect_dma semaphore(%arg15 : memref<!tpu.dma_semaphore, #tpu.memory_space<semaphore_mem>>) src(%dma_wait3A_215 : memref<10000x128xf32, #tpu.memory_space<hbm>>) dst(%arg9 : memref<64x128xf32, #tpu.memory_space<vmem>>)
      %lt3A_216 = arith.constant 40 : i32
      %lt3A_217 = arith.cmpi slt, %sub3A_209, %lt3A_216 : i32
      %convert_element_type3A_218 = arith.extui %lt3A_217 : i1 to i32
      %cond3A_219 = arith.constant 0 : i32
      %cond3A_220 = arith.cmpi ne, %convert_element_type3A_218, %cond3A_219 : i32
      scf.if %cond3A_220 {
        %dma_start3A_274 = arith.constant 0 : i32
        %dma_start3A_275 = tpu.memref_slice %arg6[%sub3A_209, %dma_start3A_274] : memref<40x64xi32, #tpu.memory_space<vmem>> -> memref<1x64xi32, #tpu.memory_space<vmem>>
        %dma_start3A_276 = tpu.memref_squeeze %dma_start3A_275 : memref<1x64xi32, #tpu.memory_space<vmem>> -> memref<64xi32, #tpu.memory_space<vmem>>
        %dma_start3A_277 = arith.constant 0 : i32
        %dma_start3A_278 = arith.constant 0 : i32
        %dma_start3A_279 = tpu.memref_slice %arg2[%dma_start3A_277, %dma_start3A_278] : memref<10000x128xf32, #tpu.memory_space<hbm>> -> memref<10000x128xf32, #tpu.memory_space<hbm>>
        tpu.enqueue_indirect_dma source(%dma_start3A_279 : memref<10000x128xf32, #tpu.memory_space<hbm>>) target(%arg8 : memref<64x128xf32, #tpu.memory_space<vmem>>) offsets(%dma_start3A_276 : memref<64xi32, #tpu.memory_space<vmem>>) semaphore(%arg14 : memref<!tpu.dma_semaphore, #tpu.memory_space<semaphore_mem>>)
      } else {
      }
      "tpu.region"() ({
        %run_scoped3A_274 = tpu.sem_alloc : memref<!tpu.dma_semaphore, #tpu.memory_space<semaphore_mem>>
        %dma_start3A_275 = arith.constant 0 : i32
        %dma_start3A_276 = tpu.memref_slice %arg7[%add3A_205, %dma_start3A_275] : memref<40x64xi32, #tpu.memory_space<vmem>> -> memref<1x64xi32, #tpu.memory_space<vmem>>
        %dma_start3A_277 = tpu.memref_squeeze %dma_start3A_276 : memref<1x64xi32, #tpu.memory_space<vmem>> -> memref<64xi32, #tpu.memory_space<vmem>>
        %dma_start3A_278 = arith.constant 0 : i32
        %dma_start3A_279 = arith.constant 0 : i32
        %dma_start3A_280 = tpu.memref_slice %arg19[%dma_start3A_278, %dma_start3A_279] : memref<10240x128xf32, #tpu.memory_space<vmem_shared>> -> memref<10240x128xf32, #tpu.memory_space<vmem_shared>>
        tpu.enqueue_indirect_dma source(%arg9 : memref<64x128xf32, #tpu.memory_space<vmem>>) target(%dma_start3A_280 : memref<10240x128xf32, #tpu.memory_space<vmem_shared>>) offsets(%dma_start3A_277 : memref<64xi32, #tpu.memory_space<vmem>>) semaphore(%run_scoped3A_274 : memref<!tpu.dma_semaphore, #tpu.memory_space<semaphore_mem>>) {add = true}
        %dma_wait3A_281 = arith.constant 0 : i32
        %dma_wait3A_282 = tpu.memref_slice %arg7[%add3A_205, %dma_wait3A_281] : memref<40x64xi32, #tpu.memory_space<vmem>> -> memref<1x64xi32, #tpu.memory_space<vmem>>
        %dma_wait3A_283 = tpu.memref_squeeze %dma_wait3A_282 : memref<1x64xi32, #tpu.memory_space<vmem>> -> memref<64xi32, #tpu.memory_space<vmem>>
        %dma_wait3A_284 = arith.constant 0 : i32
        %dma_wait3A_285 = arith.constant 0 : i32
        %dma_wait3A_286 = tpu.memref_slice %arg19[%dma_wait3A_284, %dma_wait3A_285] : memref<10240x128xf32, #tpu.memory_space<vmem_shared>> -> memref<10240x128xf32, #tpu.memory_space<vmem_shared>>
        tpu.wait_indirect_dma semaphore(%run_scoped3A_274 : memref<!tpu.dma_semaphore, #tpu.memory_space<semaphore_mem>>) src(%arg9 : memref<64x128xf32, #tpu.memory_space<vmem>>) dst(%dma_wait3A_286 : memref<10240x128xf32, #tpu.memory_space<vmem_shared>>)
        tpu.yield
      }) : () -> ()
      %dma_start3A_221 = arith.constant 0 : i32
      %dma_start3A_222 = tpu.memref_slice %arg7[%add3A_205, %dma_start3A_221] : memref<40x64xi32, #tpu.memory_space<vmem>> -> memref<1x64xi32, #tpu.memory_space<vmem>>
      %dma_start3A_223 = tpu.memref_squeeze %dma_start3A_222 : memref<1x64xi32, #tpu.memory_space<vmem>> -> memref<64xi32, #tpu.memory_space<vmem>>
      %dma_start3A_224 = arith.constant 0 : i32
      %dma_start3A_225 = tpu.memref_slice %arg20[%dma_start3A_224] : memref<10240xf32, #tpu.memory_space<vmem_shared>> -> memref<10240xf32, #tpu.memory_space<vmem_shared>>
      tpu.enqueue_indirect_dma source(%arg12 : memref<64xf32, #tpu.memory_space<vmem>>) target(%dma_start3A_225 : memref<10240xf32, #tpu.memory_space<vmem_shared>>) offsets(%dma_start3A_223 : memref<64xi32, #tpu.memory_space<vmem>>) semaphore(%arg18 : memref<!tpu.dma_semaphore, #tpu.memory_space<semaphore_mem>>) {add = true}
      %mul3A_226 = arith.constant 4 : i32
      %mul3A_227 = arith.muli %scan3A_182, %mul3A_226 : i32
      %add3A_228 = arith.constant 2 : i32
      %add3A_229 = arith.addi %mul3A_227, %add3A_228 : i32
      %add3A_230 = arith.constant 4 : i32
      %add3A_231 = arith.addi %add3A_229, %add3A_230 : i32
      %sub3A_232 = arith.constant 1 : i32
      %sub3A_233 = arith.subi %add3A_231, %sub3A_232 : i32
      %dma_wait3A_234 = arith.constant 0 : i32
      %dma_wait3A_235 = tpu.memref_slice %arg6[%add3A_229, %dma_wait3A_234] : memref<40x64xi32, #tpu.memory_space<vmem>> -> memref<1x64xi32, #tpu.memory_space<vmem>>
      %dma_wait3A_236 = tpu.memref_squeeze %dma_wait3A_235 : memref<1x64xi32, #tpu.memory_space<vmem>> -> memref<64xi32, #tpu.memory_space<vmem>>
      %dma_wait3A_237 = arith.constant 0 : i32
      %dma_wait3A_238 = arith.constant 0 : i32
      %dma_wait3A_239 = tpu.memref_slice %arg2[%dma_wait3A_237, %dma_wait3A_238] : memref<10000x128xf32, #tpu.memory_space<hbm>> -> memref<10000x128xf32, #tpu.memory_space<hbm>>
      tpu.wait_indirect_dma semaphore(%arg16 : memref<!tpu.dma_semaphore, #tpu.memory_space<semaphore_mem>>) src(%dma_wait3A_239 : memref<10000x128xf32, #tpu.memory_space<hbm>>) dst(%arg10 : memref<64x128xf32, #tpu.memory_space<vmem>>)
      %lt3A_240 = arith.constant 40 : i32
      %lt3A_241 = arith.cmpi slt, %sub3A_233, %lt3A_240 : i32
      %convert_element_type3A_242 = arith.extui %lt3A_241 : i1 to i32
      %cond3A_243 = arith.constant 0 : i32
      %cond3A_244 = arith.cmpi ne, %convert_element_type3A_242, %cond3A_243 : i32
      scf.if %cond3A_244 {
        %dma_start3A_274 = arith.constant 0 : i32
        %dma_start3A_275 = tpu.memref_slice %arg6[%sub3A_233, %dma_start3A_274] : memref<40x64xi32, #tpu.memory_space<vmem>> -> memref<1x64xi32, #tpu.memory_space<vmem>>
        %dma_start3A_276 = tpu.memref_squeeze %dma_start3A_275 : memref<1x64xi32, #tpu.memory_space<vmem>> -> memref<64xi32, #tpu.memory_space<vmem>>
        %dma_start3A_277 = arith.constant 0 : i32
        %dma_start3A_278 = arith.constant 0 : i32
        %dma_start3A_279 = tpu.memref_slice %arg2[%dma_start3A_277, %dma_start3A_278] : memref<10000x128xf32, #tpu.memory_space<hbm>> -> memref<10000x128xf32, #tpu.memory_space<hbm>>
        tpu.enqueue_indirect_dma source(%dma_start3A_279 : memref<10000x128xf32, #tpu.memory_space<hbm>>) target(%arg9 : memref<64x128xf32, #tpu.memory_space<vmem>>) offsets(%dma_start3A_276 : memref<64xi32, #tpu.memory_space<vmem>>) semaphore(%arg15 : memref<!tpu.dma_semaphore, #tpu.memory_space<semaphore_mem>>)
      } else {
      }
      "tpu.region"() ({
        %run_scoped3A_274 = tpu.sem_alloc : memref<!tpu.dma_semaphore, #tpu.memory_space<semaphore_mem>>
        %dma_start3A_275 = arith.constant 0 : i32
        %dma_start3A_276 = tpu.memref_slice %arg7[%add3A_229, %dma_start3A_275] : memref<40x64xi32, #tpu.memory_space<vmem>> -> memref<1x64xi32, #tpu.memory_space<vmem>>
        %dma_start3A_277 = tpu.memref_squeeze %dma_start3A_276 : memref<1x64xi32, #tpu.memory_space<vmem>> -> memref<64xi32, #tpu.memory_space<vmem>>
        %dma_start3A_278 = arith.constant 0 : i32
        %dma_start3A_279 = arith.constant 0 : i32
        %dma_start3A_280 = tpu.memref_slice %arg19[%dma_start3A_278, %dma_start3A_279] : memref<10240x128xf32, #tpu.memory_space<vmem_shared>> -> memref<10240x128xf32, #tpu.memory_space<vmem_shared>>
        tpu.enqueue_indirect_dma source(%arg10 : memref<64x128xf32, #tpu.memory_space<vmem>>) target(%dma_start3A_280 : memref<10240x128xf32, #tpu.memory_space<vmem_shared>>) offsets(%dma_start3A_277 : memref<64xi32, #tpu.memory_space<vmem>>) semaphore(%run_scoped3A_274 : memref<!tpu.dma_semaphore, #tpu.memory_space<semaphore_mem>>) {add = true}
        %dma_wait3A_281 = arith.constant 0 : i32
        %dma_wait3A_282 = tpu.memref_slice %arg7[%add3A_229, %dma_wait3A_281] : memref<40x64xi32, #tpu.memory_space<vmem>> -> memref<1x64xi32, #tpu.memory_space<vmem>>
        %dma_wait3A_283 = tpu.memref_squeeze %dma_wait3A_282 : memref<1x64xi32, #tpu.memory_space<vmem>> -> memref<64xi32, #tpu.memory_space<vmem>>
        %dma_wait3A_284 = arith.constant 0 : i32
        %dma_wait3A_285 = arith.constant 0 : i32
        %dma_wait3A_286 = tpu.memref_slice %arg19[%dma_wait3A_284, %dma_wait3A_285] : memref<10240x128xf32, #tpu.memory_space<vmem_shared>> -> memref<10240x128xf32, #tpu.memory_space<vmem_shared>>
        tpu.wait_indirect_dma semaphore(%run_scoped3A_274 : memref<!tpu.dma_semaphore, #tpu.memory_space<semaphore_mem>>) src(%arg10 : memref<64x128xf32, #tpu.memory_space<vmem>>) dst(%dma_wait3A_286 : memref<10240x128xf32, #tpu.memory_space<vmem_shared>>)
        tpu.yield
      }) : () -> ()
      %dma_start3A_245 = arith.constant 0 : i32
      %dma_start3A_246 = tpu.memref_slice %arg7[%add3A_229, %dma_start3A_245] : memref<40x64xi32, #tpu.memory_space<vmem>> -> memref<1x64xi32, #tpu.memory_space<vmem>>
      %dma_start3A_247 = tpu.memref_squeeze %dma_start3A_246 : memref<1x64xi32, #tpu.memory_space<vmem>> -> memref<64xi32, #tpu.memory_space<vmem>>
      %dma_start3A_248 = arith.constant 0 : i32
      %dma_start3A_249 = tpu.memref_slice %arg20[%dma_start3A_248] : memref<10240xf32, #tpu.memory_space<vmem_shared>> -> memref<10240xf32, #tpu.memory_space<vmem_shared>>
      tpu.enqueue_indirect_dma source(%arg12 : memref<64xf32, #tpu.memory_space<vmem>>) target(%dma_start3A_249 : memref<10240xf32, #tpu.memory_space<vmem_shared>>) offsets(%dma_start3A_247 : memref<64xi32, #tpu.memory_space<vmem>>) semaphore(%arg18 : memref<!tpu.dma_semaphore, #tpu.memory_space<semaphore_mem>>) {add = true}
      %mul3A_250 = arith.constant 4 : i32
      %mul3A_251 = arith.muli %scan3A_182, %mul3A_250 : i32
      %add3A_252 = arith.constant 3 : i32
      %add3A_253 = arith.addi %mul3A_251, %add3A_252 : i32
      %add3A_254 = arith.constant 4 : i32
      %add3A_255 = arith.addi %add3A_253, %add3A_254 : i32
      %sub3A_256 = arith.constant 1 : i32
      %sub3A_257 = arith.subi %add3A_255, %sub3A_256 : i32
      %dma_wait3A_258 = arith.constant 0 : i32
      %dma_wait3A_259 = tpu.memref_slice %arg6[%add3A_253, %dma_wait3A_258] : memref<40x64xi32, #tpu.memory_space<vmem>> -> memref<1x64xi32, #tpu.memory_space<vmem>>
      %dma_wait3A_260 = tpu.memref_squeeze %dma_wait3A_259 : memref<1x64xi32, #tpu.memory_space<vmem>> -> memref<64xi32, #tpu.memory_space<vmem>>
      %dma_wait3A_261 = arith.constant 0 : i32
      %dma_wait3A_262 = arith.constant 0 : i32
      %dma_wait3A_263 = tpu.memref_slice %arg2[%dma_wait3A_261, %dma_wait3A_262] : memref<10000x128xf32, #tpu.memory_space<hbm>> -> memref<10000x128xf32, #tpu.memory_space<hbm>>
      tpu.wait_indirect_dma semaphore(%arg17 : memref<!tpu.dma_semaphore, #tpu.memory_space<semaphore_mem>>) src(%dma_wait3A_263 : memref<10000x128xf32, #tpu.memory_space<hbm>>) dst(%arg11 : memref<64x128xf32, #tpu.memory_space<vmem>>)
      %lt3A_264 = arith.constant 40 : i32
      %lt3A_265 = arith.cmpi slt, %sub3A_257, %lt3A_264 : i32
      %convert_element_type3A_266 = arith.extui %lt3A_265 : i1 to i32
      %cond3A_267 = arith.constant 0 : i32
      %cond3A_268 = arith.cmpi ne, %convert_element_type3A_266, %cond3A_267 : i32
      scf.if %cond3A_268 {
        %dma_start3A_274 = arith.constant 0 : i32
        %dma_start3A_275 = tpu.memref_slice %arg6[%sub3A_257, %dma_start3A_274] : memref<40x64xi32, #tpu.memory_space<vmem>> -> memref<1x64xi32, #tpu.memory_space<vmem>>
        %dma_start3A_276 = tpu.memref_squeeze %dma_start3A_275 : memref<1x64xi32, #tpu.memory_space<vmem>> -> memref<64xi32, #tpu.memory_space<vmem>>
        %dma_start3A_277 = arith.constant 0 : i32
        %dma_start3A_278 = arith.constant 0 : i32
        %dma_start3A_279 = tpu.memref_slice %arg2[%dma_start3A_277, %dma_start3A_278] : memref<10000x128xf32, #tpu.memory_space<hbm>> -> memref<10000x128xf32, #tpu.memory_space<hbm>>
        tpu.enqueue_indirect_dma source(%dma_start3A_279 : memref<10000x128xf32, #tpu.memory_space<hbm>>) target(%arg10 : memref<64x128xf32, #tpu.memory_space<vmem>>) offsets(%dma_start3A_276 : memref<64xi32, #tpu.memory_space<vmem>>) semaphore(%arg16 : memref<!tpu.dma_semaphore, #tpu.memory_space<semaphore_mem>>)
      } else {
      }
      "tpu.region"() ({
        %run_scoped3A_274 = tpu.sem_alloc : memref<!tpu.dma_semaphore, #tpu.memory_space<semaphore_mem>>
        %dma_start3A_275 = arith.constant 0 : i32
        %dma_start3A_276 = tpu.memref_slice %arg7[%add3A_253, %dma_start3A_275] : memref<40x64xi32, #tpu.memory_space<vmem>> -> memref<1x64xi32, #tpu.memory_space<vmem>>
        %dma_start3A_277 = tpu.memref_squeeze %dma_start3A_276 : memref<1x64xi32, #tpu.memory_space<vmem>> -> memref<64xi32, #tpu.memory_space<vmem>>
        %dma_start3A_278 = arith.constant 0 : i32
        %dma_start3A_279 = arith.constant 0 : i32
        %dma_start3A_280 = tpu.memref_slice %arg19[%dma_start3A_278, %dma_start3A_279] : memref<10240x128xf32, #tpu.memory_space<vmem_shared>> -> memref<10240x128xf32, #tpu.memory_space<vmem_shared>>
        tpu.enqueue_indirect_dma source(%arg11 : memref<64x128xf32, #tpu.memory_space<vmem>>) target(%dma_start3A_280 : memref<10240x128xf32, #tpu.memory_space<vmem_shared>>) offsets(%dma_start3A_277 : memref<64xi32, #tpu.memory_space<vmem>>) semaphore(%run_scoped3A_274 : memref<!tpu.dma_semaphore, #tpu.memory_space<semaphore_mem>>) {add = true}
        %dma_wait3A_281 = arith.constant 0 : i32
        %dma_wait3A_282 = tpu.memref_slice %arg7[%add3A_253, %dma_wait3A_281] : memref<40x64xi32, #tpu.memory_space<vmem>> -> memref<1x64xi32, #tpu.memory_space<vmem>>
        %dma_wait3A_283 = tpu.memref_squeeze %dma_wait3A_282 : memref<1x64xi32, #tpu.memory_space<vmem>> -> memref<64xi32, #tpu.memory_space<vmem>>
        %dma_wait3A_284 = arith.constant 0 : i32
        %dma_wait3A_285 = arith.constant 0 : i32
        %dma_wait3A_286 = tpu.memref_slice %arg19[%dma_wait3A_284, %dma_wait3A_285] : memref<10240x128xf32, #tpu.memory_space<vmem_shared>> -> memref<10240x128xf32, #tpu.memory_space<vmem_shared>>
        tpu.wait_indirect_dma semaphore(%run_scoped3A_274 : memref<!tpu.dma_semaphore, #tpu.memory_space<semaphore_mem>>) src(%arg11 : memref<64x128xf32, #tpu.memory_space<vmem>>) dst(%dma_wait3A_286 : memref<10240x128xf32, #tpu.memory_space<vmem_shared>>)
        tpu.yield
      }) : () -> ()
      %dma_start3A_269 = arith.constant 0 : i32
      %dma_start3A_270 = tpu.memref_slice %arg7[%add3A_253, %dma_start3A_269] : memref<40x64xi32, #tpu.memory_space<vmem>> -> memref<1x64xi32, #tpu.memory_space<vmem>>
      %dma_start3A_271 = tpu.memref_squeeze %dma_start3A_270 : memref<1x64xi32, #tpu.memory_space<vmem>> -> memref<64xi32, #tpu.memory_space<vmem>>
      %dma_start3A_272 = arith.constant 0 : i32
      %dma_start3A_273 = tpu.memref_slice %arg20[%dma_start3A_272] : memref<10240xf32, #tpu.memory_space<vmem_shared>> -> memref<10240xf32, #tpu.memory_space<vmem_shared>>
      tpu.enqueue_indirect_dma source(%arg12 : memref<64xf32, #tpu.memory_space<vmem>>) target(%dma_start3A_273 : memref<10240xf32, #tpu.memory_space<vmem_shared>>) offsets(%dma_start3A_271 : memref<64xi32, #tpu.memory_space<vmem>>) semaphore(%arg18 : memref<!tpu.dma_semaphore, #tpu.memory_space<semaphore_mem>>) {add = true}
    }
    %scan3A_171 = arith.constant 10 : i32
    %scan3A_172 = arith.constant 0 : i32
    %scan3A_173 = arith.constant 0 : i32
    %scan3A_174 = arith.constant 40 : i32
    %scan3A_175 = arith.addi %scan3A_173, %scan3A_174 : i32
    %scan3A_176 = arith.constant 1 : i32
    scf.for %scan3A_182 = %scan3A_173 to %scan3A_175 step %scan3A_176  : i32 {
      %dma_wait3A = arith.constant 0 : i32
      %dma_wait3A_183 = tpu.memref_slice %arg7[%scan3A_182, %dma_wait3A] : memref<40x64xi32, #tpu.memory_space<vmem>> -> memref<1x64xi32, #tpu.memory_space<vmem>>
      %dma_wait3A_184 = tpu.memref_squeeze %dma_wait3A_183 : memref<1x64xi32, #tpu.memory_space<vmem>> -> memref<64xi32, #tpu.memory_space<vmem>>
      %dma_wait3A_185 = arith.constant 0 : i32
      %dma_wait3A_186 = tpu.memref_slice %arg20[%dma_wait3A_185] : memref<10240xf32, #tpu.memory_space<vmem_shared>> -> memref<10240xf32, #tpu.memory_space<vmem_shared>>
      tpu.wait_indirect_dma semaphore(%arg18 : memref<!tpu.dma_semaphore, #tpu.memory_space<semaphore_mem>>) src(%arg12 : memref<64xf32, #tpu.memory_space<vmem>>) dst(%dma_wait3A_186 : memref<10240xf32, #tpu.memory_space<vmem_shared>>)
    }
    %scan3A_177 = arith.constant 40 : i32
    %barrier3A_178 = arith.constant 0 : index
    tpu.barrier barrier_id(%barrier3A_178)
    "tpu.region"() ({
      %run_scoped3A_182 = tpu.sem_alloc : memref<!tpu.dma_semaphore, #tpu.memory_space<semaphore_mem>>
      %dma_start3A_183 = arith.constant 0 : i32
      %dma_start3A_184 = tpu.memref_slice %arg4[%arg0, %mul3A_2, %dma_start3A_183] : memref<2x10240x128xf32, #tpu.memory_space<hbm>> -> memref<1x640x128xf32, #tpu.memory_space<hbm>>
      %dma_start3A_185 = tpu.memref_squeeze %dma_start3A_184 : memref<1x640x128xf32, #tpu.memory_space<hbm>> -> memref<640x128xf32, #tpu.memory_space<hbm>>
      %dma_start3A_186 = arith.constant 0 : i32
      %dma_start3A_187 = tpu.memref_slice %arg19[%mul3A_2, %dma_start3A_186] : memref<10240x128xf32, #tpu.memory_space<vmem_shared>> -> memref<640x128xf32, #tpu.memory_space<vmem_shared>>
      tpu.enqueue_dma source(%dma_start3A_187 : memref<640x128xf32, #tpu.memory_space<vmem_shared>>) target(%dma_start3A_185 : memref<640x128xf32, #tpu.memory_space<hbm>>) target_semaphore(%run_scoped3A_182 : memref<!tpu.dma_semaphore, #tpu.memory_space<semaphore_mem>>)
      %dma_wait3A = arith.constant 0 : i32
      %dma_wait3A_188 = tpu.memref_slice %arg4[%arg0, %mul3A_2, %dma_wait3A] : memref<2x10240x128xf32, #tpu.memory_space<hbm>> -> memref<1x640x128xf32, #tpu.memory_space<hbm>>
      %dma_wait3A_189 = tpu.memref_squeeze %dma_wait3A_188 : memref<1x640x128xf32, #tpu.memory_space<hbm>> -> memref<640x128xf32, #tpu.memory_space<hbm>>
      %dma_wait3A_190 = arith.constant 0 : i32
      %dma_wait3A_191 = tpu.memref_slice %arg19[%mul3A_2, %dma_wait3A_190] : memref<10240x128xf32, #tpu.memory_space<vmem_shared>> -> memref<640x128xf32, #tpu.memory_space<vmem_shared>>
      tpu.wait_dma2 semaphore(%run_scoped3A_182 : memref<!tpu.dma_semaphore, #tpu.memory_space<semaphore_mem>>) src(%dma_wait3A_191 : memref<640x128xf32, #tpu.memory_space<vmem_shared>>) dst(%dma_wait3A_189 : memref<640x128xf32, #tpu.memory_space<hbm>>)
      tpu.yield
    }) : () -> ()
    "tpu.region"() ({
      %run_scoped3A_182 = tpu.sem_alloc : memref<!tpu.dma_semaphore, #tpu.memory_space<semaphore_mem>>
      %dma_start3A_183 = tpu.memref_slice %arg20[%mul3A_2] : memref<10240xf32, #tpu.memory_space<vmem_shared>> -> memref<640xf32, #tpu.memory_space<vmem_shared>>
      %dma_start3A_184 = tpu.memref_slice %arg20[%mul3A_2] : memref<10240xf32, #tpu.memory_space<vmem_shared>> -> memref<640xf32, #tpu.memory_space<vmem_shared>>
      tpu.enqueue_dma source(%dma_start3A_184 : memref<640xf32, #tpu.memory_space<vmem_shared>>) target(%arg13 : memref<640xf32, #tpu.memory_space<vmem>>) target_semaphore(%run_scoped3A_182 : memref<!tpu.dma_semaphore, #tpu.memory_space<semaphore_mem>>)
      %dma_wait3A = tpu.memref_slice %arg20[%mul3A_2] : memref<10240xf32, #tpu.memory_space<vmem_shared>> -> memref<640xf32, #tpu.memory_space<vmem_shared>>
      %dma_wait3A_185 = tpu.memref_slice %arg20[%mul3A_2] : memref<10240xf32, #tpu.memory_space<vmem_shared>> -> memref<640xf32, #tpu.memory_space<vmem_shared>>
      tpu.wait_dma2 semaphore(%run_scoped3A_182 : memref<!tpu.dma_semaphore, #tpu.memory_space<semaphore_mem>>) src(%dma_wait3A_185 : memref<640xf32, #tpu.memory_space<vmem_shared>>) dst(%arg13 : memref<640xf32, #tpu.memory_space<vmem>>)
      tpu.yield
    }) : () -> ()
    %mul3A_179 = arith.constant 10240 : i32
    %mul3A_180 = arith.muli %arg0, %mul3A_179 : i32
    %add3A_181 = arith.addi %mul3A_180, %mul3A_2 : i32
    "tpu.region"() ({
      %run_scoped3A_182 = tpu.sem_alloc : memref<!tpu.dma_semaphore, #tpu.memory_space<semaphore_mem>>
      %dma_start3A_183 = tpu.memref_slice %arg5[%add3A_181] : memref<20480xf32, #tpu.memory_space<hbm>> -> memref<640xf32, #tpu.memory_space<hbm>>
      %dma_start3A_184 = tpu.memref_slice %arg5[%add3A_181] : memref<20480xf32, #tpu.memory_space<hbm>> -> memref<640xf32, #tpu.memory_space<hbm>>
      tpu.enqueue_dma source(%arg13 : memref<640xf32, #tpu.memory_space<vmem>>) target(%dma_start3A_184 : memref<640xf32, #tpu.memory_space<hbm>>) target_semaphore(%run_scoped3A_182 : memref<!tpu.dma_semaphore, #tpu.memory_space<semaphore_mem>>)
      %dma_wait3A = tpu.memref_slice %arg5[%add3A_181] : memref<20480xf32, #tpu.memory_space<hbm>> -> memref<640xf32, #tpu.memory_space<hbm>>
      %dma_wait3A_185 = tpu.memref_slice %arg5[%add3A_181] : memref<20480xf32, #tpu.memory_space<hbm>> -> memref<640xf32, #tpu.memory_space<hbm>>
      tpu.wait_dma2 semaphore(%run_scoped3A_182 : memref<!tpu.dma_semaphore, #tpu.memory_space<semaphore_mem>>) src(%arg13 : memref<640xf32, #tpu.memory_space<vmem>>) dst(%dma_wait3A_185 : memref<640xf32, #tpu.memory_space<hbm>>)
      tpu.yield
    }) : () -> ()
    return
  }
}

module attributes {stable_mosaic.version = 14 : i64} {
  func.func @_tc_project(%arg0: i32, %arg1: memref<2x2000x128xf32, #tpu.memory_space<vmem>>, %arg2: memref<2x2000x1xf32, #tpu.memory_space<vmem>>, %arg3: memref<128x128xf32, #tpu.memory_space<vmem>>, %arg4: memref<1x128xf32, #tpu.memory_space<vmem>>, %arg5: memref<2000x128xf32, #tpu.memory_space<vmem>>) attributes {dimension_semantics = [#tpu.dimension_semantics<arbitrary>], iteration_bounds = array<i64: 5>, scalar_prefetch = 0 : i64, scratch_operands = 0 : i64, tpu.core_type = #tpu.core_type<tc>, window_params = [{transform_indices = @transform_0, window_bounds = array<i64: 2, 2000, 128>}, {transform_indices = @transform_1, window_bounds = array<i64: 2, 2000, 1>}, {pipeline_mode = #tpu.pipeline_mode<synchronous>, transform_indices = @transform_2, window_bounds = array<i64: 128, 128>}, {pipeline_mode = #tpu.pipeline_mode<synchronous>, transform_indices = @transform_3, window_bounds = array<i64: 1, 128>}, {transform_indices = @transform_4, window_bounds = array<i64: 2000, 128>}]} {
    %get3A = arith.constant 0 : index
    %get3A_0 = arith.constant 0 : index
    %get3A_1 = arith.constant 0 : index
    %get3A_2 = vector.load %arg1[%get3A, %get3A_0, %get3A_1] : memref<2x2000x128xf32, #tpu.memory_space<vmem>>, vector<1x2000x128xf32>
    %get3A_3 = vector.shape_cast %get3A_2 : vector<1x2000x128xf32> to vector<2000x128xf32>
    %get3A_4 = arith.constant 1 : index
    %get3A_5 = arith.constant 0 : index
    %get3A_6 = arith.constant 0 : index
    %get3A_7 = vector.load %arg1[%get3A_4, %get3A_5, %get3A_6] : memref<2x2000x128xf32, #tpu.memory_space<vmem>>, vector<1x2000x128xf32>
    %get3A_8 = vector.shape_cast %get3A_7 : vector<1x2000x128xf32> to vector<2000x128xf32>
    %add3A = arith.addf %get3A_3, %get3A_8 : vector<2000x128xf32>
    %get3A_9 = arith.constant 0 : index
    %get3A_10 = arith.constant 0 : index
    %get3A_11 = arith.constant 0 : index
    %get3A_12 = vector.load %arg2[%get3A_9, %get3A_10, %get3A_11] : memref<2x2000x1xf32, #tpu.memory_space<vmem>>, vector<1x2000x1xf32>
    %get3A_13 = vector.shape_cast %get3A_12 : vector<1x2000x1xf32> to vector<2000x1xf32>
    %get3A_14 = arith.constant 1 : index
    %get3A_15 = arith.constant 0 : index
    %get3A_16 = arith.constant 0 : index
    %get3A_17 = vector.load %arg2[%get3A_14, %get3A_15, %get3A_16] : memref<2x2000x1xf32, #tpu.memory_space<vmem>>, vector<1x2000x1xf32>
    %get3A_18 = vector.shape_cast %get3A_17 : vector<1x2000x1xf32> to vector<2000x1xf32>
    %add3A_19 = arith.addf %get3A_13, %get3A_18 : vector<2000x1xf32>
    %max3A = arith.constant 1.000000e+00 : f32
    %max3A_20 = vector.broadcast %max3A : f32 to vector<2000x1xf32>
    %max3A_21 = arith.maximumf %add3A_19, %max3A_20 : vector<2000x1xf32>
    %div3A = vector.broadcast %max3A_21 : vector<2000x1xf32> to vector<2000x128xf32>
    %div3A_22 = arith.divf %add3A, %div3A : vector<2000x128xf32>
    %get3A_23 = arith.constant 0 : index
    %get3A_24 = arith.constant 0 : index
    %get3A_25 = vector.load %arg3[%get3A_23, %get3A_24] : memref<128x128xf32, #tpu.memory_space<vmem>>, vector<128x128xf32>
    %dot_general3A = arith.constant dense<0.000000e+00> : vector<2000x128xf32>
    %dot_general3A_26 = tpu.matmul %div3A_22, %get3A_25, %dot_general3A {dimension_numbers = #tpu.dot_dimension_numbers<[1], [0], [0], [1], [0, 0, 1, 1], [], []>, transpose_lhs_hint = false} : vector<2000x128xf32>, vector<128x128xf32>, vector<2000x128xf32> -> vector<2000x128xf32>
    %get3A_27 = arith.constant 0 : index
    %get3A_28 = arith.constant 0 : index
    %get3A_29 = vector.load %arg4[%get3A_27, %get3A_28] : memref<1x128xf32, #tpu.memory_space<vmem>>, vector<1x128xf32>
    %add3A_30 = vector.broadcast %get3A_29 : vector<1x128xf32> to vector<2000x128xf32>
    %add3A_31 = arith.addf %dot_general3A_26, %add3A_30 : vector<2000x128xf32>
    %swap3A = arith.constant 0 : index
    %swap3A_32 = arith.constant 0 : index
    %swap3A_33 = vector.load %arg5[%swap3A, %swap3A_32] : memref<2000x128xf32, #tpu.memory_space<vmem>>, vector<2000x128xf32>
    tpu.vector_store %arg5[%swap3A, %swap3A_32], %add3A_31 {strides = array<i32>} : memref<2000x128xf32, #tpu.memory_space<vmem>>, vector<2000x128xf32>,
    return
  }
  func.func @transform_0(%arg0: i32) -> (i32, i32, i32) {
    %c0_i32 = arith.constant 0 : i32
    %c0_i32_0 = arith.constant 0 : i32
    %c0_i32_1 = arith.constant 0 : i32
    return %c0_i32, %arg0, %c0_i32_0 : i32, i32, i32
  }
  func.func @transform_1(%arg0: i32) -> (i32, i32, i32) {
    %c0_i32 = arith.constant 0 : i32
    %c0_i32_0 = arith.constant 0 : i32
    %c0_i32_1 = arith.constant 0 : i32
    return %c0_i32, %arg0, %c0_i32_0 : i32, i32, i32
  }
  func.func @transform_2(%arg0: i32) -> (i32, i32) {
    %c0_i32 = arith.constant 0 : i32
    %c0_i32_0 = arith.constant 0 : i32
    %c0_i32_1 = arith.constant 0 : i32
    return %c0_i32, %c0_i32_0 : i32, i32
  }
  func.func @transform_3(%arg0: i32) -> (i32, i32) {
    %c0_i32 = arith.constant 0 : i32
    %c0_i32_0 = arith.constant 0 : i32
    %c0_i32_1 = arith.constant 0 : i32
    return %c0_i32, %c0_i32_0 : i32, i32
  }
  func.func @transform_4(%arg0: i32) -> (i32, i32) {
    %c0_i32 = arith.constant 0 : i32
    %c0_i32_0 = arith.constant 0 : i32
    return %arg0, %c0_i32 : i32, i32
  }
}

</mosaic_0001>

<sc_bundles>
// kernel: kernel.4.cloned.1.call-start
scs
__scs_entry_jumppad:
0x0: {  	(pc) =	sbr.rel $0x88, $3  }
0x1: {  	(tag) =	ssettag $0x0;
	lr =	simm.s32 $0x1  }
0x2: {  	[smem:$0x3F9D] =	sst lr;
	_ =	strace $0xD0000000  }
0x3: {  	_ = 	snop  }
0x4: {  	_ = 	snop  }
0x5: {  	_ = 	snop  }
0x6: {  	_ = 	snop  }
0x7: {  	_ = 	snop  }
__scs_overlays_trampoline_lowered:
0x8: {  	[smem:$0x3FAC] =	sst s0  }
0x9: {  	[smem:$0x3FAD] =	sst s1  }
0xa: {  	[smem:$0x3FAE] =	sst s2  }
0xb: {  	[smem:$0x3FAF] =	sst s3  }
0xc: {  	[smem:$0x3FB0] =	sst s4  }
0xd: {  	[smem:$0x3FB1] =	sst s5  }
0xe: {  	[smem:$0x3FB2] =	sst s6  }
0xf: {  	[smem:$0x3FB3] =	sst s7  }
0x10: {  	[smem:$0x3FB4] =	sst s8  }
0x11: {  	[smem:$0x3FB5] =	sst s9;
	s0 =	simm.s32 @!p0 $0x0  }
0x12: {  	s1 =	sld [smem:$0x3F9B];
	s0 =	simm.s32 @p0 $0x1  }
0x13: {  	[smem:$0x3FB6] =	sst s0;
	s0 =	simm.s32 @!p1 $0x0  }
0x14: {  	s2 =	sld [smem:$0x3F9A];
	s0 =	simm.s32 @p1 $0x1  }
0x15: {  	[smem:$0x3FB7] =	sst s0;
	s0 =	simm.s32 @!p2 $0x0  }
0x16: {  	s3 =	sld [smem:$0x3FDB];
	s0 =	simm.s32 @p2 $0x1  }
0x17: {  	s4 =	simm.s32 $0x1BF5;
	[smem:$0x3FB9] =	sst s0  }
0x18: {  	s0 =	sld [smem:$0x3F9C];
	_ =	swait.ge [sflag:s4], $0x0  }
0x19: {  	s7 =	sld [smem:$0x3F9D]  }
0x1a: {  	s8 =	sadd.s32 $0xFFFFE003, lr  }
0x1b: {  	s9 =	sadd.s32 $0xFFFFFEF7, lr;
	s5 =	simm.s32 $0xFFFFFFFF;
	p2 =	slt.u32 s8, $0xFFFFF086  }
0x1c: {  	p1 =	slt.u32 s9, $0xF7A;
	s5 =	simm.s32 @!p2 $0x0  }
0x1d: {  	s5 =	simm.s32 @p1 $0x1;
	p0 =	seq.s32 s7, s2  }
0x1e: {  	s7 =	smul.u32 @!p0 $0xF7A, s2;
	p2 =	seq.s32 @!p0 s5, $0x0  }
0x1f: {  	s9 =	smul.u32 $0xF7A, s1;
	s8 =	simm.s32 @!p0 $0x1BF5;
	p2 =	por !p2, p0  }
0x20: {  	[sflag:s8] =	ssyncset.s32 @!p0 $0xFFFFF086;
	s6 =	sadd.s32 @!p0 s3, s7;
	s7 =	simm.s32 @!p0 $0x108  }
0x21: {  	s3 =	sadd.s32 s3, s9;
	s6 =	sadd.s32 @!p0 $0x88, s6;
	s7 =	simm.s32 @p2 $0x1082  }
0x22: {  	[simem:s7], [sflag:s8] =	dma.local @!p0 [hbm:s6], $0xF7A  }
0x23: {  	s9 =	sor.u32 $0xD0000000, s2;
	s6 =	simm.s32 $0x108;
	_ =	swait.ge @!p0 [sflag:s8], $0x0  }
0x24: {  	s3 =	sadd.s32 $0x88, s3;
	s6 =	simm.s32 @!p1 $0x1082;
	[sflag:s4] =	ssyncset.s32 $0xFFFFF086  }
0x25: {  	[simem:s6], [sflag:s4] =	dma.local [hbm:s3], $0xF7A  }
0x26: {  	[smem:$0x3F9D] =	sst s1;
	(tag) =	ssettag s2;
	_ =	strace s9  }
0x27: {  	s1 =	sld [smem:$0x3FAD]  }
0x28: {  	s2 =	sld [smem:$0x3FAE]  }
0x29: {  	s4 =	sld [smem:$0x3FB0]  }
0x2a: {  	p0 =	seq.s32 s5, $0x0;
	s5 =	sld [smem:$0x3FB1]  }
0x2b: {  	s6 =	sld [smem:$0x3FB2]  }
0x2c: {  	s7 =	sld [smem:$0x3FB3]  }
0x2d: {  	s3 =	simm.s32 $0x108;
	s8 =	sld [smem:$0x3FB4]  }
0x2e: {  	s3 =	simm.s32 @!p0 $0x1082;
	s9 =	sld [smem:$0x3FB5]  }
0x2f: {  	lr =	sadd.s32 s0, s3;
	s0 =	sld [smem:$0x3FAC]  }
0x30: {  	s3 =	sld [smem:$0x3FAF]  }
0x31: {  	[smem:$0x3FB8] =	sst s10  }
0x32: {  	s10 =	sld [smem:$0x3FB6];
	_ =	sdelay $0x3  }
0x33: {  	p0 =	seq.s32 s10, $0x1;
	s10 =	sld [smem:$0x3FB8];
	_ =	sdelay $0x3  }
0x34: {  	[smem:$0x3FB8] =	sst s10  }
0x35: {  	s10 =	sld [smem:$0x3FB7];
	_ =	sdelay $0x3  }
0x36: {  	p1 =	seq.s32 s10, $0x1;
	s10 =	sld [smem:$0x3FB8];
	_ =	sdelay $0x3  }
0x37: {  	[smem:$0x3FB8] =	sst s10  }
0x38: {  	s10 =	sld [smem:$0x3FB9]  }
0x39: {  	_ = 	snop;
	(pc) =	sbr.ind lr, $3  }
0x3a: {  	_ = 	snop  }
0x3b: {  	_ = 	snop  }
0x3c: {  	p2 =	seq.s32 s10, $0x1;
	s10 =	sld [smem:$0x3FB8]  }
0x3d: {  	_ =	shalt  }
0x3e: {  	_ =	shalt  }
0x3f: {  	_ =	shalt  }
0x40: {  	_ =	shalt  }
0x41: {  	_ =	shalt  }
0x42: {  	_ =	shalt  }
0x43: {  	_ =	shalt  }
0x44: {  	_ =	shalt  }
0x45: {  	_ =	shalt  }
0x46: {  	_ =	shalt  }
0x47: {  	_ =	shalt  }
0x48: {  	_ =	shalt  }
0x49: {  	_ =	shalt  }
0x4a: {  	_ =	shalt  }
0x4b: {  	_ =	shalt  }
0x4c: {  	_ =	shalt  }
0x4d: {  	_ =	shalt  }
0x4e: {  	_ =	shalt  }
0x4f: {  	_ =	shalt  }
0x50: {  	_ =	shalt  }
0x51: {  	_ =	shalt  }
0x52: {  	_ =	shalt  }
0x53: {  	_ =	shalt  }
0x54: {  	_ =	shalt  }
0x55: {  	_ =	shalt  }
0x56: {  	_ =	shalt  }
0x57: {  	_ =	shalt  }
0x58: {  	_ =	shalt  }
0x59: {  	_ =	shalt  }
0x5a: {  	_ =	shalt  }
0x5b: {  	_ =	shalt  }
0x5c: {  	_ =	shalt  }
0x5d: {  	_ =	shalt  }
0x5e: {  	_ =	shalt  }
0x5f: {  	_ =	shalt  }
0x60: {  	_ =	shalt  }
0x61: {  	_ =	shalt  }
0x62: {  	_ =	shalt  }
0x63: {  	_ =	shalt  }
0x64: {  	_ =	shalt  }
0x65: {  	_ =	shalt  }
0x66: {  	_ =	shalt  }
0x67: {  	_ =	shalt  }
0x68: {  	_ =	shalt  }
0x69: {  	_ =	shalt  }
0x6a: {  	_ =	shalt  }
0x6b: {  	_ =	shalt  }
0x6c: {  	_ =	shalt  }
0x6d: {  	_ =	shalt  }
0x6e: {  	_ =	shalt  }
0x6f: {  	_ =	shalt  }
0x70: {  	_ =	shalt  }
0x71: {  	_ =	shalt  }
0x72: {  	_ =	shalt  }
0x73: {  	_ =	shalt  }
0x74: {  	_ =	shalt  }
0x75: {  	_ =	shalt  }
0x76: {  	_ =	shalt  }
0x77: {  	_ =	shalt  }
0x78: {  	_ =	shalt  }
0x79: {  	_ =	shalt  }
0x7a: {  	_ =	shalt  }
0x7b: {  	_ =	shalt  }
0x7c: {  	_ =	shalt  }
0x7d: {  	_ =	shalt  }
0x7e: {  	_ =	shalt  }
0x7f: {  	_ =	shalt  }
0x80: {  	_ =	shalt  }
0x81: {  	_ =	shalt  }
0x82: {  	_ =	shalt  }
0x83: {  	_ =	shalt  }
0x84: {  	_ =	shalt  }
0x85: {  	_ =	shalt  }
0x86: {  	_ =	shalt  }
0x87: {  	_ =	shalt  }
.Lfunc_end0:
.L_simem_size_0:
called_computation_lowered:
.L_overlay_start_0:
0x88: {  	s2 =	sld [smem:$0x3FD9]  }
0x89: {  	s3 =	sld [smem:$0x3FFE];
	_ =	sdelay $0x1  }
0x8a: {  	s1 =	srdreg.scid  }
0x8b: {  	s0 =	sand.u32 $0x1, s1  }
0x8c: {  	s17 =	sshll.u32 s0, $0xA;
	s2 =	sadd.s32 s3, s2  }
0x8d: {  	s2 =	sadd.s32 s2, s17  }
0x8e: {  	[smem:$0x3FC4] =	sst s2  }
0x8f: {  	_ = 	snop  }
0x90: {  	s2 =	sld [smem:$0x3FC9]  }
0x91: {  	s18 =	sld [smem:$0x3FD0];
	(tm) =	ssettm $0x1  }
0x92: {  	s4 =	sld [smem:$0x3FFB];
	_ =	sdelay $0x3  }
0x93: {  	_ =	strace s4  }
0x94: {  	s4 =	sld [smem:$0x3FFC];
	_ =	sdelay $0x3  }
0x95: {  	_ =	strace s4  }
0x96: {  	s4 =	sld [smem:$0x3FFD];
	_ =	sdelay $0x3  }
0x97: {  	_ =	strace s4  }
0x98: {  	_ =	strace $0x8FFFFFFF  }
0x99: {  	s19 =	sld [smem:$0x3FDB];
	_ =	sdelay $0x1  }
0x9a: {  	s5 =	simm.s32 $_scs_section_size  }
0x9b: {  	s6 =	simm.s32 $_size__tile_overlayer_lowered;
	s7 =	simm.s32 $_tile_overlayer_lowered  }
0x9c: {  	s22 =	simm.s32 $0x1BFF;
	s21 =	sshll.u32 s7, $0x1;
	s4 =	sadd.s32 s5, s19  }
0x9d: {  	s8 =	simm.s32 $0x0;
	s20 =	sshll.u32 s6, $0x1;
	s6 =	sadd.s32 s21, s4  }
0x9e: {  	[timem:s8], [sflag:s22] =	dma.local [hbm:s6], s20  }
0x9f: {  	_ =	swait.ge [sflag:s22], s20  }
0xa0: {  	s5 =	ssub.s32 $0x0, s20;
	[sflag:s22] =	ssyncset.done $0x0  }
0xa1: {  	[sflag:s22] =	ssyncadd.s32 s5;
	_ =	sdelay $0x1  }
0xa2: {  	s23 =	simm.s32 $0x1B8B  }
0xa3: {  	_ =	swait.ge [sflag:s23], $0x1  }
0xa4: {  	[sflag:s23] =	ssyncset.done $0x0  }
0xa5: {  	s25 =	simm.s32 $0x1B8E;
	s24 =	sld [smem:$0x3FFE];
	[sflag:s23] =	ssyncadd.s32 $0xFFFFFFFF  }
0xa6: {  	s26 =	simm.s32 $execute0_lowered;
	[smem:$0x3FD2] =	sst s25  }
0xa7: {  	s6 =	sshll.u32 s26, $0x1;
	_ =	strace $0x80000046;
	[dreg:$0x1] =	wrdreg $0xFFFFFFFF  }
0xa8: {  	s28 =	simm.s32 $_size_execute0_lowered;
	s4 =	sadd.s32 s4, s6;
	[dreg:$0x0] =	wrdreg $0x0  }
0xa9: {  	s6 =	sshll.u32 s28, $0x1;
	[dreg:$0x2] =	wrdreg s4  }
0xaa: {  	[dreg:$0x3] =	wrdreg s6  }
0xab: {  	[dreg:$0x4] =	wrdreg $0xC0  }
0xac: {  	_ =	task [dreg:s8], $0x5FFFF  }
0xad: {  	[dreg:$0x1] =	wrdreg $0xFFFFFFFF  }
0xae: {  	[dreg:$0x0] =	wrdreg $0x60  }
0xaf: {  	[dreg:$0x2] =	wrdreg s2  }
0xb0: {  	[dreg:$0x3] =	wrdreg s24  }
0xb1: {  	[dreg:$0x4] =	wrdreg s18  }
0xb2: {  	[dreg:$0x5] =	wrdreg $0xAB000  }
0xb3: {  	[dreg:$0x6] =	wrdreg $0x1EB000  }
0xb4: {  	[dreg:$0x7] =	wrdreg $0x9  }
0xb5: {  	_ =	task.clear_ibuf [dreg:s8], $0x8FFFF;
	_ =	strace $0x90000046  }
0xb6: {  	s29 =	simm.s32 $0x9;
	_ =	strace $0x80000048  }
0xb7: {  	_ =	swait.ge [sflag:s29], $0x1  }
0xb8: {  	[sflag:s29] =	ssyncadd.s32 $0xFFFFFFFF  }
0xb9: {  	_ =	strace $0x90000048  }
0xba: {  	_ =	sfence  }
0xbb: {  	s30 =	sld [smem:$0x0];
	_ =	sdelay $0x2  }
0xbc: {  	s31 =	sshll.u32 s1, $0xD;
	s1 =	sshrl.u32 s1, $0x2  }
0xbd: {  	s3 =	sand.u32 $0x4000, s31;
	s1 =	sadd.s32 s1, s30  }
0xbe: {  	s0 =	sor.u32 s3, s0;
	s1 =	sshll.u32 s1, $0x11  }
0xbf: {  	s0 =	sor.u32 s1, s0  }
0xc0: {  	s0 =	sadd.s32 $0x8F2B, s0  }
0xc1: {  	[sflag:s0] =	ssyncadd.remote.s32 $0x1  }
0xc2: {  	_ =	sfence.sel $0xFFFF  }
0xc3: {  	[dreg:$0x0] =	wrdreg $0xFFFFFFFF;
	(pc) =	sbr.abs _section_cstart, $3  }
0xc4: {  	[dreg:$0x1] =	wrdreg $0xFFFFFFFF  }
0xc5: {  	_ =	task.clear_ibuf [dreg:s8], $0x2FFFF;
	_ =	strace $0x9FFFFFFF  }
0xc6: {  	(tm) =	ssettm $0x7FFFFFFF  }
0xc7: {  	_ =	shalt  }
tec
execute0_lowered:
.L_overlay_start_1:
0x0: {  	(tag) =	ssettag $0x1  }
0x1: {  	s1 =	rddreg [dreg:$0x0]  }
0x2: {  	s0 =	srdreg.scid;
	s2 =	rddreg [dreg:$0x1]  }
0x3: {  	s11 =	stileid.u32;
	s5 =	rddreg [dreg:$0x2];
	s9 =	simm.s32 $0x0  }
0x4: {  	s29 =	simm.s32 $0x2800;
	s30 =	simm.s32 $0x6;
	s8 =	smul.u32 $0x14000, s11  }
0x5: {  	s31 =	simm.s32 $0xA880;
	s0 =	sand.u32 $0x1, s0;
	s19 =	smul.u32 $0x50000, s11  }
0x6: {  	s3 =	sshll.u32 s11, $0x1;
	[smem:$0x7FF] =	sst s9;
	s24 =	smul.u32 $0x280, s11  }
0x7: {  	s9 =	simm.s32 $0x6800;
	s4 =	sor.u32 s0, s3;
	s7 =	smul.u32 $0x140000, s0  }
0x8: {  	s3 =	rddreg [dreg:$0x3];
	s21 =	ssub.s32 $0x2, s0;
	s0 =	smul.u32 $0x2800, s0  }
0x9: {  	s6 =	smul.u32 $0x5000, s4;
	s4 =	rddreg [dreg:$0x4];
	_ =	strace $0x80000047  }
0xa: {  	s22 =	sshrl.u32 s19, $0x2;
	s23 =	sshrl.u32 s21, $0x1;
	s0 =	sadd.s32 s24, s0  }
0xb: {  	s20 =	sadd.s32 s8, s7;
	s6 =	sshrl.u32 s6, $0x3;
	s0 =	sshrl.u32 s0, $0x3  }
0xc: {  	s7 =	ssub.s32 s21, s23;
	s10 =	sadd.s32 s6, s2;
	s0 =	sadd.s32 s5, s0  }
0xd: {  	s8 =	simm.s32 $0x100;
	s16 =	sadd.s32 $0x14E00, s10;
	[dreg:$0x13] =	wrdreg s0  }
0xe: {  	s6 =	sshrl.u32 s20, $0x3;
	s17 =	sadd.s32 $0xE00, s10;
	[dreg:$0xd] =	wrdreg s16  }
0xf: {  	s5 =	simm.s32 $0x40;
	s18 =	sadd.s32 $0x15080, s10;
	[dreg:$0xe] =	wrdreg s17  }
0x10: {  	s2 =	sadd.s32 s6, s2;
	s19 =	sadd.s32 $0x1080, s10;
	[dreg:$0xf] =	wrdreg s18  }
0x11: {  	s6 =	sadd.s32 s22, s3;
	s20 =	sadd.s32 $0x15300, s10;
	[dreg:$0x10] =	wrdreg s19  }
0x12: {  	s21 =	sadd.s32 $0x1300, s10;
	s22 =	sadd.s32 $0x15580, s10;
	[dreg:$0x11] =	wrdreg s20  }
0x13: {  	s23 =	sadd.s32 $0x1580, s10;
	s0 =	simm.s32 $0x80;
	[dreg:$0x12] =	wrdreg s21  }
0x14: {  	s10 =	simm.s32 $0x1;
	s25 =	sadd.s32 $0x2000, s6;
	[dreg:$0x14] =	wrdreg s22  }
0x15: {  	s26 =	sadd.s32 $0x4000, s6;
	s11 =	sadd.s32 $0x6000, s6;
	[dreg:$0x15] =	wrdreg s23  }
0x16: {  	s12 =	sadd.s32 $0x8000, s6;
	s13 =	sadd.s32 $0xA000, s6;
	[dreg:$0x6] =	wrdreg s25  }
0x17: {  	s14 =	sadd.s32 $0xC000, s6;
	s15 =	sadd.s32 $0xE000, s6;
	[dreg:$0x7] =	wrdreg s26  }
0x18: {  	s28 =	sadd.s32 $0x12000, s6;
	s16 =	simm.s32 $0x4;
	[dreg:$0x8] =	wrdreg s11  }
0x19: {  	s17 =	simm.s32 $0x1380;
	s18 =	simm.s32 $0x2600;
	[dreg:$0x9] =	wrdreg s12  }
0x1a: {  	s19 =	simm.s32 $0x2680;
	s20 =	simm.s32 $0x2700;
	[dreg:$0xa] =	wrdreg s13  }
0x1b: {  	s21 =	simm.s32 $0x2780;
	s22 =	simm.s32 $0x5;
	[dreg:$0xb] =	wrdreg s14  }
0x1c: {  	s23 =	simm.s32 $0x0;
	[dreg:$0xc] =	wrdreg s15;
	s14 =	sadd.s32 s24, s4  }
0x1d: {  	s24 =	sadd.s32 $0x28E00, s2;
	s25 =	smax.u32 s7, $0x1;
	s26 =	sadd.s32 $0x10000, s6  }
0x1e: {  	s2 =	simm.s32 $0x1400;
	s7 =	simm.s32 $0x4800;
	[dreg:$0x16] =	wrdreg s24  }
0x1f: {  	s11 =	simm.s32 $0x8800;
	s12 =	simm.s32 $0xA800;
	[dreg:$0x17] =	wrdreg s25  }
0x20: {  	v0 =	vimm.f32 $0.0e+00;
	v1 =	vimm.f32 $1.000000000e+00;
	s13 =	simm.s32 $0x2;
	s15 =	simm.s32 $0x3;
	[dreg:$0x18] =	wrdreg s26  }
.LBB2_1:
0x21: {  	s24 =	simm.s32 $0x0;
	s25 =	simm.s32 $0x200  }
.LBB2_2:
0x22: {  	p0 =	sne.s32 s25, $0x7E00;
	[tilespmem:s24+$0x2870] =	vst v0  }
0x23: {  	[tilespmem:s24+$0x2800] =	vst v0  }
0x24: {  	[tilespmem:s24+$0x2810] =	vst v0  }
.Ltmp0:
0x25: {  	[tilespmem:s24+$0x2820] =	vst v0;
	(pc) =	sbr.rel @p0 .LBB2_2-.Ltmp0, $4  }
0x26: {  	[tilespmem:s24+$0x2830] =	vst v0  }
0x27: {  	[tilespmem:s24+$0x2840] =	vst v0  }
0x28: {  	[tilespmem:s24+$0x2850] =	vst v0  }
0x29: {  	[tilespmem:s24+$0x2860] =	vst v0;
	s24 =	sshra.s32 s25, $0x2;
	s25 =	sadd.s32 $0x200, s25  }
0x2a: {  	[tilespmem:s24+$0x2870] =	vst v0  }
0x2b: {  	[tilespmem:s24+$0x2800] =	vst v0  }
0x2c: {  	[tilespmem:s24+$0x2810] =	vst v0  }
0x2d: {  	[tilespmem:s24+$0x2820] =	vst v0  }
0x2e: {  	[tilespmem:s24+$0x2830] =	vst v0  }
0x2f: {  	[tilespmem:s24+$0x2840] =	vst v0  }
0x30: {  	[tilespmem:s24+$0x2850] =	vst v0  }
0x31: {  	[tilespmem:s24+$0x2860] =	vst v0  }
0x32: {  	[spmem:s6] =	stream.linear.scatter [tilespmem:s29], [sflag:$0x6], $0x2000, $0x38;
	[tilespmem:$0x1ED80] =	vst v63  }
0x33: {  	_ =	swait.ge [sflag:s30], $0x2000  }
0x34: {  	[sflag:s30] =	ssyncset.done $0x0  }
0x35: {  	s26 =	rddreg [dreg:$0x6];
	[sflag:s30] =	ssyncadd.s32 $0xFFFFE000  }
0x36: {  	[spmem:s26] =	stream.linear.scatter [tilespmem:s29], [sflag:$0x6], $0x2000, $0x38;
	[tilespmem:$0x1ED80] =	vst v63  }
0x37: {  	_ =	swait.ge [sflag:s30], $0x2000  }
0x38: {  	[sflag:s30] =	ssyncset.done $0x0  }
0x39: {  	s25 =	rddreg [dreg:$0x7];
	[sflag:s30] =	ssyncadd.s32 $0xFFFFE000  }
0x3a: {  	[spmem:s25] =	stream.linear.scatter [tilespmem:s29], [sflag:$0x6], $0x2000, $0x38;
	[tilespmem:$0x1ED80] =	vst v63  }
0x3b: {  	_ =	swait.ge [sflag:s30], $0x2000  }
0x3c: {  	[sflag:s30] =	ssyncset.done $0x0  }
0x3d: {  	s26 =	rddreg [dreg:$0x8];
	[sflag:s30] =	ssyncadd.s32 $0xFFFFE000  }
0x3e: {  	[spmem:s26] =	stream.linear.scatter [tilespmem:s29], [sflag:$0x6], $0x2000, $0x38;
	[tilespmem:$0x1ED80] =	vst v63  }
0x3f: {  	_ =	swait.ge [sflag:s30], $0x2000  }
0x40: {  	[sflag:s30] =	ssyncset.done $0x0  }
0x41: {  	s25 =	rddreg [dreg:$0x9];
	[sflag:s30] =	ssyncadd.s32 $0xFFFFE000  }
0x42: {  	[spmem:s25] =	stream.linear.scatter [tilespmem:s29], [sflag:$0x6], $0x2000, $0x38;
	[tilespmem:$0x1ED80] =	vst v63  }
0x43: {  	_ =	swait.ge [sflag:s30], $0x2000  }
0x44: {  	[sflag:s30] =	ssyncset.done $0x0  }
0x45: {  	s26 =	rddreg [dreg:$0xa];
	[sflag:s30] =	ssyncadd.s32 $0xFFFFE000  }
0x46: {  	[spmem:s26] =	stream.linear.scatter [tilespmem:s29], [sflag:$0x6], $0x2000, $0x38;
	[tilespmem:$0x1ED80] =	vst v63  }
0x47: {  	_ =	swait.ge [sflag:s30], $0x2000  }
0x48: {  	[sflag:s30] =	ssyncset.done $0x0  }
0x49: {  	s25 =	rddreg [dreg:$0xb];
	[sflag:s30] =	ssyncadd.s32 $0xFFFFE000  }
0x4a: {  	[spmem:s25] =	stream.linear.scatter [tilespmem:s29], [sflag:$0x6], $0x2000, $0x38;
	[tilespmem:$0x1ED80] =	vst v63  }
0x4b: {  	_ =	swait.ge [sflag:s30], $0x2000  }
0x4c: {  	[sflag:s30] =	ssyncset.done $0x0  }
0x4d: {  	s26 =	rddreg [dreg:$0xc];
	[sflag:s30] =	ssyncadd.s32 $0xFFFFE000  }
0x4e: {  	[spmem:s26] =	stream.linear.scatter [tilespmem:s29], [sflag:$0x6], $0x2000, $0x38;
	[tilespmem:$0x1ED80] =	vst v63  }
0x4f: {  	_ =	swait.ge [sflag:s30], $0x2000  }
0x50: {  	[sflag:s30] =	ssyncset.done $0x0  }
0x51: {  	s25 =	rddreg [dreg:$0x18];
	[sflag:s30] =	ssyncadd.s32 $0xFFFFE000  }
0x52: {  	[spmem:s25] =	stream.linear.scatter [tilespmem:s29], [sflag:$0x6], $0x2000, $0x38;
	[tilespmem:$0x1ED80] =	vst v63  }
0x53: {  	_ =	swait.ge [sflag:s30], $0x2000  }
0x54: {  	[sflag:s30] =	ssyncset.done $0x0  }
0x55: {  	[sflag:s30] =	ssyncadd.s32 $0xFFFFE000  }
0x56: {  	[spmem:s28] =	stream.linear.scatter [tilespmem:s29], [sflag:$0x6], $0x2000, $0x38;
	[tilespmem:$0x1ED80] =	vst v63  }
0x57: {  	_ =	swait.ge [sflag:s30], $0x2000  }
0x58: {  	[sflag:s30] =	ssyncset.done $0x0  }
0x59: {  	[sflag:s30] =	ssyncadd.s32 $0xFFFFE000  }
0x5a: {  	[tilespmem:$0xA880] =	vst v0  }
0x5b: {  	[tilespmem:$0xA890] =	vst v0  }
0x5c: {  	[tilespmem:$0xA8A0] =	vst v0  }
0x5d: {  	[tilespmem:$0xA8B0] =	vst v0  }
0x5e: {  	[tilespmem:$0xA8C0] =	vst v0  }
0x5f: {  	[tilespmem:$0xA8D0] =	vst v0  }
0x60: {  	[tilespmem:$0xA8E0] =	vst v0  }
0x61: {  	[tilespmem:$0xA8F0] =	vst v0  }
0x62: {  	[tilespmem:$0xA900] =	vst v0  }
0x63: {  	[tilespmem:$0xA910] =	vst v0  }
0x64: {  	[tilespmem:$0xA920] =	vst v0  }
0x65: {  	[tilespmem:$0xA930] =	vst v0  }
0x66: {  	[tilespmem:$0xA940] =	vst v0  }
0x67: {  	[tilespmem:$0xA950] =	vst v0  }
0x68: {  	[tilespmem:$0xA960] =	vst v0  }
0x69: {  	[tilespmem:$0xA970] =	vst v0  }
0x6a: {  	[tilespmem:$0xA980] =	vst v0  }
0x6b: {  	[tilespmem:$0xA990] =	vst v0  }
0x6c: {  	[tilespmem:$0xA9A0] =	vst v0  }
0x6d: {  	[tilespmem:$0xA9B0] =	vst v0  }
0x6e: {  	[tilespmem:$0xA9C0] =	vst v0  }
0x6f: {  	[tilespmem:$0xA9D0] =	vst v0  }
0x70: {  	[tilespmem:$0xA9E0] =	vst v0  }
0x71: {  	[tilespmem:$0xA9F0] =	vst v0  }
0x72: {  	[tilespmem:$0xAA00] =	vst v0  }
0x73: {  	[tilespmem:$0xAA10] =	vst v0  }
0x74: {  	[tilespmem:$0xAA20] =	vst v0  }
0x75: {  	[tilespmem:$0xAA30] =	vst v0  }
0x76: {  	[tilespmem:$0xAA40] =	vst v0  }
0x77: {  	[tilespmem:$0xAA50] =	vst v0  }
0x78: {  	[tilespmem:$0xAA60] =	vst v0  }
0x79: {  	[tilespmem:$0xAA70] =	vst v0  }
0x7a: {  	[tilespmem:$0xAA80] =	vst v0  }
0x7b: {  	[tilespmem:$0xAA90] =	vst v0  }
0x7c: {  	[tilespmem:$0xAAA0] =	vst v0  }
0x7d: {  	[tilespmem:$0xAAB0] =	vst v0  }
0x7e: {  	[tilespmem:$0xAAC0] =	vst v0  }
0x7f: {  	[tilespmem:$0xAAD0] =	vst v0  }
0x80: {  	[tilespmem:$0xAAE0] =	vst v0  }
0x81: {  	[tilespmem:$0xAAF0] =	vst v0  }
0x82: {  	[spmem:s14] =	stream.linear.scatter [tilespmem:s31], [sflag:$0x6], $0x280, $0x38;
	[tilespmem:$0x1ED80] =	vst v63  }
0x83: {  	_ =	swait.ge [sflag:s30], $0x280  }
0x84: {  	[sflag:s30] =	ssyncset.done $0x0  }
0x85: {  	[sflag:s30] =	ssyncadd.s32 $0xFFFFFD80  }
0x86: {  	[tilespmem:$0xA800] =	vst v1  }
0x87: {  	[tilespmem:$0xA810] =	vst v1  }
0x88: {  	[tilespmem:$0xA820] =	vst v1  }
0x89: {  	[tilespmem:$0xA830] =	vst v1  }
0x8a: {  	[bflag:$0x0] =	sbarrier.arrive $0xFFFF  }
0x8b: {  	s24 =	simm.s32 $0x0;
	s25 =	rddreg [dreg:$0xd]  }
0x8c: {  	[tilespmem:s24], [sflag:$0x6] =	stream.linear.gather [hbm4b:s25+s24], $0x1400, $0x38;
	[tilespmem:$0x1ED80] =	vst v63  }
0x8d: {  	_ =	swait.ge [sflag:s30], $0x1400  }
0x8e: {  	[sflag:s30] =	ssyncset.done $0x0  }
0x8f: {  	s26 =	rddreg [dreg:$0xe];
	[sflag:s30] =	ssyncadd.s32 $0xFFFFEC00  }
0x90: {  	[tilespmem:s2], [sflag:$0x6] =	stream.linear.gather [hbm4b:s26+s24], $0x1400, $0x38;
	[tilespmem:$0x1ED80] =	vst v63  }
0x91: {  	_ =	swait.ge [sflag:s30], $0x1400  }
0x92: {  	[sflag:s30] =	ssyncset.done $0x0  }
0x93: {  	[sflag:s30] =	ssyncadd.s32 $0xFFFFEC00  }
0x94: {  	[tilespmem:s29], [sflag:$0x1] =	stream.indirect.gather [hbm4b:s1+s5], $0x80, s24, s5, $0xb8;
	[tilespmem:$0x1ED80] =	vst v63  }
0x95: {  	_ = 	snop  }
0x96: {  	[tilespmem:s7], [sflag:$0x2] =	stream.indirect.gather [hbm4b:s1+s5], $0x80, s0, s5, $0xb8;
	[tilespmem:$0x1ED80] =	vst v63  }
0x97: {  	_ = 	snop  }
0x98: {  	[tilespmem:s9], [sflag:$0x3] =	stream.indirect.gather [hbm4b:s1+s5], $0x80, s8, s5, $0xb8;
	[tilespmem:$0x1ED80] =	vst v63  }
0x99: {  	_ =	swait.ge [sflag:s10], $0x2000  }
0x9a: {  	[sflag:s10] =	ssyncset.done $0x0  }
0x9b: {  	s26 =	simm.s32 $0x180;
	[sflag:s10] =	ssyncadd.s32 $0xFFFFE000  }
0x9c: {  	[tilespmem:s11], [sflag:$0x4] =	stream.indirect.gather [hbm4b:s1+s5], $0x80, s26, s5, $0xb8;
	[tilespmem:$0x1ED80] =	vst v63  }
0x9d: {  	s25 =	simm.s32 $0x1400  }
0x9e: {  	[spmem:s3] =	stream.indirect.scatter.add.f32 [tilespmem:s29], [sflag:$0x6], $0x80, s25, s5, $0xb8;
	[tilespmem:$0x1ED80] =	vst v63  }
0x9f: {  	_ =	swait.ge [sflag:s30], $0x2000  }
0xa0: {  	[sflag:s30] =	ssyncset.done $0x0  }
0xa1: {  	[sflag:s30] =	ssyncadd.s32 $0xFFFFE000  }
0xa2: {  	[spmem:s4] =	stream.indirect.scatter.add.f32 [tilespmem:s12], [sflag:$0x5], $0x1, s25, s5, $0xb8;
	[tilespmem:$0x1ED80] =	vst v63  }
0xa3: {  	_ =	swait.ge [sflag:s13], $0x2000  }
0xa4: {  	[sflag:s13] =	ssyncset.done $0x0  }
0xa5: {  	s26 =	simm.s32 $0x200;
	[sflag:s13] =	ssyncadd.s32 $0xFFFFE000  }
0xa6: {  	[tilespmem:s29], [sflag:$0x1] =	stream.indirect.gather [hbm4b:s1+s5], $0x80, s26, s5, $0xb8;
	[tilespmem:$0x1ED80] =	vst v63  }
0xa7: {  	s25 =	simm.s32 $0x1480  }
0xa8: {  	[spmem:s3] =	stream.indirect.scatter.add.f32 [tilespmem:s7], [sflag:$0x6], $0x80, s25, s5, $0xb8;
	[tilespmem:$0x1ED80] =	vst v63  }
0xa9: {  	_ =	swait.ge [sflag:s30], $0x2000  }
0xaa: {  	[sflag:s30] =	ssyncset.done $0x0  }
0xab: {  	[sflag:s30] =	ssyncadd.s32 $0xFFFFE000  }
0xac: {  	[spmem:s4] =	stream.indirect.scatter.add.f32 [tilespmem:s12], [sflag:$0x5], $0x1, s25, s5, $0xb8;
	[tilespmem:$0x1ED80] =	vst v63  }
0xad: {  	_ =	swait.ge [sflag:s15], $0x2000  }
0xae: {  	[sflag:s15] =	ssyncset.done $0x0  }
0xaf: {  	s26 =	simm.s32 $0x280;
	[sflag:s15] =	ssyncadd.s32 $0xFFFFE000  }
0xb0: {  	[tilespmem:s7], [sflag:$0x2] =	stream.indirect.gather [hbm4b:s1+s5], $0x80, s26, s5, $0xb8;
	[tilespmem:$0x1ED80] =	vst v63  }
0xb1: {  	s25 =	simm.s32 $0x1500  }
0xb2: {  	[spmem:s3] =	stream.indirect.scatter.add.f32 [tilespmem:s9], [sflag:$0x6], $0x80, s25, s5, $0xb8;
	[tilespmem:$0x1ED80] =	vst v63  }
0xb3: {  	_ =	swait.ge [sflag:s30], $0x2000  }
0xb4: {  	[sflag:s30] =	ssyncset.done $0x0  }
0xb5: {  	[sflag:s30] =	ssyncadd.s32 $0xFFFFE000  }
0xb6: {  	[spmem:s4] =	stream.indirect.scatter.add.f32 [tilespmem:s12], [sflag:$0x5], $0x1, s25, s5, $0xb8;
	[tilespmem:$0x1ED80] =	vst v63  }
0xb7: {  	_ =	swait.ge [sflag:s16], $0x2000  }
0xb8: {  	[sflag:s16] =	ssyncset.done $0x0  }
0xb9: {  	s26 =	simm.s32 $0x300;
	[sflag:s16] =	ssyncadd.s32 $0xFFFFE000  }
0xba: {  	[tilespmem:s9], [sflag:$0x3] =	stream.indirect.gather [hbm4b:s1+s5], $0x80, s26, s5, $0xb8;
	[tilespmem:$0x1ED80] =	vst v63  }
0xbb: {  	s25 =	simm.s32 $0x1580  }
0xbc: {  	[spmem:s3] =	stream.indirect.scatter.add.f32 [tilespmem:s11], [sflag:$0x6], $0x80, s25, s5, $0xb8;
	[tilespmem:$0x1ED80] =	vst v63  }
0xbd: {  	_ =	swait.ge [sflag:s30], $0x2000  }
0xbe: {  	[sflag:s30] =	ssyncset.done $0x0  }
0xbf: {  	s24 =	simm.s32 $0x800;
	[sflag:s30] =	ssyncadd.s32 $0xFFFFE000  }
.LBB2_4:
0xc0: {  	[spmem:s4] =	stream.indirect.scatter.add.f32 [tilespmem:s12], [sflag:$0x5], $0x1, s25, s5, $0xb8;
	[tilespmem:$0x1ED80] =	vst v63  }
0xc1: {  	s25 =	smov.u32 s24  }
0xc2: {  	p0 =	sne.s32 s24, $0x4000;
	s24 =	sadd.s32 $0x800, s24;
	_ =	swait.ge [sflag:s10], $0x2000  }
0xc3: {  	s25 =	sshra.s32 s25, $0x2;
	[sflag:s10] =	ssyncset.done $0x0  }
0xc4: {  	s26 =	sadd.s32 $0x180, s25;
	[sflag:s10] =	ssyncadd.s32 $0xFFFFE000  }
0xc5: {  	[tilespmem:s11], [sflag:$0x4] =	stream.indirect.gather [hbm4b:s1+s5], $0x80, s26, s5, $0xb8;
	[tilespmem:$0x1ED80] =	vst v63  }
0xc6: {  	s26 =	sadd.s32 $0x1400, s25  }
0xc7: {  	[spmem:s3] =	stream.indirect.scatter.add.f32 [tilespmem:s29], [sflag:$0x6], $0x80, s26, s5, $0xb8;
	[tilespmem:$0x1ED80] =	vst v63  }
0xc8: {  	_ =	swait.ge [sflag:s30], $0x2000  }
0xc9: {  	[sflag:s30] =	ssyncset.done $0x0  }
0xca: {  	[sflag:s30] =	ssyncadd.s32 $0xFFFFE000  }
0xcb: {  	[spmem:s4] =	stream.indirect.scatter.add.f32 [tilespmem:s12], [sflag:$0x5], $0x1, s26, s5, $0xb8;
	[tilespmem:$0x1ED80] =	vst v63  }
0xcc: {  	_ =	swait.ge [sflag:s13], $0x2000  }
0xcd: {  	[sflag:s13] =	ssyncset.done $0x0  }
0xce: {  	s26 =	sadd.s32 $0x200, s25;
	[sflag:s13] =	ssyncadd.s32 $0xFFFFE000  }
0xcf: {  	[tilespmem:s29], [sflag:$0x1] =	stream.indirect.gather [hbm4b:s1+s5], $0x80, s26, s5, $0xb8;
	[tilespmem:$0x1ED80] =	vst v63  }
0xd0: {  	s26 =	sadd.s32 $0x1480, s25  }
0xd1: {  	[spmem:s3] =	stream.indirect.scatter.add.f32 [tilespmem:s7], [sflag:$0x6], $0x80, s26, s5, $0xb8;
	[tilespmem:$0x1ED80] =	vst v63  }
0xd2: {  	_ =	swait.ge [sflag:s30], $0x2000  }
0xd3: {  	[sflag:s30] =	ssyncset.done $0x0  }
0xd4: {  	[sflag:s30] =	ssyncadd.s32 $0xFFFFE000  }
0xd5: {  	[spmem:s4] =	stream.indirect.scatter.add.f32 [tilespmem:s12], [sflag:$0x5], $0x1, s26, s5, $0xb8;
	[tilespmem:$0x1ED80] =	vst v63  }
0xd6: {  	_ =	swait.ge [sflag:s15], $0x2000  }
0xd7: {  	[sflag:s15] =	ssyncset.done $0x0  }
0xd8: {  	s26 =	sadd.s32 $0x280, s25;
	[sflag:s15] =	ssyncadd.s32 $0xFFFFE000  }
0xd9: {  	[tilespmem:s7], [sflag:$0x2] =	stream.indirect.gather [hbm4b:s1+s5], $0x80, s26, s5, $0xb8;
	[tilespmem:$0x1ED80] =	vst v63  }
0xda: {  	s26 =	sadd.s32 $0x1500, s25  }
0xdb: {  	[spmem:s3] =	stream.indirect.scatter.add.f32 [tilespmem:s9], [sflag:$0x6], $0x80, s26, s5, $0xb8;
	[tilespmem:$0x1ED80] =	vst v63  }
0xdc: {  	_ =	swait.ge [sflag:s30], $0x2000  }
0xdd: {  	[sflag:s30] =	ssyncset.done $0x0  }
0xde: {  	[sflag:s30] =	ssyncadd.s32 $0xFFFFE000  }
0xdf: {  	[spmem:s4] =	stream.indirect.scatter.add.f32 [tilespmem:s12], [sflag:$0x5], $0x1, s26, s5, $0xb8;
	[tilespmem:$0x1ED80] =	vst v63  }
0xe0: {  	_ =	swait.ge [sflag:s16], $0x2000  }
0xe1: {  	[sflag:s16] =	ssyncset.done $0x0  }
0xe2: {  	s26 =	sadd.s32 $0x300, s25;
	[sflag:s16] =	ssyncadd.s32 $0xFFFFE000  }
0xe3: {  	[tilespmem:s9], [sflag:$0x3] =	stream.indirect.gather [hbm4b:s1+s5], $0x80, s26, s5, $0xb8;
	[tilespmem:$0x1ED80] =	vst v63  }
.Ltmp1:
0xe4: {  	s25 =	sadd.s32 $0x1580, s25;
	(pc) =	sbr.rel @p0 .LBB2_4-.Ltmp1, $4  }
0xe5: {  	[spmem:s3] =	stream.indirect.scatter.add.f32 [tilespmem:s11], [sflag:$0x6], $0x80, s25, s5, $0xb8;
	[tilespmem:$0x1ED80] =	vst v63  }
0xe6: {  	_ =	swait.ge [sflag:s30], $0x2000  }
0xe7: {  	[sflag:s30] =	ssyncset.done $0x0  }
0xe8: {  	[sflag:s30] =	ssyncadd.s32 $0xFFFFE000  }
0xe9: {  	[spmem:s4] =	stream.indirect.scatter.add.f32 [tilespmem:s12], [sflag:$0x5], $0x1, s25, s5, $0xb8;
	[tilespmem:$0x1ED80] =	vst v63  }
0xea: {  	_ =	swait.ge [sflag:s10], $0x2000  }
0xeb: {  	[sflag:s10] =	ssyncset.done $0x0  }
0xec: {  	[sflag:s10] =	ssyncadd.s32 $0xFFFFE000  }
0xed: {  	[tilespmem:s11], [sflag:$0x4] =	stream.indirect.gather [hbm4b:s1+s5], $0x80, s17, s5, $0xb8;
	[tilespmem:$0x1ED80] =	vst v63  }
0xee: {  	_ = 	snop  }
0xef: {  	[spmem:s3] =	stream.indirect.scatter.add.f32 [tilespmem:s29], [sflag:$0x6], $0x80, s18, s5, $0xb8;
	[tilespmem:$0x1ED80] =	vst v63  }
0xf0: {  	_ =	swait.ge [sflag:s30], $0x2000  }
0xf1: {  	[sflag:s30] =	ssyncset.done $0x0  }
0xf2: {  	[sflag:s30] =	ssyncadd.s32 $0xFFFFE000  }
0xf3: {  	[spmem:s4] =	stream.indirect.scatter.add.f32 [tilespmem:s12], [sflag:$0x5], $0x1, s18, s5, $0xb8;
	[tilespmem:$0x1ED80] =	vst v63  }
0xf4: {  	_ =	swait.ge [sflag:s13], $0x2000  }
0xf5: {  	[sflag:s13] =	ssyncset.done $0x0  }
0xf6: {  	[sflag:s13] =	ssyncadd.s32 $0xFFFFE000  }
0xf7: {  	[spmem:s3] =	stream.indirect.scatter.add.f32 [tilespmem:s7], [sflag:$0x6], $0x80, s19, s5, $0xb8;
	[tilespmem:$0x1ED80] =	vst v63  }
0xf8: {  	_ =	swait.ge [sflag:s30], $0x2000  }
0xf9: {  	[sflag:s30] =	ssyncset.done $0x0  }
0xfa: {  	[sflag:s30] =	ssyncadd.s32 $0xFFFFE000  }
0xfb: {  	[spmem:s4] =	stream.indirect.scatter.add.f32 [tilespmem:s12], [sflag:$0x5], $0x1, s19, s5, $0xb8;
	[tilespmem:$0x1ED80] =	vst v63  }
0xfc: {  	_ =	swait.ge [sflag:s15], $0x2000  }
0xfd: {  	[sflag:s15] =	ssyncset.done $0x0  }
0xfe: {  	[sflag:s15] =	ssyncadd.s32 $0xFFFFE000  }
0xff: {  	[spmem:s3] =	stream.indirect.scatter.add.f32 [tilespmem:s9], [sflag:$0x6], $0x80, s20, s5, $0xb8;
	[tilespmem:$0x1ED80] =	vst v63  }
0x100: {  	_ =	swait.ge [sflag:s30], $0x2000  }
0x101: {  	[sflag:s30] =	ssyncset.done $0x0  }
0x102: {  	[sflag:s30] =	ssyncadd.s32 $0xFFFFE000  }
0x103: {  	[spmem:s4] =	stream.indirect.scatter.add.f32 [tilespmem:s12], [sflag:$0x5], $0x1, s20, s5, $0xb8;
	[tilespmem:$0x1ED80] =	vst v63  }
0x104: {  	_ =	swait.ge [sflag:s16], $0x2000  }
0x105: {  	[sflag:s16] =	ssyncset.done $0x0  }
0x106: {  	[sflag:s16] =	ssyncadd.s32 $0xFFFFE000  }
0x107: {  	[spmem:s3] =	stream.indirect.scatter.add.f32 [tilespmem:s11], [sflag:$0x6], $0x80, s21, s5, $0xb8;
	[tilespmem:$0x1ED80] =	vst v63  }
0x108: {  	_ =	swait.ge [sflag:s30], $0x2000  }
0x109: {  	[sflag:s30] =	ssyncset.done $0x0  }
0x10a: {  	[sflag:s30] =	ssyncadd.s32 $0xFFFFE000  }
0x10b: {  	[spmem:s4] =	stream.indirect.scatter.add.f32 [tilespmem:s12], [sflag:$0x5], $0x1, s21, s5, $0xb8;
	[tilespmem:$0x1ED80] =	vst v63  }
0x10c: {  	_ =	swait.ge [sflag:s22], $0x40  }
0x10d: {  	s24 =	simm.s32 $0x27;
	[sflag:s22] =	ssyncset.done $0x0  }
.LBB2_6:
0x10e: {  	p0 =	sne.s32 s24, $0x1;
	s24 =	sadd.s32 $0xFFFFFFFF, s24;
	[sflag:s22] =	ssyncadd.s32 $0xFFFFFFC0  }
.Ltmp2:
0x10f: {  	(pc) =	sbr.rel @p0 .LBB2_6-.Ltmp2, $3  }
0x110: {  	_ =	sdelay $0x1  }
0x111: {  	_ =	swait.ge [sflag:s22], $0x40  }
0x112: {  	[sflag:s22] =	ssyncset.done $0x0  }
0x113: {  	[sflag:s22] =	ssyncadd.s32 $0xFFFFFFC0;
	s24 =	simm.s32 $0x0;
	s25 =	rddreg [dreg:$0xf]  }
0x114: {  	[tilespmem:s24], [sflag:$0x6] =	stream.linear.gather [hbm4b:s25+s24], $0x1400, $0x38;
	[tilespmem:$0x1ED80] =	vst v63  }
0x115: {  	_ =	swait.ge [sflag:s30], $0x1400  }
0x116: {  	[sflag:s30] =	ssyncset.done $0x0  }
0x117: {  	s26 =	rddreg [dreg:$0x10];
	[sflag:s30] =	ssyncadd.s32 $0xFFFFEC00  }
0x118: {  	[tilespmem:s2], [sflag:$0x6] =	stream.linear.gather [hbm4b:s26+s24], $0x1400, $0x38;
	[tilespmem:$0x1ED80] =	vst v63  }
0x119: {  	_ =	swait.ge [sflag:s30], $0x1400  }
0x11a: {  	[sflag:s30] =	ssyncset.done $0x0  }
0x11b: {  	[sflag:s30] =	ssyncadd.s32 $0xFFFFEC00  }
0x11c: {  	[tilespmem:s29], [sflag:$0x1] =	stream.indirect.gather [hbm4b:s1+s5], $0x80, s24, s5, $0xb8;
	[tilespmem:$0x1ED80] =	vst v63  }
0x11d: {  	_ = 	snop  }
0x11e: {  	[tilespmem:s7], [sflag:$0x2] =	stream.indirect.gather [hbm4b:s1+s5], $0x80, s0, s5, $0xb8;
	[tilespmem:$0x1ED80] =	vst v63  }
0x11f: {  	_ = 	snop  }
0x120: {  	[tilespmem:s9], [sflag:$0x3] =	stream.indirect.gather [hbm4b:s1+s5], $0x80, s8, s5, $0xb8;
	[tilespmem:$0x1ED80] =	vst v63  }
0x121: {  	_ =	swait.ge [sflag:s10], $0x2000  }
0x122: {  	[sflag:s10] =	ssyncset.done $0x0  }
0x123: {  	s26 =	simm.s32 $0x180;
	[sflag:s10] =	ssyncadd.s32 $0xFFFFE000  }
0x124: {  	[tilespmem:s11], [sflag:$0x4] =	stream.indirect.gather [hbm4b:s1+s5], $0x80, s26, s5, $0xb8;
	[tilespmem:$0x1ED80] =	vst v63  }
0x125: {  	s25 =	simm.s32 $0x1400  }
0x126: {  	[spmem:s3] =	stream.indirect.scatter.add.f32 [tilespmem:s29], [sflag:$0x6], $0x80, s25, s5, $0xb8;
	[tilespmem:$0x1ED80] =	vst v63  }
0x127: {  	_ =	swait.ge [sflag:s30], $0x2000  }
0x128: {  	[sflag:s30] =	ssyncset.done $0x0  }
0x129: {  	[sflag:s30] =	ssyncadd.s32 $0xFFFFE000  }
0x12a: {  	[spmem:s4] =	stream.indirect.scatter.add.f32 [tilespmem:s12], [sflag:$0x5], $0x1, s25, s5, $0xb8;
	[tilespmem:$0x1ED80] =	vst v63  }
0x12b: {  	_ =	swait.ge [sflag:s13], $0x2000  }
0x12c: {  	[sflag:s13] =	ssyncset.done $0x0  }
0x12d: {  	s26 =	simm.s32 $0x200;
	[sflag:s13] =	ssyncadd.s32 $0xFFFFE000  }
0x12e: {  	[tilespmem:s29], [sflag:$0x1] =	stream.indirect.gather [hbm4b:s1+s5], $0x80, s26, s5, $0xb8;
	[tilespmem:$0x1ED80] =	vst v63  }
0x12f: {  	s25 =	simm.s32 $0x1480  }
0x130: {  	[spmem:s3] =	stream.indirect.scatter.add.f32 [tilespmem:s7], [sflag:$0x6], $0x80, s25, s5, $0xb8;
	[tilespmem:$0x1ED80] =	vst v63  }
0x131: {  	_ =	swait.ge [sflag:s30], $0x2000  }
0x132: {  	[sflag:s30] =	ssyncset.done $0x0  }
0x133: {  	[sflag:s30] =	ssyncadd.s32 $0xFFFFE000  }
0x134: {  	[spmem:s4] =	stream.indirect.scatter.add.f32 [tilespmem:s12], [sflag:$0x5], $0x1, s25, s5, $0xb8;
	[tilespmem:$0x1ED80] =	vst v63  }
0x135: {  	_ =	swait.ge [sflag:s15], $0x2000  }
0x136: {  	[sflag:s15] =	ssyncset.done $0x0  }
0x137: {  	s26 =	simm.s32 $0x280;
	[sflag:s15] =	ssyncadd.s32 $0xFFFFE000  }
0x138: {  	[tilespmem:s7], [sflag:$0x2] =	stream.indirect.gather [hbm4b:s1+s5], $0x80, s26, s5, $0xb8;
	[tilespmem:$0x1ED80] =	vst v63  }
0x139: {  	s25 =	simm.s32 $0x1500  }
0x13a: {  	[spmem:s3] =	stream.indirect.scatter.add.f32 [tilespmem:s9], [sflag:$0x6], $0x80, s25, s5, $0xb8;
	[tilespmem:$0x1ED80] =	vst v63  }
0x13b: {  	_ =	swait.ge [sflag:s30], $0x2000  }
0x13c: {  	[sflag:s30] =	ssyncset.done $0x0  }
0x13d: {  	[sflag:s30] =	ssyncadd.s32 $0xFFFFE000  }
0x13e: {  	[spmem:s4] =	stream.indirect.scatter.add.f32 [tilespmem:s12], [sflag:$0x5], $0x1, s25, s5, $0xb8;
	[tilespmem:$0x1ED80] =	vst v63  }
0x13f: {  	_ =	swait.ge [sflag:s16], $0x2000  }
0x140: {  	[sflag:s16] =	ssyncset.done $0x0  }
0x141: {  	s26 =	simm.s32 $0x300;
	[sflag:s16] =	ssyncadd.s32 $0xFFFFE000  }
0x142: {  	[tilespmem:s9], [sflag:$0x3] =	stream.indirect.gather [hbm4b:s1+s5], $0x80, s26, s5, $0xb8;
	[tilespmem:$0x1ED80] =	vst v63  }
0x143: {  	s25 =	simm.s32 $0x1580  }
0x144: {  	[spmem:s3] =	stream.indirect.scatter.add.f32 [tilespmem:s11], [sflag:$0x6], $0x80, s25, s5, $0xb8;
	[tilespmem:$0x1ED80] =	vst v63  }
0x145: {  	_ =	swait.ge [sflag:s30], $0x2000  }
0x146: {  	[sflag:s30] =	ssyncset.done $0x0  }
0x147: {  	s24 =	simm.s32 $0x800;
	[sflag:s30] =	ssyncadd.s32 $0xFFFFE000  }
.LBB2_8:
0x148: {  	[spmem:s4] =	stream.indirect.scatter.add.f32 [tilespmem:s12], [sflag:$0x5], $0x1, s25, s5, $0xb8;
	[tilespmem:$0x1ED80] =	vst v63  }
0x149: {  	s25 =	smov.u32 s24  }
0x14a: {  	p0 =	sne.s32 s24, $0x4000;
	s24 =	sadd.s32 $0x800, s24;
	_ =	swait.ge [sflag:s10], $0x2000  }
0x14b: {  	s25 =	sshra.s32 s25, $0x2;
	[sflag:s10] =	ssyncset.done $0x0  }
0x14c: {  	s26 =	sadd.s32 $0x180, s25;
	[sflag:s10] =	ssyncadd.s32 $0xFFFFE000  }
0x14d: {  	[tilespmem:s11], [sflag:$0x4] =	stream.indirect.gather [hbm4b:s1+s5], $0x80, s26, s5, $0xb8;
	[tilespmem:$0x1ED80] =	vst v63  }
0x14e: {  	s26 =	sadd.s32 $0x1400, s25  }
0x14f: {  	[spmem:s3] =	stream.indirect.scatter.add.f32 [tilespmem:s29], [sflag:$0x6], $0x80, s26, s5, $0xb8;
	[tilespmem:$0x1ED80] =	vst v63  }
0x150: {  	_ =	swait.ge [sflag:s30], $0x2000  }
0x151: {  	[sflag:s30] =	ssyncset.done $0x0  }
0x152: {  	[sflag:s30] =	ssyncadd.s32 $0xFFFFE000  }
0x153: {  	[spmem:s4] =	stream.indirect.scatter.add.f32 [tilespmem:s12], [sflag:$0x5], $0x1, s26, s5, $0xb8;
	[tilespmem:$0x1ED80] =	vst v63  }
0x154: {  	_ =	swait.ge [sflag:s13], $0x2000  }
0x155: {  	[sflag:s13] =	ssyncset.done $0x0  }
0x156: {  	s26 =	sadd.s32 $0x200, s25;
	[sflag:s13] =	ssyncadd.s32 $0xFFFFE000  }
0x157: {  	[tilespmem:s29], [sflag:$0x1] =	stream.indirect.gather [hbm4b:s1+s5], $0x80, s26, s5, $0xb8;
	[tilespmem:$0x1ED80] =	vst v63  }
0x158: {  	s26 =	sadd.s32 $0x1480, s25  }
0x159: {  	[spmem:s3] =	stream.indirect.scatter.add.f32 [tilespmem:s7], [sflag:$0x6], $0x80, s26, s5, $0xb8;
	[tilespmem:$0x1ED80] =	vst v63  }
0x15a: {  	_ =	swait.ge [sflag:s30], $0x2000  }
0x15b: {  	[sflag:s30] =	ssyncset.done $0x0  }
0x15c: {  	[sflag:s30] =	ssyncadd.s32 $0xFFFFE000  }
0x15d: {  	[spmem:s4] =	stream.indirect.scatter.add.f32 [tilespmem:s12], [sflag:$0x5], $0x1, s26, s5, $0xb8;
	[tilespmem:$0x1ED80] =	vst v63  }
0x15e: {  	_ =	swait.ge [sflag:s15], $0x2000  }
0x15f: {  	[sflag:s15] =	ssyncset.done $0x0  }
0x160: {  	s26 =	sadd.s32 $0x280, s25;
	[sflag:s15] =	ssyncadd.s32 $0xFFFFE000  }
0x161: {  	[tilespmem:s7], [sflag:$0x2] =	stream.indirect.gather [hbm4b:s1+s5], $0x80, s26, s5, $0xb8;
	[tilespmem:$0x1ED80] =	vst v63  }
0x162: {  	s26 =	sadd.s32 $0x1500, s25  }
0x163: {  	[spmem:s3] =	stream.indirect.scatter.add.f32 [tilespmem:s9], [sflag:$0x6], $0x80, s26, s5, $0xb8;
	[tilespmem:$0x1ED80] =	vst v63  }
0x164: {  	_ =	swait.ge [sflag:s30], $0x2000  }
0x165: {  	[sflag:s30] =	ssyncset.done $0x0  }
0x166: {  	[sflag:s30] =	ssyncadd.s32 $0xFFFFE000  }
0x167: {  	[spmem:s4] =	stream.indirect.scatter.add.f32 [tilespmem:s12], [sflag:$0x5], $0x1, s26, s5, $0xb8;
	[tilespmem:$0x1ED80] =	vst v63  }
0x168: {  	_ =	swait.ge [sflag:s16], $0x2000  }
0x169: {  	[sflag:s16] =	ssyncset.done $0x0  }
0x16a: {  	s26 =	sadd.s32 $0x300, s25;
	[sflag:s16] =	ssyncadd.s32 $0xFFFFE000  }
0x16b: {  	[tilespmem:s9], [sflag:$0x3] =	stream.indirect.gather [hbm4b:s1+s5], $0x80, s26, s5, $0xb8;
	[tilespmem:$0x1ED80] =	vst v63  }
.Ltmp3:
0x16c: {  	s25 =	sadd.s32 $0x1580, s25;
	(pc) =	sbr.rel @p0 .LBB2_8-.Ltmp3, $4  }
0x16d: {  	[spmem:s3] =	stream.indirect.scatter.add.f32 [tilespmem:s11], [sflag:$0x6], $0x80, s25, s5, $0xb8;
	[tilespmem:$0x1ED80] =	vst v63  }
0x16e: {  	_ =	swait.ge [sflag:s30], $0x2000  }
0x16f: {  	[sflag:s30] =	ssyncset.done $0x0  }
0x170: {  	[sflag:s30] =	ssyncadd.s32 $0xFFFFE000  }
0x171: {  	[spmem:s4] =	stream.indirect.scatter.add.f32 [tilespmem:s12], [sflag:$0x5], $0x1, s25, s5, $0xb8;
	[tilespmem:$0x1ED80] =	vst v63  }
0x172: {  	_ =	swait.ge [sflag:s10], $0x2000  }
0x173: {  	[sflag:s10] =	ssyncset.done $0x0  }
0x174: {  	[sflag:s10] =	ssyncadd.s32 $0xFFFFE000  }
0x175: {  	[tilespmem:s11], [sflag:$0x4] =	stream.indirect.gather [hbm4b:s1+s5], $0x80, s17, s5, $0xb8;
	[tilespmem:$0x1ED80] =	vst v63  }
0x176: {  	_ = 	snop  }
0x177: {  	[spmem:s3] =	stream.indirect.scatter.add.f32 [tilespmem:s29], [sflag:$0x6], $0x80, s18, s5, $0xb8;
	[tilespmem:$0x1ED80] =	vst v63  }
0x178: {  	_ =	swait.ge [sflag:s30], $0x2000  }
0x179: {  	[sflag:s30] =	ssyncset.done $0x0  }
0x17a: {  	[sflag:s30] =	ssyncadd.s32 $0xFFFFE000  }
0x17b: {  	[spmem:s4] =	stream.indirect.scatter.add.f32 [tilespmem:s12], [sflag:$0x5], $0x1, s18, s5, $0xb8;
	[tilespmem:$0x1ED80] =	vst v63  }
0x17c: {  	_ =	swait.ge [sflag:s13], $0x2000  }
0x17d: {  	[sflag:s13] =	ssyncset.done $0x0  }
0x17e: {  	[sflag:s13] =	ssyncadd.s32 $0xFFFFE000  }
0x17f: {  	[spmem:s3] =	stream.indirect.scatter.add.f32 [tilespmem:s7], [sflag:$0x6], $0x80, s19, s5, $0xb8;
	[tilespmem:$0x1ED80] =	vst v63  }
0x180: {  	_ =	swait.ge [sflag:s30], $0x2000  }
0x181: {  	[sflag:s30] =	ssyncset.done $0x0  }
0x182: {  	[sflag:s30] =	ssyncadd.s32 $0xFFFFE000  }
0x183: {  	[spmem:s4] =	stream.indirect.scatter.add.f32 [tilespmem:s12], [sflag:$0x5], $0x1, s19, s5, $0xb8;
	[tilespmem:$0x1ED80] =	vst v63  }
0x184: {  	_ =	swait.ge [sflag:s15], $0x2000  }
0x185: {  	[sflag:s15] =	ssyncset.done $0x0  }
0x186: {  	[sflag:s15] =	ssyncadd.s32 $0xFFFFE000  }
0x187: {  	[spmem:s3] =	stream.indirect.scatter.add.f32 [tilespmem:s9], [sflag:$0x6], $0x80, s20, s5, $0xb8;
	[tilespmem:$0x1ED80] =	vst v63  }
0x188: {  	_ =	swait.ge [sflag:s30], $0x2000  }
0x189: {  	[sflag:s30] =	ssyncset.done $0x0  }
0x18a: {  	[sflag:s30] =	ssyncadd.s32 $0xFFFFE000  }
0x18b: {  	[spmem:s4] =	stream.indirect.scatter.add.f32 [tilespmem:s12], [sflag:$0x5], $0x1, s20, s5, $0xb8;
	[tilespmem:$0x1ED80] =	vst v63  }
0x18c: {  	_ =	swait.ge [sflag:s16], $0x2000  }
0x18d: {  	[sflag:s16] =	ssyncset.done $0x0  }
0x18e: {  	[sflag:s16] =	ssyncadd.s32 $0xFFFFE000  }
0x18f: {  	[spmem:s3] =	stream.indirect.scatter.add.f32 [tilespmem:s11], [sflag:$0x6], $0x80, s21, s5, $0xb8;
	[tilespmem:$0x1ED80] =	vst v63  }
0x190: {  	_ =	swait.ge [sflag:s30], $0x2000  }
0x191: {  	[sflag:s30] =	ssyncset.done $0x0  }
0x192: {  	[sflag:s30] =	ssyncadd.s32 $0xFFFFE000  }
0x193: {  	[spmem:s4] =	stream.indirect.scatter.add.f32 [tilespmem:s12], [sflag:$0x5], $0x1, s21, s5, $0xb8;
	[tilespmem:$0x1ED80] =	vst v63  }
0x194: {  	_ =	swait.ge [sflag:s22], $0x40  }
0x195: {  	s24 =	simm.s32 $0x27;
	[sflag:s22] =	ssyncset.done $0x0  }
.LBB2_10:
0x196: {  	p0 =	sne.s32 s24, $0x1;
	s24 =	sadd.s32 $0xFFFFFFFF, s24;
	[sflag:s22] =	ssyncadd.s32 $0xFFFFFFC0  }
.Ltmp4:
0x197: {  	(pc) =	sbr.rel @p0 .LBB2_10-.Ltmp4, $3  }
0x198: {  	_ =	sdelay $0x1  }
0x199: {  	_ =	swait.ge [sflag:s22], $0x40  }
0x19a: {  	[sflag:s22] =	ssyncset.done $0x0  }
0x19b: {  	[sflag:s22] =	ssyncadd.s32 $0xFFFFFFC0;
	s24 =	simm.s32 $0x0;
	s25 =	rddreg [dreg:$0x11]  }
0x19c: {  	[tilespmem:s24], [sflag:$0x6] =	stream.linear.gather [hbm4b:s25+s24], $0x1400, $0x38;
	[tilespmem:$0x1ED80] =	vst v63  }
0x19d: {  	_ =	swait.ge [sflag:s30], $0x1400  }
0x19e: {  	[sflag:s30] =	ssyncset.done $0x0  }
0x19f: {  	s26 =	rddreg [dreg:$0x12];
	[sflag:s30] =	ssyncadd.s32 $0xFFFFEC00  }
0x1a0: {  	[tilespmem:s2], [sflag:$0x6] =	stream.linear.gather [hbm4b:s26+s24], $0x1400, $0x38;
	[tilespmem:$0x1ED80] =	vst v63  }
0x1a1: {  	_ =	swait.ge [sflag:s30], $0x1400  }
0x1a2: {  	[sflag:s30] =	ssyncset.done $0x0  }
0x1a3: {  	[sflag:s30] =	ssyncadd.s32 $0xFFFFEC00  }
0x1a4: {  	[tilespmem:s29], [sflag:$0x1] =	stream.indirect.gather [hbm4b:s1+s5], $0x80, s24, s5, $0xb8;
	[tilespmem:$0x1ED80] =	vst v63  }
0x1a5: {  	_ = 	snop  }
0x1a6: {  	[tilespmem:s7], [sflag:$0x2] =	stream.indirect.gather [hbm4b:s1+s5], $0x80, s0, s5, $0xb8;
	[tilespmem:$0x1ED80] =	vst v63  }
0x1a7: {  	_ = 	snop  }
0x1a8: {  	[tilespmem:s9], [sflag:$0x3] =	stream.indirect.gather [hbm4b:s1+s5], $0x80, s8, s5, $0xb8;
	[tilespmem:$0x1ED80] =	vst v63  }
0x1a9: {  	_ =	swait.ge [sflag:s10], $0x2000  }
0x1aa: {  	[sflag:s10] =	ssyncset.done $0x0  }
0x1ab: {  	s26 =	simm.s32 $0x180;
	[sflag:s10] =	ssyncadd.s32 $0xFFFFE000  }
0x1ac: {  	[tilespmem:s11], [sflag:$0x4] =	stream.indirect.gather [hbm4b:s1+s5], $0x80, s26, s5, $0xb8;
	[tilespmem:$0x1ED80] =	vst v63  }
0x1ad: {  	s25 =	simm.s32 $0x1400  }
0x1ae: {  	[spmem:s3] =	stream.indirect.scatter.add.f32 [tilespmem:s29], [sflag:$0x6], $0x80, s25, s5, $0xb8;
	[tilespmem:$0x1ED80] =	vst v63  }
0x1af: {  	_ =	swait.ge [sflag:s30], $0x2000  }
0x1b0: {  	[sflag:s30] =	ssyncset.done $0x0  }
0x1b1: {  	[sflag:s30] =	ssyncadd.s32 $0xFFFFE000  }
0x1b2: {  	[spmem:s4] =	stream.indirect.scatter.add.f32 [tilespmem:s12], [sflag:$0x5], $0x1, s25, s5, $0xb8;
	[tilespmem:$0x1ED80] =	vst v63  }
0x1b3: {  	_ =	swait.ge [sflag:s13], $0x2000  }
0x1b4: {  	[sflag:s13] =	ssyncset.done $0x0  }
0x1b5: {  	s26 =	simm.s32 $0x200;
	[sflag:s13] =	ssyncadd.s32 $0xFFFFE000  }
0x1b6: {  	[tilespmem:s29], [sflag:$0x1] =	stream.indirect.gather [hbm4b:s1+s5], $0x80, s26, s5, $0xb8;
	[tilespmem:$0x1ED80] =	vst v63  }
0x1b7: {  	s25 =	simm.s32 $0x1480  }
0x1b8: {  	[spmem:s3] =	stream.indirect.scatter.add.f32 [tilespmem:s7], [sflag:$0x6], $0x80, s25, s5, $0xb8;
	[tilespmem:$0x1ED80] =	vst v63  }
0x1b9: {  	_ =	swait.ge [sflag:s30], $0x2000  }
0x1ba: {  	[sflag:s30] =	ssyncset.done $0x0  }
0x1bb: {  	[sflag:s30] =	ssyncadd.s32 $0xFFFFE000  }
0x1bc: {  	[spmem:s4] =	stream.indirect.scatter.add.f32 [tilespmem:s12], [sflag:$0x5], $0x1, s25, s5, $0xb8;
	[tilespmem:$0x1ED80] =	vst v63  }
0x1bd: {  	_ =	swait.ge [sflag:s15], $0x2000  }
0x1be: {  	[sflag:s15] =	ssyncset.done $0x0  }
0x1bf: {  	s26 =	simm.s32 $0x280;
	[sflag:s15] =	ssyncadd.s32 $0xFFFFE000  }
0x1c0: {  	[tilespmem:s7], [sflag:$0x2] =	stream.indirect.gather [hbm4b:s1+s5], $0x80, s26, s5, $0xb8;
	[tilespmem:$0x1ED80] =	vst v63  }
0x1c1: {  	s25 =	simm.s32 $0x1500  }
0x1c2: {  	[spmem:s3] =	stream.indirect.scatter.add.f32 [tilespmem:s9], [sflag:$0x6], $0x80, s25, s5, $0xb8;
	[tilespmem:$0x1ED80] =	vst v63  }
0x1c3: {  	_ =	swait.ge [sflag:s30], $0x2000  }
0x1c4: {  	[sflag:s30] =	ssyncset.done $0x0  }
0x1c5: {  	[sflag:s30] =	ssyncadd.s32 $0xFFFFE000  }
0x1c6: {  	[spmem:s4] =	stream.indirect.scatter.add.f32 [tilespmem:s12], [sflag:$0x5], $0x1, s25, s5, $0xb8;
	[tilespmem:$0x1ED80] =	vst v63  }
0x1c7: {  	_ =	swait.ge [sflag:s16], $0x2000  }
0x1c8: {  	[sflag:s16] =	ssyncset.done $0x0  }
0x1c9: {  	s26 =	simm.s32 $0x300;
	[sflag:s16] =	ssyncadd.s32 $0xFFFFE000  }
0x1ca: {  	[tilespmem:s9], [sflag:$0x3] =	stream.indirect.gather [hbm4b:s1+s5], $0x80, s26, s5, $0xb8;
	[tilespmem:$0x1ED80] =	vst v63  }
0x1cb: {  	s25 =	simm.s32 $0x1580  }
0x1cc: {  	[spmem:s3] =	stream.indirect.scatter.add.f32 [tilespmem:s11], [sflag:$0x6], $0x80, s25, s5, $0xb8;
	[tilespmem:$0x1ED80] =	vst v63  }
0x1cd: {  	_ =	swait.ge [sflag:s30], $0x2000  }
0x1ce: {  	[sflag:s30] =	ssyncset.done $0x0  }
0x1cf: {  	s24 =	simm.s32 $0x800;
	[sflag:s30] =	ssyncadd.s32 $0xFFFFE000  }
.LBB2_12:
0x1d0: {  	[spmem:s4] =	stream.indirect.scatter.add.f32 [tilespmem:s12], [sflag:$0x5], $0x1, s25, s5, $0xb8;
	[tilespmem:$0x1ED80] =	vst v63  }
0x1d1: {  	s25 =	smov.u32 s24  }
0x1d2: {  	p0 =	sne.s32 s24, $0x4000;
	s24 =	sadd.s32 $0x800, s24;
	_ =	swait.ge [sflag:s10], $0x2000  }
0x1d3: {  	s25 =	sshra.s32 s25, $0x2;
	[sflag:s10] =	ssyncset.done $0x0  }
0x1d4: {  	s26 =	sadd.s32 $0x180, s25;
	[sflag:s10] =	ssyncadd.s32 $0xFFFFE000  }
0x1d5: {  	[tilespmem:s11], [sflag:$0x4] =	stream.indirect.gather [hbm4b:s1+s5], $0x80, s26, s5, $0xb8;
	[tilespmem:$0x1ED80] =	vst v63  }
0x1d6: {  	s26 =	sadd.s32 $0x1400, s25  }
0x1d7: {  	[spmem:s3] =	stream.indirect.scatter.add.f32 [tilespmem:s29], [sflag:$0x6], $0x80, s26, s5, $0xb8;
	[tilespmem:$0x1ED80] =	vst v63  }
0x1d8: {  	_ =	swait.ge [sflag:s30], $0x2000  }
0x1d9: {  	[sflag:s30] =	ssyncset.done $0x0  }
0x1da: {  	[sflag:s30] =	ssyncadd.s32 $0xFFFFE000  }
0x1db: {  	[spmem:s4] =	stream.indirect.scatter.add.f32 [tilespmem:s12], [sflag:$0x5], $0x1, s26, s5, $0xb8;
	[tilespmem:$0x1ED80] =	vst v63  }
0x1dc: {  	_ =	swait.ge [sflag:s13], $0x2000  }
0x1dd: {  	[sflag:s13] =	ssyncset.done $0x0  }
0x1de: {  	s26 =	sadd.s32 $0x200, s25;
	[sflag:s13] =	ssyncadd.s32 $0xFFFFE000  }
0x1df: {  	[tilespmem:s29], [sflag:$0x1] =	stream.indirect.gather [hbm4b:s1+s5], $0x80, s26, s5, $0xb8;
	[tilespmem:$0x1ED80] =	vst v63  }
0x1e0: {  	s26 =	sadd.s32 $0x1480, s25  }
0x1e1: {  	[spmem:s3] =	stream.indirect.scatter.add.f32 [tilespmem:s7], [sflag:$0x6], $0x80, s26, s5, $0xb8;
	[tilespmem:$0x1ED80] =	vst v63  }
0x1e2: {  	_ =	swait.ge [sflag:s30], $0x2000  }
0x1e3: {  	[sflag:s30] =	ssyncset.done $0x0  }
0x1e4: {  	[sflag:s30] =	ssyncadd.s32 $0xFFFFE000  }
0x1e5: {  	[spmem:s4] =	stream.indirect.scatter.add.f32 [tilespmem:s12], [sflag:$0x5], $0x1, s26, s5, $0xb8;
	[tilespmem:$0x1ED80] =	vst v63  }
0x1e6: {  	_ =	swait.ge [sflag:s15], $0x2000  }
0x1e7: {  	[sflag:s15] =	ssyncset.done $0x0  }
0x1e8: {  	s26 =	sadd.s32 $0x280, s25;
	[sflag:s15] =	ssyncadd.s32 $0xFFFFE000  }
0x1e9: {  	[tilespmem:s7], [sflag:$0x2] =	stream.indirect.gather [hbm4b:s1+s5], $0x80, s26, s5, $0xb8;
	[tilespmem:$0x1ED80] =	vst v63  }
0x1ea: {  	s26 =	sadd.s32 $0x1500, s25  }
0x1eb: {  	[spmem:s3] =	stream.indirect.scatter.add.f32 [tilespmem:s9], [sflag:$0x6], $0x80, s26, s5, $0xb8;
	[tilespmem:$0x1ED80] =	vst v63  }
0x1ec: {  	_ =	swait.ge [sflag:s30], $0x2000  }
0x1ed: {  	[sflag:s30] =	ssyncset.done $0x0  }
0x1ee: {  	[sflag:s30] =	ssyncadd.s32 $0xFFFFE000  }
0x1ef: {  	[spmem:s4] =	stream.indirect.scatter.add.f32 [tilespmem:s12], [sflag:$0x5], $0x1, s26, s5, $0xb8;
	[tilespmem:$0x1ED80] =	vst v63  }
0x1f0: {  	_ =	swait.ge [sflag:s16], $0x2000  }
0x1f1: {  	[sflag:s16] =	ssyncset.done $0x0  }
0x1f2: {  	s26 =	sadd.s32 $0x300, s25;
	[sflag:s16] =	ssyncadd.s32 $0xFFFFE000  }
0x1f3: {  	[tilespmem:s9], [sflag:$0x3] =	stream.indirect.gather [hbm4b:s1+s5], $0x80, s26, s5, $0xb8;
	[tilespmem:$0x1ED80] =	vst v63  }
.Ltmp5:
0x1f4: {  	s25 =	sadd.s32 $0x1580, s25;
	(pc) =	sbr.rel @p0 .LBB2_12-.Ltmp5, $4  }
0x1f5: {  	[spmem:s3] =	stream.indirect.scatter.add.f32 [tilespmem:s11], [sflag:$0x6], $0x80, s25, s5, $0xb8;
	[tilespmem:$0x1ED80] =	vst v63  }
0x1f6: {  	_ =	swait.ge [sflag:s30], $0x2000  }
0x1f7: {  	[sflag:s30] =	ssyncset.done $0x0  }
0x1f8: {  	[sflag:s30] =	ssyncadd.s32 $0xFFFFE000  }
0x1f9: {  	[spmem:s4] =	stream.indirect.scatter.add.f32 [tilespmem:s12], [sflag:$0x5], $0x1, s25, s5, $0xb8;
	[tilespmem:$0x1ED80] =	vst v63  }
0x1fa: {  	_ =	swait.ge [sflag:s10], $0x2000  }
0x1fb: {  	[sflag:s10] =	ssyncset.done $0x0  }
0x1fc: {  	[sflag:s10] =	ssyncadd.s32 $0xFFFFE000  }
0x1fd: {  	[tilespmem:s11], [sflag:$0x4] =	stream.indirect.gather [hbm4b:s1+s5], $0x80, s17, s5, $0xb8;
	[tilespmem:$0x1ED80] =	vst v63  }
0x1fe: {  	_ = 	snop  }
0x1ff: {  	[spmem:s3] =	stream.indirect.scatter.add.f32 [tilespmem:s29], [sflag:$0x6], $0x80, s18, s5, $0xb8;
	[tilespmem:$0x1ED80] =	vst v63  }
0x200: {  	_ =	swait.ge [sflag:s30], $0x2000  }
0x201: {  	[sflag:s30] =	ssyncset.done $0x0  }
0x202: {  	[sflag:s30] =	ssyncadd.s32 $0xFFFFE000  }
0x203: {  	[spmem:s4] =	stream.indirect.scatter.add.f32 [tilespmem:s12], [sflag:$0x5], $0x1, s18, s5, $0xb8;
	[tilespmem:$0x1ED80] =	vst v63  }
0x204: {  	_ =	swait.ge [sflag:s13], $0x2000  }
0x205: {  	[sflag:s13] =	ssyncset.done $0x0  }
0x206: {  	[sflag:s13] =	ssyncadd.s32 $0xFFFFE000  }
0x207: {  	[spmem:s3] =	stream.indirect.scatter.add.f32 [tilespmem:s7], [sflag:$0x6], $0x80, s19, s5, $0xb8;
	[tilespmem:$0x1ED80] =	vst v63  }
0x208: {  	_ =	swait.ge [sflag:s30], $0x2000  }
0x209: {  	[sflag:s30] =	ssyncset.done $0x0  }
0x20a: {  	[sflag:s30] =	ssyncadd.s32 $0xFFFFE000  }
0x20b: {  	[spmem:s4] =	stream.indirect.scatter.add.f32 [tilespmem:s12], [sflag:$0x5], $0x1, s19, s5, $0xb8;
	[tilespmem:$0x1ED80] =	vst v63  }
0x20c: {  	_ =	swait.ge [sflag:s15], $0x2000  }
0x20d: {  	[sflag:s15] =	ssyncset.done $0x0  }
0x20e: {  	[sflag:s15] =	ssyncadd.s32 $0xFFFFE000  }
0x20f: {  	[spmem:s3] =	stream.indirect.scatter.add.f32 [tilespmem:s9], [sflag:$0x6], $0x80, s20, s5, $0xb8;
	[tilespmem:$0x1ED80] =	vst v63  }
0x210: {  	_ =	swait.ge [sflag:s30], $0x2000  }
0x211: {  	[sflag:s30] =	ssyncset.done $0x0  }
0x212: {  	[sflag:s30] =	ssyncadd.s32 $0xFFFFE000  }
0x213: {  	[spmem:s4] =	stream.indirect.scatter.add.f32 [tilespmem:s12], [sflag:$0x5], $0x1, s20, s5, $0xb8;
	[tilespmem:$0x1ED80] =	vst v63  }
0x214: {  	_ =	swait.ge [sflag:s16], $0x2000  }
0x215: {  	[sflag:s16] =	ssyncset.done $0x0  }
0x216: {  	[sflag:s16] =	ssyncadd.s32 $0xFFFFE000  }
0x217: {  	[spmem:s3] =	stream.indirect.scatter.add.f32 [tilespmem:s11], [sflag:$0x6], $0x80, s21, s5, $0xb8;
	[tilespmem:$0x1ED80] =	vst v63  }
0x218: {  	_ =	swait.ge [sflag:s30], $0x2000  }
0x219: {  	[sflag:s30] =	ssyncset.done $0x0  }
0x21a: {  	[sflag:s30] =	ssyncadd.s32 $0xFFFFE000  }
0x21b: {  	[spmem:s4] =	stream.indirect.scatter.add.f32 [tilespmem:s12], [sflag:$0x5], $0x1, s21, s5, $0xb8;
	[tilespmem:$0x1ED80] =	vst v63  }
0x21c: {  	_ =	swait.ge [sflag:s22], $0x40  }
0x21d: {  	s24 =	simm.s32 $0x27;
	[sflag:s22] =	ssyncset.done $0x0  }
.LBB2_14:
0x21e: {  	p0 =	sne.s32 s24, $0x1;
	s24 =	sadd.s32 $0xFFFFFFFF, s24;
	[sflag:s22] =	ssyncadd.s32 $0xFFFFFFC0  }
.Ltmp6:
0x21f: {  	(pc) =	sbr.rel @p0 .LBB2_14-.Ltmp6, $3  }
0x220: {  	_ =	sdelay $0x1  }
0x221: {  	_ =	swait.ge [sflag:s22], $0x40  }
0x222: {  	[sflag:s22] =	ssyncset.done $0x0  }
0x223: {  	[sflag:s22] =	ssyncadd.s32 $0xFFFFFFC0;
	s24 =	simm.s32 $0x0;
	s25 =	rddreg [dreg:$0x14]  }
0x224: {  	[tilespmem:s24], [sflag:$0x6] =	stream.linear.gather [hbm4b:s25+s24], $0x1400, $0x38;
	[tilespmem:$0x1ED80] =	vst v63  }
0x225: {  	_ =	swait.ge [sflag:s30], $0x1400  }
0x226: {  	[sflag:s30] =	ssyncset.done $0x0  }
0x227: {  	s26 =	rddreg [dreg:$0x15];
	[sflag:s30] =	ssyncadd.s32 $0xFFFFEC00  }
0x228: {  	[tilespmem:s2], [sflag:$0x6] =	stream.linear.gather [hbm4b:s26+s24], $0x1400, $0x38;
	[tilespmem:$0x1ED80] =	vst v63  }
0x229: {  	_ =	swait.ge [sflag:s30], $0x1400  }
0x22a: {  	[sflag:s30] =	ssyncset.done $0x0  }
0x22b: {  	[sflag:s30] =	ssyncadd.s32 $0xFFFFEC00  }
0x22c: {  	[tilespmem:s29], [sflag:$0x1] =	stream.indirect.gather [hbm4b:s1+s5], $0x80, s24, s5, $0xb8;
	[tilespmem:$0x1ED80] =	vst v63  }
0x22d: {  	_ = 	snop  }
0x22e: {  	[tilespmem:s7], [sflag:$0x2] =	stream.indirect.gather [hbm4b:s1+s5], $0x80, s0, s5, $0xb8;
	[tilespmem:$0x1ED80] =	vst v63  }
0x22f: {  	_ = 	snop  }
0x230: {  	[tilespmem:s9], [sflag:$0x3] =	stream.indirect.gather [hbm4b:s1+s5], $0x80, s8, s5, $0xb8;
	[tilespmem:$0x1ED80] =	vst v63  }
0x231: {  	_ =	swait.ge [sflag:s10], $0x2000  }
0x232: {  	[sflag:s10] =	ssyncset.done $0x0  }
0x233: {  	s26 =	simm.s32 $0x180;
	[sflag:s10] =	ssyncadd.s32 $0xFFFFE000  }
0x234: {  	[tilespmem:s11], [sflag:$0x4] =	stream.indirect.gather [hbm4b:s1+s5], $0x80, s26, s5, $0xb8;
	[tilespmem:$0x1ED80] =	vst v63  }
0x235: {  	s25 =	simm.s32 $0x1400  }
0x236: {  	[spmem:s3] =	stream.indirect.scatter.add.f32 [tilespmem:s29], [sflag:$0x6], $0x80, s25, s5, $0xb8;
	[tilespmem:$0x1ED80] =	vst v63  }
0x237: {  	_ =	swait.ge [sflag:s30], $0x2000  }
0x238: {  	[sflag:s30] =	ssyncset.done $0x0  }
0x239: {  	[sflag:s30] =	ssyncadd.s32 $0xFFFFE000  }
0x23a: {  	[spmem:s4] =	stream.indirect.scatter.add.f32 [tilespmem:s12], [sflag:$0x5], $0x1, s25, s5, $0xb8;
	[tilespmem:$0x1ED80] =	vst v63  }
0x23b: {  	_ =	swait.ge [sflag:s13], $0x2000  }
0x23c: {  	[sflag:s13] =	ssyncset.done $0x0  }
0x23d: {  	s26 =	simm.s32 $0x200;
	[sflag:s13] =	ssyncadd.s32 $0xFFFFE000  }
0x23e: {  	[tilespmem:s29], [sflag:$0x1] =	stream.indirect.gather [hbm4b:s1+s5], $0x80, s26, s5, $0xb8;
	[tilespmem:$0x1ED80] =	vst v63  }
0x23f: {  	s25 =	simm.s32 $0x1480  }
0x240: {  	[spmem:s3] =	stream.indirect.scatter.add.f32 [tilespmem:s7], [sflag:$0x6], $0x80, s25, s5, $0xb8;
	[tilespmem:$0x1ED80] =	vst v63  }
0x241: {  	_ =	swait.ge [sflag:s30], $0x2000  }
0x242: {  	[sflag:s30] =	ssyncset.done $0x0  }
0x243: {  	[sflag:s30] =	ssyncadd.s32 $0xFFFFE000  }
0x244: {  	[spmem:s4] =	stream.indirect.scatter.add.f32 [tilespmem:s12], [sflag:$0x5], $0x1, s25, s5, $0xb8;
	[tilespmem:$0x1ED80] =	vst v63  }
0x245: {  	_ =	swait.ge [sflag:s15], $0x2000  }
0x246: {  	[sflag:s15] =	ssyncset.done $0x0  }
0x247: {  	s26 =	simm.s32 $0x280;
	[sflag:s15] =	ssyncadd.s32 $0xFFFFE000  }
0x248: {  	[tilespmem:s7], [sflag:$0x2] =	stream.indirect.gather [hbm4b:s1+s5], $0x80, s26, s5, $0xb8;
	[tilespmem:$0x1ED80] =	vst v63  }
0x249: {  	s25 =	simm.s32 $0x1500  }
0x24a: {  	[spmem:s3] =	stream.indirect.scatter.add.f32 [tilespmem:s9], [sflag:$0x6], $0x80, s25, s5, $0xb8;
	[tilespmem:$0x1ED80] =	vst v63  }
0x24b: {  	_ =	swait.ge [sflag:s30], $0x2000  }
0x24c: {  	[sflag:s30] =	ssyncset.done $0x0  }
0x24d: {  	[sflag:s30] =	ssyncadd.s32 $0xFFFFE000  }
0x24e: {  	[spmem:s4] =	stream.indirect.scatter.add.f32 [tilespmem:s12], [sflag:$0x5], $0x1, s25, s5, $0xb8;
	[tilespmem:$0x1ED80] =	vst v63  }
0x24f: {  	_ =	swait.ge [sflag:s16], $0x2000  }
0x250: {  	[sflag:s16] =	ssyncset.done $0x0  }
0x251: {  	s26 =	simm.s32 $0x300;
	[sflag:s16] =	ssyncadd.s32 $0xFFFFE000  }
0x252: {  	[tilespmem:s9], [sflag:$0x3] =	stream.indirect.gather [hbm4b:s1+s5], $0x80, s26, s5, $0xb8;
	[tilespmem:$0x1ED80] =	vst v63  }
0x253: {  	s25 =	simm.s32 $0x1580  }
0x254: {  	[spmem:s3] =	stream.indirect.scatter.add.f32 [tilespmem:s11], [sflag:$0x6], $0x80, s25, s5, $0xb8;
	[tilespmem:$0x1ED80] =	vst v63  }
0x255: {  	_ =	swait.ge [sflag:s30], $0x2000  }
0x256: {  	[sflag:s30] =	ssyncset.done $0x0  }
0x257: {  	s24 =	simm.s32 $0x800;
	[sflag:s30] =	ssyncadd.s32 $0xFFFFE000  }
.LBB2_16:
0x258: {  	[spmem:s4] =	stream.indirect.scatter.add.f32 [tilespmem:s12], [sflag:$0x5], $0x1, s25, s5, $0xb8;
	[tilespmem:$0x1ED80] =	vst v63  }
0x259: {  	s25 =	smov.u32 s24  }
0x25a: {  	p0 =	sne.s32 s24, $0x4000;
	s24 =	sadd.s32 $0x800, s24;
	_ =	swait.ge [sflag:s10], $0x2000  }
0x25b: {  	s25 =	sshra.s32 s25, $0x2;
	[sflag:s10] =	ssyncset.done $0x0  }
0x25c: {  	s26 =	sadd.s32 $0x180, s25;
	[sflag:s10] =	ssyncadd.s32 $0xFFFFE000  }
0x25d: {  	[tilespmem:s11], [sflag:$0x4] =	stream.indirect.gather [hbm4b:s1+s5], $0x80, s26, s5, $0xb8;
	[tilespmem:$0x1ED80] =	vst v63  }
0x25e: {  	s26 =	sadd.s32 $0x1400, s25  }
0x25f: {  	[spmem:s3] =	stream.indirect.scatter.add.f32 [tilespmem:s29], [sflag:$0x6], $0x80, s26, s5, $0xb8;
	[tilespmem:$0x1ED80] =	vst v63  }
0x260: {  	_ =	swait.ge [sflag:s30], $0x2000  }
0x261: {  	[sflag:s30] =	ssyncset.done $0x0  }
0x262: {  	[sflag:s30] =	ssyncadd.s32 $0xFFFFE000  }
0x263: {  	[spmem:s4] =	stream.indirect.scatter.add.f32 [tilespmem:s12], [sflag:$0x5], $0x1, s26, s5, $0xb8;
	[tilespmem:$0x1ED80] =	vst v63  }
0x264: {  	_ =	swait.ge [sflag:s13], $0x2000  }
0x265: {  	[sflag:s13] =	ssyncset.done $0x0  }
0x266: {  	s26 =	sadd.s32 $0x200, s25;
	[sflag:s13] =	ssyncadd.s32 $0xFFFFE000  }
0x267: {  	[tilespmem:s29], [sflag:$0x1] =	stream.indirect.gather [hbm4b:s1+s5], $0x80, s26, s5, $0xb8;
	[tilespmem:$0x1ED80] =	vst v63  }
0x268: {  	s26 =	sadd.s32 $0x1480, s25  }
0x269: {  	[spmem:s3] =	stream.indirect.scatter.add.f32 [tilespmem:s7], [sflag:$0x6], $0x80, s26, s5, $0xb8;
	[tilespmem:$0x1ED80] =	vst v63  }
0x26a: {  	_ =	swait.ge [sflag:s30], $0x2000  }
0x26b: {  	[sflag:s30] =	ssyncset.done $0x0  }
0x26c: {  	[sflag:s30] =	ssyncadd.s32 $0xFFFFE000  }
0x26d: {  	[spmem:s4] =	stream.indirect.scatter.add.f32 [tilespmem:s12], [sflag:$0x5], $0x1, s26, s5, $0xb8;
	[tilespmem:$0x1ED80] =	vst v63  }
0x26e: {  	_ =	swait.ge [sflag:s15], $0x2000  }
0x26f: {  	[sflag:s15] =	ssyncset.done $0x0  }
0x270: {  	s26 =	sadd.s32 $0x280, s25;
	[sflag:s15] =	ssyncadd.s32 $0xFFFFE000  }
0x271: {  	[tilespmem:s7], [sflag:$0x2] =	stream.indirect.gather [hbm4b:s1+s5], $0x80, s26, s5, $0xb8;
	[tilespmem:$0x1ED80] =	vst v63  }
0x272: {  	s26 =	sadd.s32 $0x1500, s25  }
0x273: {  	[spmem:s3] =	stream.indirect.scatter.add.f32 [tilespmem:s9], [sflag:$0x6], $0x80, s26, s5, $0xb8;
	[tilespmem:$0x1ED80] =	vst v63  }
0x274: {  	_ =	swait.ge [sflag:s30], $0x2000  }
0x275: {  	[sflag:s30] =	ssyncset.done $0x0  }
0x276: {  	[sflag:s30] =	ssyncadd.s32 $0xFFFFE000  }
0x277: {  	[spmem:s4] =	stream.indirect.scatter.add.f32 [tilespmem:s12], [sflag:$0x5], $0x1, s26, s5, $0xb8;
	[tilespmem:$0x1ED80] =	vst v63  }
0x278: {  	_ =	swait.ge [sflag:s16], $0x2000  }
0x279: {  	[sflag:s16] =	ssyncset.done $0x0  }
0x27a: {  	s26 =	sadd.s32 $0x300, s25;
	[sflag:s16] =	ssyncadd.s32 $0xFFFFE000  }
0x27b: {  	[tilespmem:s9], [sflag:$0x3] =	stream.indirect.gather [hbm4b:s1+s5], $0x80, s26, s5, $0xb8;
	[tilespmem:$0x1ED80] =	vst v63  }
.Ltmp7:
0x27c: {  	s25 =	sadd.s32 $0x1580, s25;
	(pc) =	sbr.rel @p0 .LBB2_16-.Ltmp7, $4  }
0x27d: {  	[spmem:s3] =	stream.indirect.scatter.add.f32 [tilespmem:s11], [sflag:$0x6], $0x80, s25, s5, $0xb8;
	[tilespmem:$0x1ED80] =	vst v63  }
0x27e: {  	_ =	swait.ge [sflag:s30], $0x2000  }
0x27f: {  	[sflag:s30] =	ssyncset.done $0x0  }
0x280: {  	[sflag:s30] =	ssyncadd.s32 $0xFFFFE000  }
0x281: {  	[spmem:s4] =	stream.indirect.scatter.add.f32 [tilespmem:s12], [sflag:$0x5], $0x1, s25, s5, $0xb8;
	[tilespmem:$0x1ED80] =	vst v63  }
0x282: {  	_ =	swait.ge [sflag:s10], $0x2000  }
0x283: {  	[sflag:s10] =	ssyncset.done $0x0  }
0x284: {  	[sflag:s10] =	ssyncadd.s32 $0xFFFFE000  }
0x285: {  	[tilespmem:s11], [sflag:$0x4] =	stream.indirect.gather [hbm4b:s1+s5], $0x80, s17, s5, $0xb8;
	[tilespmem:$0x1ED80] =	vst v63  }
0x286: {  	_ = 	snop  }
0x287: {  	[spmem:s3] =	stream.indirect.scatter.add.f32 [tilespmem:s29], [sflag:$0x6], $0x80, s18, s5, $0xb8;
	[tilespmem:$0x1ED80] =	vst v63  }
0x288: {  	_ =	swait.ge [sflag:s30], $0x2000  }
0x289: {  	[sflag:s30] =	ssyncset.done $0x0  }
0x28a: {  	[sflag:s30] =	ssyncadd.s32 $0xFFFFE000  }
0x28b: {  	[spmem:s4] =	stream.indirect.scatter.add.f32 [tilespmem:s12], [sflag:$0x5], $0x1, s18, s5, $0xb8;
	[tilespmem:$0x1ED80] =	vst v63  }
0x28c: {  	_ =	swait.ge [sflag:s13], $0x2000  }
0x28d: {  	[sflag:s13] =	ssyncset.done $0x0  }
0x28e: {  	[sflag:s13] =	ssyncadd.s32 $0xFFFFE000  }
0x28f: {  	[spmem:s3] =	stream.indirect.scatter.add.f32 [tilespmem:s7], [sflag:$0x6], $0x80, s19, s5, $0xb8;
	[tilespmem:$0x1ED80] =	vst v63  }
0x290: {  	_ =	swait.ge [sflag:s30], $0x2000  }
0x291: {  	[sflag:s30] =	ssyncset.done $0x0  }
0x292: {  	[sflag:s30] =	ssyncadd.s32 $0xFFFFE000  }
0x293: {  	[spmem:s4] =	stream.indirect.scatter.add.f32 [tilespmem:s12], [sflag:$0x5], $0x1, s19, s5, $0xb8;
	[tilespmem:$0x1ED80] =	vst v63  }
0x294: {  	_ =	swait.ge [sflag:s15], $0x2000  }
0x295: {  	[sflag:s15] =	ssyncset.done $0x0  }
0x296: {  	[sflag:s15] =	ssyncadd.s32 $0xFFFFE000  }
0x297: {  	[spmem:s3] =	stream.indirect.scatter.add.f32 [tilespmem:s9], [sflag:$0x6], $0x80, s20, s5, $0xb8;
	[tilespmem:$0x1ED80] =	vst v63  }
0x298: {  	_ =	swait.ge [sflag:s30], $0x2000  }
0x299: {  	[sflag:s30] =	ssyncset.done $0x0  }
0x29a: {  	[sflag:s30] =	ssyncadd.s32 $0xFFFFE000  }
0x29b: {  	[spmem:s4] =	stream.indirect.scatter.add.f32 [tilespmem:s12], [sflag:$0x5], $0x1, s20, s5, $0xb8;
	[tilespmem:$0x1ED80] =	vst v63  }
0x29c: {  	_ =	swait.ge [sflag:s16], $0x2000  }
0x29d: {  	[sflag:s16] =	ssyncset.done $0x0  }
0x29e: {  	[sflag:s16] =	ssyncadd.s32 $0xFFFFE000  }
0x29f: {  	[spmem:s3] =	stream.indirect.scatter.add.f32 [tilespmem:s11], [sflag:$0x6], $0x80, s21, s5, $0xb8;
	[tilespmem:$0x1ED80] =	vst v63  }
0x2a0: {  	_ =	swait.ge [sflag:s30], $0x2000  }
0x2a1: {  	[sflag:s30] =	ssyncset.done $0x0  }
0x2a2: {  	[sflag:s30] =	ssyncadd.s32 $0xFFFFE000  }
0x2a3: {  	[spmem:s4] =	stream.indirect.scatter.add.f32 [tilespmem:s12], [sflag:$0x5], $0x1, s21, s5, $0xb8;
	[tilespmem:$0x1ED80] =	vst v63  }
0x2a4: {  	_ =	swait.ge [sflag:s22], $0x40  }
0x2a5: {  	s24 =	simm.s32 $0x27;
	[sflag:s22] =	ssyncset.done $0x0  }
.LBB2_18:
0x2a6: {  	p0 =	sne.s32 s24, $0x1;
	s24 =	sadd.s32 $0xFFFFFFFF, s24;
	[sflag:s22] =	ssyncadd.s32 $0xFFFFFFC0  }
.Ltmp8:
0x2a7: {  	(pc) =	sbr.rel @p0 .LBB2_18-.Ltmp8, $3  }
0x2a8: {  	_ =	sdelay $0x1  }
0x2a9: {  	_ =	swait.ge [sflag:s22], $0x40  }
0x2aa: {  	[sflag:s22] =	ssyncset.done $0x0  }
0x2ab: {  	[sflag:s22] =	ssyncadd.s32 $0xFFFFFFC0;
	s24 =	stileid.u32  }
0x2ac: {  	s24 =	sshll.u32 s24, $0x6;
	[bflag:$0x0] =	sbarrier.arrive $0xFFFF  }
0x2ad: {  	s25 =	sshrl.u32 s6, $0x3;
	s24 =	sor.u32 $0x1C06, s24;
	s26 =	rddreg [dreg:$0x16]  }
0x2ae: {  	[hbm:s26], [sflag:s24] =	dma.local [spmem:s25], $0x2800  }
0x2af: {  	_ =	swait.ge [sflag:s30], $0x2800  }
0x2b0: {  	[sflag:s30] =	ssyncset.done $0x0  }
0x2b1: {  	[sflag:s30] =	ssyncadd.s32 $0xFFFFD800  }
0x2b2: {  	[tilespmem:s31], [sflag:$0x6] =	stream.linear.gather [spmem:s14], $0x280, $0x38;
	[tilespmem:$0x1ED80] =	vst v63  }
0x2b3: {  	_ =	swait.ge [sflag:s30], $0x280  }
0x2b4: {  	[sflag:s30] =	ssyncset.done $0x0  }
0x2b5: {  	s25 =	simm.s32 $0x0;
	s26 =	rddreg [dreg:$0x13];
	[sflag:s30] =	ssyncadd.s32 $0xFFFFFD80  }
0x2b6: {  	[hbm4b:s26+s25] =	stream.linear.scatter [tilespmem:s31], [sflag:$0x6], $0x280, $0x38;
	[tilespmem:$0x1ED80] =	vst v63  }
0x2b7: {  	_ =	swait.ge [sflag:s30], $0x280  }
0x2b8: {  	s23 =	sadd.s32 $0x1, s23;
	s26 =	rddreg [dreg:$0x17]  }
0x2b9: {  	p0 =	sne.s32 s23, s26  }
.Ltmp9:
0x2ba: {  	_ = 	snop;
	(pc) =	sbr.rel @p0 .LBB2_1-.Ltmp9, $3  }
0x2bb: {  	_ =	sdelay $0x1  }
0x2bc: {  	[sflag:s30] =	ssyncset.done $0x0  }
0x2bd: {  	[sflag:s30] =	ssyncadd.s32 $0xFFFFFD80  }
0x2be: {  	_ =	sfence.sel $0x180000  }
0x2bf: {  	[bflag:$0x0] =	sbarrier.arrive $0xFFFF  }
0x2c0: {  	_ =	strace $0x90000047  }
0x2c1: {  	s0 =	stileid.u32;
	[bflag:$0x2] =	sbarrier.arrive $0xFFFF  }
0x2c2: {  	p0 =	sne.s32 s0, $0x0;
	s0 =	rddreg [dreg:$0x5]  }
0x2c3: {  	s0 =	sadd.s32 @!p0 $0x100000, s0  }
0x2c4: {  	[sflag:s0] =	ssyncadd.tile.s32 @!p0 $0x1;
	_ =	shalt  }
.Lfunc_end2:
_tile_overlayer_lowered:
.L_overlay_start_2:
0x2c5: {  	(tag) =	ssettag $0x2  }
0x2c6: {  	s0 =	rddreg [dreg:$0x0];
	s2 =	stileid.u32  }
0x2c7: {  	s1 =	rddreg [dreg:$0x1];
	p0 =	sne.s32 s2, $0x0  }
0x2c8: {  	s3 =	rddreg [dreg:$0x2];
	[bflag:$0x3] =	sbarrier.arrive $0xFFFF;
	s2 =	simm.s32 @!p0 $0x1C06  }
0x2c9: {  	[timem:s3], [sflag:s2] =	dma.local @!p0 [hbm:s0], s1  }
0x2ca: {  	s0 =	simm.s32 @!p0 $0x6  }
0x2cb: {  	_ =	swait.ge @!p0 [sflag:s0], s1  }
0x2cc: {  	s1 =	ssub.s32 @!p0 $0x0, s1;
	[sflag:s0] =	ssyncset.done @!p0 $0x0  }
0x2cd: {  	[sflag:s0] =	ssyncadd.s32 @!p0 s1  }
0x2ce: {  	[bflag:$0x3] =	sbarrier.arrive $0xFFFF  }
0x2cf: {  	_ =	shalt  }

</sc_bundles>
